<compile_context>
chip_gen: v7x
topology: tpu7x:2x2x1
jax: 0.10.2.dev20260603
libtpu: 0.0.44.dev20260713+nightly
codegen_flags: <defaults>
</compile_context>

<pallas_src>
import functools

import jax
import jax.numpy as jnp
from jax import lax
from jax.experimental import pallas as pl
from jax.experimental.pallas import tpu as pltpu
from jax.experimental.pallas import tpu_sc as plsc

_PAD = 0
_NUM_EMB = 256
_D = 128
_B = 4096
_S = 200

_NC = 2
_NS = 16
_NW = _NC * _NS
_RPW = _B // _NW
_NCH = _S // 16
_TOFF = _S - 16


def _body(inp_hbm, tab_hbm, out_hbm, tok_v, tab_v, row_v, fsem, wsem):
    wid = lax.axis_index("s") * _NC + lax.axis_index("c")
    base = wid * _RPW
    pltpu.sync_copy(inp_hbm.at[pl.ds(base, _RPW)], tok_v)
    pltpu.sync_copy(tab_hbm, tab_v)
    zeros = jnp.zeros((16,), jnp.float32)
    for k in range(_D // 16):
        tab_v[_PAD, pl.ds(k * 16, 16)] = zeros
    slab = tab_v.at[pl.ds(1, _S)]

    def copy_row(par, p, j):
        for k in range(_D // 16):
            row_v[par, j, pl.ds(k * 16, 16)] = tab_v[p, pl.ds(k * 16, 16)]

    def rebuild(r, gb, nslow):
        par = lax.rem(nslow, 2)

        @pl.when(nslow >= 2)
        def _():
            pltpu.make_async_copy(row_v.at[par], out_hbm.at[base], wsem).wait()

        def chunk(c, carry):
            v = tok_v[r, pl.ds(c * 16, 16)]
            for l in range(16):
                t = (v[l] != _PAD).astype(jnp.int32)
                carry = carry + t
                copy_row(par, carry * t, c * 16 + l)
            return carry

        carry = lax.fori_loop(0, _NCH, chunk, 0)
        vt = tok_v[r, pl.ds(_TOFF, 16)]
        for l in range(16 - (_S - _NCH * 16), 16):
            t = (vt[l] != _PAD).astype(jnp.int32)
            carry = carry + t
            copy_row(par, carry * t, _TOFF + l)
        pltpu.async_copy(row_v.at[par], out_hbm.at[gb], wsem)

    def step(r, counts):
        nfast, nslow = counts
        gb = base + r
        acc = tok_v[r, pl.ds(0, 16)]
        for c in range(1, _NCH):
            acc = jnp.minimum(acc, tok_v[r, pl.ds(c * 16, 16)])
        acc = jnp.minimum(acc, tok_v[r, pl.ds(_TOFF, 16)])
        fast = acc[0] != _PAD
        for l in range(1, 16):
            fast = jnp.logical_and(fast, acc[l] != _PAD)

        @pl.when(fast)
        def _():
            pltpu.async_copy(slab, out_hbm.at[gb], fsem)

        @pl.when(jnp.logical_not(fast))
        def _():
            rebuild(r, gb, nslow)

        fi = fast.astype(jnp.int32)
        return (nfast + fi, nslow + 1 - fi)

    nfast, nslow = lax.fori_loop(0, _RPW, step, (0, 0))

    def drain_f(i, c):
        pltpu.make_async_copy(slab, out_hbm.at[base], fsem).wait()
        return c

    lax.fori_loop(0, nfast, drain_f, 0)

    def drain_s(i, c):
        pltpu.make_async_copy(row_v.at[0], out_hbm.at[base], wsem).wait()
        return c

    lax.fori_loop(0, jnp.minimum(nslow, 2), drain_s, 0)


@functools.lru_cache(maxsize=None)
def _make_call():
    return functools.partial(
        pl.kernel,
        out_type=jax.ShapeDtypeStruct((_B, _S, _D), jnp.float32),
        mesh=plsc.VectorSubcoreMesh(core_axis_name="c", subcore_axis_name="s"),
        scratch_types=[
            pltpu.VMEM((_RPW, _S), jnp.int32),
            pltpu.VMEM((_NUM_EMB, _D), jnp.float32),
            pltpu.VMEM((2, _S, _D), jnp.float32),
            pltpu.SemaphoreType.DMA,
            pltpu.SemaphoreType.DMA,
        ],
    )(_body)


def kernel(input, table):
    return _make_call()(input, table)

# --- scband reference (transcript-rebuilt; emitter-appended) ---
"""Pipeline reference for scband-positional-embedding-16372415332418 (READ-ONLY COPY).

The authoritative reference and input builder live on the scoring server;
editing this copy changes nothing except your own understanding.
"""

import jax, jax.numpy as jnp
import numpy as np

PAD_INDEX = 0
NUM_EMBEDDINGS = 256
EMBED_DIM = 128
BATCH = 4096
SEQ = 200


def setup_inputs(seed: int = 0) -> dict:
    key = jax.random.key(seed)
    k1, k2 = jax.random.split(key)
    # token ids; value 0 acts as pad token (pad_index=0)
    inp = jax.random.randint(k1, (BATCH, SEQ), 0, 1000, dtype=jnp.int32)
    # learned positional embedding table (nn.Embedding weight); padding row zeroed like torch init
    table = jax.random.normal(k2, (NUM_EMBEDDINGS, EMBED_DIM), dtype=jnp.float32)
    table = table.at[PAD_INDEX].set(0.0)
    return {"input": inp, "table": table}


def reference(input, table):
    # _make_positions: positions = cumsum(input != pad) * mask + pad_index
    masked = (input != PAD_INDEX).astype(jnp.int32)
    positions = jnp.cumsum(masked, axis=1) * masked + PAD_INDEX
    # nn.Embedding with padding_idx: padding row contributes zeros
    table_p = table.at[PAD_INDEX].set(0.0)
    return jnp.take(table_p, positions, axis=0)

if __name__ == "__main__":
    import jax
    _d = setup_inputs()
    print(jax.jit(kernel)(*tuple(_d.values())))

</pallas_src>

<mosaic_0001>
#map = affine_map<(d0, d1) -> (0, 0)>
#map1 = affine_map<(d0, d1) -> (0, 0, 0)>
module attributes {stable_mosaic.version = 14 : i64} {
  func.func @_body(%arg0: i32, %arg1: i32, %arg2: memref<4096x200xi32, #tpu.memory_space<hbm>>, %arg3: memref<256x128xf32, #tpu.memory_space<hbm>>, %arg4: memref<4096x200x128xf32, #tpu.memory_space<hbm>>, %arg5: memref<128x200xi32, #tpu.memory_space<vmem>>, %arg6: memref<256x128xf32, #tpu.memory_space<vmem>>, %arg7: memref<2x200x128xf32, #tpu.memory_space<vmem>>, %arg8: memref<!tpu.dma_semaphore, #tpu.memory_space<semaphore_mem>>, %arg9: memref<!tpu.dma_semaphore, #tpu.memory_space<semaphore_mem>>) attributes {dimension_semantics = [#tpu.dimension_semantics<core_parallel>, #tpu.dimension_semantics<subcore_parallel>], iteration_bounds = array<i64: 2, 16>, scalar_prefetch = 0 : i64, scratch_operands = 5 : i64, tpu.core_type = #tpu.core_type<sc_vector_subcore>, window_params = [{transform_indices = #map}, {transform_indices = #map}, {transform_indices = #map1}]} {
    %mul3A = arith.constant 2 : i32
    %mul3A_0 = arith.muli %arg1, %mul3A : i32
    %add3A = arith.addi %mul3A_0, %arg0 : i32
    %mul3A_1 = arith.constant 128 : i32
    %mul3A_2 = arith.muli %add3A, %mul3A_1 : i32
    "tpu.region"() ({
      %run_scoped3A = tpu.sem_alloc : memref<!tpu.dma_semaphore, #tpu.memory_space<semaphore_mem>>
      %dma_start3A = arith.constant 0 : i32
      %dma_start3A_78 = tpu.memref_slice %arg2[%mul3A_2, %dma_start3A] : memref<4096x200xi32, #tpu.memory_space<hbm>> -> memref<128x200xi32, #tpu.memory_space<hbm>>
      %dma_start3A_79 = arith.constant 0 : i32
      %dma_start3A_80 = tpu.memref_slice %arg2[%mul3A_2, %dma_start3A_79] : memref<4096x200xi32, #tpu.memory_space<hbm>> -> memref<128x200xi32, #tpu.memory_space<hbm>>
      tpu.enqueue_dma source(%dma_start3A_80 : memref<128x200xi32, #tpu.memory_space<hbm>>) target(%arg5 : memref<128x200xi32, #tpu.memory_space<vmem>>) target_semaphore(%run_scoped3A : memref<!tpu.dma_semaphore, #tpu.memory_space<semaphore_mem>>)
      %dma_wait3A = arith.constant 0 : i32
      %dma_wait3A_81 = tpu.memref_slice %arg2[%mul3A_2, %dma_wait3A] : memref<4096x200xi32, #tpu.memory_space<hbm>> -> memref<128x200xi32, #tpu.memory_space<hbm>>
      %dma_wait3A_82 = arith.constant 0 : i32
      %dma_wait3A_83 = tpu.memref_slice %arg2[%mul3A_2, %dma_wait3A_82] : memref<4096x200xi32, #tpu.memory_space<hbm>> -> memref<128x200xi32, #tpu.memory_space<hbm>>
      tpu.wait_dma2 semaphore(%run_scoped3A : memref<!tpu.dma_semaphore, #tpu.memory_space<semaphore_mem>>) src(%dma_wait3A_83 : memref<128x200xi32, #tpu.memory_space<hbm>>) dst(%arg5 : memref<128x200xi32, #tpu.memory_space<vmem>>)
      tpu.yield
    }) : () -> ()
    "tpu.region"() ({
      %run_scoped3A = tpu.sem_alloc : memref<!tpu.dma_semaphore, #tpu.memory_space<semaphore_mem>>
      tpu.enqueue_dma source(%arg3 : memref<256x128xf32, #tpu.memory_space<hbm>>) target(%arg6 : memref<256x128xf32, #tpu.memory_space<vmem>>) target_semaphore(%run_scoped3A : memref<!tpu.dma_semaphore, #tpu.memory_space<semaphore_mem>>)
      tpu.wait_dma2 semaphore(%run_scoped3A : memref<!tpu.dma_semaphore, #tpu.memory_space<semaphore_mem>>) src(%arg3 : memref<256x128xf32, #tpu.memory_space<hbm>>) dst(%arg6 : memref<256x128xf32, #tpu.memory_space<vmem>>)
      tpu.yield
    }) : () -> ()
    %broadcast_in_dim3A = arith.constant 0.000000e+00 : f32
    %broadcast_in_dim3A_3 = vector.broadcast %broadcast_in_dim3A : f32 to vector<16xf32>
    %swap3A = arith.constant 0 : i32
    %swap3A_4 = arith.index_cast %swap3A : i32 to index
    %swap3A_5 = arith.constant 0 : index
    %swap3A_6 = tpu.vector_load %arg6[%swap3A_4, %swap3A_5] {strides = array<i32>} : memref<256x128xf32, #tpu.memory_space<vmem>>, vector<1x16xf32>,
    %swap3A_7 = vector.shape_cast %swap3A_6 : vector<1x16xf32> to vector<16xf32>
    %swap3A_8 = vector.shape_cast %broadcast_in_dim3A_3 : vector<16xf32> to vector<1x16xf32>
    tpu.vector_store %arg6[%swap3A_4, %swap3A_5], %swap3A_8 {strides = array<i32>} : memref<256x128xf32, #tpu.memory_space<vmem>>, vector<1x16xf32>,
    %swap3A_9 = arith.constant 0 : i32
    %swap3A_10 = arith.index_cast %swap3A_9 : i32 to index
    %swap3A_11 = arith.constant 16 : index
    %swap3A_12 = tpu.vector_load %arg6[%swap3A_10, %swap3A_11] {strides = array<i32>} : memref<256x128xf32, #tpu.memory_space<vmem>>, vector<1x16xf32>,
    %swap3A_13 = vector.shape_cast %swap3A_12 : vector<1x16xf32> to vector<16xf32>
    %swap3A_14 = vector.shape_cast %broadcast_in_dim3A_3 : vector<16xf32> to vector<1x16xf32>
    tpu.vector_store %arg6[%swap3A_10, %swap3A_11], %swap3A_14 {strides = array<i32>} : memref<256x128xf32, #tpu.memory_space<vmem>>, vector<1x16xf32>,
    %swap3A_15 = arith.constant 0 : i32
    %swap3A_16 = arith.index_cast %swap3A_15 : i32 to index
    %swap3A_17 = arith.constant 32 : index
    %swap3A_18 = tpu.vector_load %arg6[%swap3A_16, %swap3A_17] {strides = array<i32>} : memref<256x128xf32, #tpu.memory_space<vmem>>, vector<1x16xf32>,
    %swap3A_19 = vector.shape_cast %swap3A_18 : vector<1x16xf32> to vector<16xf32>
    %swap3A_20 = vector.shape_cast %broadcast_in_dim3A_3 : vector<16xf32> to vector<1x16xf32>
    tpu.vector_store %arg6[%swap3A_16, %swap3A_17], %swap3A_20 {strides = array<i32>} : memref<256x128xf32, #tpu.memory_space<vmem>>, vector<1x16xf32>,
    %swap3A_21 = arith.constant 0 : i32
    %swap3A_22 = arith.index_cast %swap3A_21 : i32 to index
    %swap3A_23 = arith.constant 48 : index
    %swap3A_24 = tpu.vector_load %arg6[%swap3A_22, %swap3A_23] {strides = array<i32>} : memref<256x128xf32, #tpu.memory_space<vmem>>, vector<1x16xf32>,
    %swap3A_25 = vector.shape_cast %swap3A_24 : vector<1x16xf32> to vector<16xf32>
    %swap3A_26 = vector.shape_cast %broadcast_in_dim3A_3 : vector<16xf32> to vector<1x16xf32>
    tpu.vector_store %arg6[%swap3A_22, %swap3A_23], %swap3A_26 {strides = array<i32>} : memref<256x128xf32, #tpu.memory_space<vmem>>, vector<1x16xf32>,
    %swap3A_27 = arith.constant 0 : i32
    %swap3A_28 = arith.index_cast %swap3A_27 : i32 to index
    %swap3A_29 = arith.constant 64 : index
    %swap3A_30 = tpu.vector_load %arg6[%swap3A_28, %swap3A_29] {strides = array<i32>} : memref<256x128xf32, #tpu.memory_space<vmem>>, vector<1x16xf32>,
    %swap3A_31 = vector.shape_cast %swap3A_30 : vector<1x16xf32> to vector<16xf32>
    %swap3A_32 = vector.shape_cast %broadcast_in_dim3A_3 : vector<16xf32> to vector<1x16xf32>
    tpu.vector_store %arg6[%swap3A_28, %swap3A_29], %swap3A_32 {strides = array<i32>} : memref<256x128xf32, #tpu.memory_space<vmem>>, vector<1x16xf32>,
    %swap3A_33 = arith.constant 0 : i32
    %swap3A_34 = arith.index_cast %swap3A_33 : i32 to index
    %swap3A_35 = arith.constant 80 : index
    %swap3A_36 = tpu.vector_load %arg6[%swap3A_34, %swap3A_35] {strides = array<i32>} : memref<256x128xf32, #tpu.memory_space<vmem>>, vector<1x16xf32>,
    %swap3A_37 = vector.shape_cast %swap3A_36 : vector<1x16xf32> to vector<16xf32>
    %swap3A_38 = vector.shape_cast %broadcast_in_dim3A_3 : vector<16xf32> to vector<1x16xf32>
    tpu.vector_store %arg6[%swap3A_34, %swap3A_35], %swap3A_38 {strides = array<i32>} : memref<256x128xf32, #tpu.memory_space<vmem>>, vector<1x16xf32>,
    %swap3A_39 = arith.constant 0 : i32
    %swap3A_40 = arith.index_cast %swap3A_39 : i32 to index
    %swap3A_41 = arith.constant 96 : index
    %swap3A_42 = tpu.vector_load %arg6[%swap3A_40, %swap3A_41] {strides = array<i32>} : memref<256x128xf32, #tpu.memory_space<vmem>>, vector<1x16xf32>,
    %swap3A_43 = vector.shape_cast %swap3A_42 : vector<1x16xf32> to vector<16xf32>
    %swap3A_44 = vector.shape_cast %broadcast_in_dim3A_3 : vector<16xf32> to vector<1x16xf32>
    tpu.vector_store %arg6[%swap3A_40, %swap3A_41], %swap3A_44 {strides = array<i32>} : memref<256x128xf32, #tpu.memory_space<vmem>>, vector<1x16xf32>,
    %swap3A_45 = arith.constant 0 : i32
    %swap3A_46 = arith.index_cast %swap3A_45 : i32 to index
    %swap3A_47 = arith.constant 112 : index
    %swap3A_48 = tpu.vector_load %arg6[%swap3A_46, %swap3A_47] {strides = array<i32>} : memref<256x128xf32, #tpu.memory_space<vmem>>, vector<1x16xf32>,
    %swap3A_49 = vector.shape_cast %swap3A_48 : vector<1x16xf32> to vector<16xf32>
    %swap3A_50 = vector.shape_cast %broadcast_in_dim3A_3 : vector<16xf32> to vector<1x16xf32>
    tpu.vector_store %arg6[%swap3A_46, %swap3A_47], %swap3A_50 {strides = array<i32>} : memref<256x128xf32, #tpu.memory_space<vmem>>, vector<1x16xf32>,
    %scan3A = arith.constant 0 : i32
    %scan3A_51 = arith.constant 0 : i32
    %scan3A_52 = arith.constant 0 : i32
    %scan3A_53 = arith.constant 128 : i32
    %scan3A_54 = arith.addi %scan3A_52, %scan3A_53 : i32
    %scan3A_55 = arith.constant 1 : i32
    %scan3A_56:2 = scf.for %scan3A_78 = %scan3A_52 to %scan3A_54 step %scan3A_55 iter_args(%scan3A_79 = %scan3A, %scan3A_80 = %scan3A_51) -> (i32, i32)  : i32 {
      %add3A_81 = arith.addi %mul3A_2, %scan3A_78 : i32
      %get3A = arith.index_cast %scan3A_78 : i32 to index
      %get3A_82 = arith.constant 0 : index
      %get3A_83 = tpu.vector_load %arg5[%get3A, %get3A_82] {strides = array<i32>} : memref<128x200xi32, #tpu.memory_space<vmem>>, vector<1x16xi32>,
      %get3A_84 = vector.shape_cast %get3A_83 : vector<1x16xi32> to vector<16xi32>
      %get3A_85 = arith.index_cast %scan3A_78 : i32 to index
      %get3A_86 = arith.constant 16 : index
      %get3A_87 = tpu.vector_load %arg5[%get3A_85, %get3A_86] {strides = array<i32>} : memref<128x200xi32, #tpu.memory_space<vmem>>, vector<1x16xi32>,
      %get3A_88 = vector.shape_cast %get3A_87 : vector<1x16xi32> to vector<16xi32>
      %min3A_89 = arith.minsi %get3A_84, %get3A_88 : vector<16xi32>
      %get3A_90 = arith.index_cast %scan3A_78 : i32 to index
      %get3A_91 = arith.constant 32 : index
      %get3A_92 = tpu.vector_load %arg5[%get3A_90, %get3A_91] {strides = array<i32>} : memref<128x200xi32, #tpu.memory_space<vmem>>, vector<1x16xi32>,
      %get3A_93 = vector.shape_cast %get3A_92 : vector<1x16xi32> to vector<16xi32>
      %min3A_94 = arith.minsi %min3A_89, %get3A_93 : vector<16xi32>
      %get3A_95 = arith.index_cast %scan3A_78 : i32 to index
      %get3A_96 = arith.constant 48 : index
      %get3A_97 = tpu.vector_load %arg5[%get3A_95, %get3A_96] {strides = array<i32>} : memref<128x200xi32, #tpu.memory_space<vmem>>, vector<1x16xi32>,
      %get3A_98 = vector.shape_cast %get3A_97 : vector<1x16xi32> to vector<16xi32>
      %min3A_99 = arith.minsi %min3A_94, %get3A_98 : vector<16xi32>
      %get3A_100 = arith.index_cast %scan3A_78 : i32 to index
      %get3A_101 = arith.constant 64 : index
      %get3A_102 = tpu.vector_load %arg5[%get3A_100, %get3A_101] {strides = array<i32>} : memref<128x200xi32, #tpu.memory_space<vmem>>, vector<1x16xi32>,
      %get3A_103 = vector.shape_cast %get3A_102 : vector<1x16xi32> to vector<16xi32>
      %min3A_104 = arith.minsi %min3A_99, %get3A_103 : vector<16xi32>
      %get3A_105 = arith.index_cast %scan3A_78 : i32 to index
      %get3A_106 = arith.constant 80 : index
      %get3A_107 = tpu.vector_load %arg5[%get3A_105, %get3A_106] {strides = array<i32>} : memref<128x200xi32, #tpu.memory_space<vmem>>, vector<1x16xi32>,
      %get3A_108 = vector.shape_cast %get3A_107 : vector<1x16xi32> to vector<16xi32>
      %min3A_109 = arith.minsi %min3A_104, %get3A_108 : vector<16xi32>
      %get3A_110 = arith.index_cast %scan3A_78 : i32 to index
      %get3A_111 = arith.constant 96 : index
      %get3A_112 = tpu.vector_load %arg5[%get3A_110, %get3A_111] {strides = array<i32>} : memref<128x200xi32, #tpu.memory_space<vmem>>, vector<1x16xi32>,
      %get3A_113 = vector.shape_cast %get3A_112 : vector<1x16xi32> to vector<16xi32>
      %min3A_114 = arith.minsi %min3A_109, %get3A_113 : vector<16xi32>
      %get3A_115 = arith.index_cast %scan3A_78 : i32 to index
      %get3A_116 = arith.constant 112 : index
      %get3A_117 = tpu.vector_load %arg5[%get3A_115, %get3A_116] {strides = array<i32>} : memref<128x200xi32, #tpu.memory_space<vmem>>, vector<1x16xi32>,
      %get3A_118 = vector.shape_cast %get3A_117 : vector<1x16xi32> to vector<16xi32>
      %min3A_119 = arith.minsi %min3A_114, %get3A_118 : vector<16xi32>
      %get3A_120 = arith.index_cast %scan3A_78 : i32 to index
      %get3A_121 = arith.constant 128 : index
      %get3A_122 = tpu.vector_load %arg5[%get3A_120, %get3A_121] {strides = array<i32>} : memref<128x200xi32, #tpu.memory_space<vmem>>, vector<1x16xi32>,
      %get3A_123 = vector.shape_cast %get3A_122 : vector<1x16xi32> to vector<16xi32>
      %min3A_124 = arith.minsi %min3A_119, %get3A_123 : vector<16xi32>
      %get3A_125 = arith.index_cast %scan3A_78 : i32 to index
      %get3A_126 = arith.constant 144 : index
      %get3A_127 = tpu.vector_load %arg5[%get3A_125, %get3A_126] {strides = array<i32>} : memref<128x200xi32, #tpu.memory_space<vmem>>, vector<1x16xi32>,
      %get3A_128 = vector.shape_cast %get3A_127 : vector<1x16xi32> to vector<16xi32>
      %min3A_129 = arith.minsi %min3A_124, %get3A_128 : vector<16xi32>
      %get3A_130 = arith.index_cast %scan3A_78 : i32 to index
      %get3A_131 = arith.constant 160 : index
      %get3A_132 = tpu.vector_load %arg5[%get3A_130, %get3A_131] {strides = array<i32>} : memref<128x200xi32, #tpu.memory_space<vmem>>, vector<1x16xi32>,
      %get3A_133 = vector.shape_cast %get3A_132 : vector<1x16xi32> to vector<16xi32>
      %min3A_134 = arith.minsi %min3A_129, %get3A_133 : vector<16xi32>
      %get3A_135 = arith.index_cast %scan3A_78 : i32 to index
      %get3A_136 = arith.constant 176 : index
      %get3A_137 = tpu.vector_load %arg5[%get3A_135, %get3A_136] {strides = array<i32>} : memref<128x200xi32, #tpu.memory_space<vmem>>, vector<1x16xi32>,
      %get3A_138 = vector.shape_cast %get3A_137 : vector<1x16xi32> to vector<16xi32>
      %min3A_139 = arith.minsi %min3A_134, %get3A_138 : vector<16xi32>
      %get3A_140 = arith.index_cast %scan3A_78 : i32 to index
      %get3A_141 = arith.constant 184 : index
      %get3A_142 = tpu.vector_load %arg5[%get3A_140, %get3A_141] {strides = array<i32>} : memref<128x200xi32, #tpu.memory_space<vmem>>, vector<1x16xi32>,
      %get3A_143 = vector.shape_cast %get3A_142 : vector<1x16xi32> to vector<16xi32>
      %min3A_144 = arith.minsi %min3A_139, %get3A_143 : vector<16xi32>
      %slice3A = vector.extract_strided_slice %min3A_144 {offsets = [0], sizes = [1], strides = [1]} : vector<16xi32> to vector<1xi32>
      %squeeze3A = vector.extract %slice3A[0] : i32 from vector<1xi32>
      %ne3A = arith.constant 0 : i32
      %ne3A_145 = arith.cmpi ne, %squeeze3A, %ne3A : i32
      %slice3A_146 = vector.extract_strided_slice %min3A_144 {offsets = [1], sizes = [1], strides = [1]} : vector<16xi32> to vector<1xi32>
      %squeeze3A_147 = vector.extract %slice3A_146[0] : i32 from vector<1xi32>
      %ne3A_148 = arith.constant 0 : i32
      %ne3A_149 = arith.cmpi ne, %squeeze3A_147, %ne3A_148 : i32
      %and3A = arith.andi %ne3A_145, %ne3A_149 : i1
      %slice3A_150 = vector.extract_strided_slice %min3A_144 {offsets = [2], sizes = [1], strides = [1]} : vector<16xi32> to vector<1xi32>
      %squeeze3A_151 = vector.extract %slice3A_150[0] : i32 from vector<1xi32>
      %ne3A_152 = arith.constant 0 : i32
      %ne3A_153 = arith.cmpi ne, %squeeze3A_151, %ne3A_152 : i32
      %and3A_154 = arith.andi %and3A, %ne3A_153 : i1
      %slice3A_155 = vector.extract_strided_slice %min3A_144 {offsets = [3], sizes = [1], strides = [1]} : vector<16xi32> to vector<1xi32>
      %squeeze3A_156 = vector.extract %slice3A_155[0] : i32 from vector<1xi32>
      %ne3A_157 = arith.constant 0 : i32
      %ne3A_158 = arith.cmpi ne, %squeeze3A_156, %ne3A_157 : i32
      %and3A_159 = arith.andi %and3A_154, %ne3A_158 : i1
      %slice3A_160 = vector.extract_strided_slice %min3A_144 {offsets = [4], sizes = [1], strides = [1]} : vector<16xi32> to vector<1xi32>
      %squeeze3A_161 = vector.extract %slice3A_160[0] : i32 from vector<1xi32>
      %ne3A_162 = arith.constant 0 : i32
      %ne3A_163 = arith.cmpi ne, %squeeze3A_161, %ne3A_162 : i32
      %and3A_164 = arith.andi %and3A_159, %ne3A_163 : i1
      %slice3A_165 = vector.extract_strided_slice %min3A_144 {offsets = [5], sizes = [1], strides = [1]} : vector<16xi32> to vector<1xi32>
      %squeeze3A_166 = vector.extract %slice3A_165[0] : i32 from vector<1xi32>
      %ne3A_167 = arith.constant 0 : i32
      %ne3A_168 = arith.cmpi ne, %squeeze3A_166, %ne3A_167 : i32
      %and3A_169 = arith.andi %and3A_164, %ne3A_168 : i1
      %slice3A_170 = vector.extract_strided_slice %min3A_144 {offsets = [6], sizes = [1], strides = [1]} : vector<16xi32> to vector<1xi32>
      %squeeze3A_171 = vector.extract %slice3A_170[0] : i32 from vector<1xi32>
      %ne3A_172 = arith.constant 0 : i32
      %ne3A_173 = arith.cmpi ne, %squeeze3A_171, %ne3A_172 : i32
      %and3A_174 = arith.andi %and3A_169, %ne3A_173 : i1
      %slice3A_175 = vector.extract_strided_slice %min3A_144 {offsets = [7], sizes = [1], strides = [1]} : vector<16xi32> to vector<1xi32>
      %squeeze3A_176 = vector.extract %slice3A_175[0] : i32 from vector<1xi32>
      %ne3A_177 = arith.constant 0 : i32
      %ne3A_178 = arith.cmpi ne, %squeeze3A_176, %ne3A_177 : i32
      %and3A_179 = arith.andi %and3A_174, %ne3A_178 : i1
      %slice3A_180 = vector.extract_strided_slice %min3A_144 {offsets = [8], sizes = [1], strides = [1]} : vector<16xi32> to vector<1xi32>
      %squeeze3A_181 = vector.extract %slice3A_180[0] : i32 from vector<1xi32>
      %ne3A_182 = arith.constant 0 : i32
      %ne3A_183 = arith.cmpi ne, %squeeze3A_181, %ne3A_182 : i32
      %and3A_184 = arith.andi %and3A_179, %ne3A_183 : i1
      %slice3A_185 = vector.extract_strided_slice %min3A_144 {offsets = [9], sizes = [1], strides = [1]} : vector<16xi32> to vector<1xi32>
      %squeeze3A_186 = vector.extract %slice3A_185[0] : i32 from vector<1xi32>
      %ne3A_187 = arith.constant 0 : i32
      %ne3A_188 = arith.cmpi ne, %squeeze3A_186, %ne3A_187 : i32
      %and3A_189 = arith.andi %and3A_184, %ne3A_188 : i1
      %slice3A_190 = vector.extract_strided_slice %min3A_144 {offsets = [10], sizes = [1], strides = [1]} : vector<16xi32> to vector<1xi32>
      %squeeze3A_191 = vector.extract %slice3A_190[0] : i32 from vector<1xi32>
      %ne3A_192 = arith.constant 0 : i32
      %ne3A_193 = arith.cmpi ne, %squeeze3A_191, %ne3A_192 : i32
      %and3A_194 = arith.andi %and3A_189, %ne3A_193 : i1
      %slice3A_195 = vector.extract_strided_slice %min3A_144 {offsets = [11], sizes = [1], strides = [1]} : vector<16xi32> to vector<1xi32>
      %squeeze3A_196 = vector.extract %slice3A_195[0] : i32 from vector<1xi32>
      %ne3A_197 = arith.constant 0 : i32
      %ne3A_198 = arith.cmpi ne, %squeeze3A_196, %ne3A_197 : i32
      %and3A_199 = arith.andi %and3A_194, %ne3A_198 : i1
      %slice3A_200 = vector.extract_strided_slice %min3A_144 {offsets = [12], sizes = [1], strides = [1]} : vector<16xi32> to vector<1xi32>
      %squeeze3A_201 = vector.extract %slice3A_200[0] : i32 from vector<1xi32>
      %ne3A_202 = arith.constant 0 : i32
      %ne3A_203 = arith.cmpi ne, %squeeze3A_201, %ne3A_202 : i32
      %and3A_204 = arith.andi %and3A_199, %ne3A_203 : i1
      %slice3A_205 = vector.extract_strided_slice %min3A_144 {offsets = [13], sizes = [1], strides = [1]} : vector<16xi32> to vector<1xi32>
      %squeeze3A_206 = vector.extract %slice3A_205[0] : i32 from vector<1xi32>
      %ne3A_207 = arith.constant 0 : i32
      %ne3A_208 = arith.cmpi ne, %squeeze3A_206, %ne3A_207 : i32
      %and3A_209 = arith.andi %and3A_204, %ne3A_208 : i1
      %slice3A_210 = vector.extract_strided_slice %min3A_144 {offsets = [14], sizes = [1], strides = [1]} : vector<16xi32> to vector<1xi32>
      %squeeze3A_211 = vector.extract %slice3A_210[0] : i32 from vector<1xi32>
      %ne3A_212 = arith.constant 0 : i32
      %ne3A_213 = arith.cmpi ne, %squeeze3A_211, %ne3A_212 : i32
      %and3A_214 = arith.andi %and3A_209, %ne3A_213 : i1
      %slice3A_215 = vector.extract_strided_slice %min3A_144 {offsets = [15], sizes = [1], strides = [1]} : vector<16xi32> to vector<1xi32>
      %squeeze3A_216 = vector.extract %slice3A_215[0] : i32 from vector<1xi32>
      %ne3A_217 = arith.constant 0 : i32
      %ne3A_218 = arith.cmpi ne, %squeeze3A_216, %ne3A_217 : i32
      %and3A_219 = arith.andi %and3A_214, %ne3A_218 : i1
      %convert_element_type3A = arith.extui %and3A_219 : i1 to i32
      %cond3A = arith.constant 0 : i32
      %cond3A_220 = arith.cmpi ne, %convert_element_type3A, %cond3A : i32
      scf.if %cond3A_220 {
        %dma_start3A = arith.constant 1 : i32
        %dma_start3A_229 = arith.constant 0 : i32
        %dma_start3A_230 = tpu.memref_slice %arg6[%dma_start3A, %dma_start3A_229] : memref<256x128xf32, #tpu.memory_space<vmem>> -> memref<200x128xf32, #tpu.memory_space<vmem>>
        %dma_start3A_231 = arith.constant 0 : i32
        %dma_start3A_232 = arith.constant 0 : i32
        %dma_start3A_233 = tpu.memref_slice %arg4[%add3A_81, %dma_start3A_231, %dma_start3A_232] : memref<4096x200x128xf32, #tpu.memory_space<hbm>> -> memref<1x200x128xf32, #tpu.memory_space<hbm>>
        %dma_start3A_234 = tpu.memref_squeeze %dma_start3A_233 : memref<1x200x128xf32, #tpu.memory_space<hbm>> -> memref<200x128xf32, #tpu.memory_space<hbm>>
        %dma_start3A_235 = arith.constant 0 : i32
        %dma_start3A_236 = arith.constant 0 : i32
        %dma_start3A_237 = tpu.memref_slice %arg4[%add3A_81, %dma_start3A_235, %dma_start3A_236] : memref<4096x200x128xf32, #tpu.memory_space<hbm>> -> memref<1x200x128xf32, #tpu.memory_space<hbm>>
        %dma_start3A_238 = tpu.memref_squeeze %dma_start3A_237 : memref<1x200x128xf32, #tpu.memory_space<hbm>> -> memref<200x128xf32, #tpu.memory_space<hbm>>
        %dma_start3A_239 = arith.constant 1 : i32
        %dma_start3A_240 = arith.constant 0 : i32
        %dma_start3A_241 = tpu.memref_slice %arg6[%dma_start3A_239, %dma_start3A_240] : memref<256x128xf32, #tpu.memory_space<vmem>> -> memref<200x128xf32, #tpu.memory_space<vmem>>
        tpu.enqueue_dma source(%dma_start3A_241 : memref<200x128xf32, #tpu.memory_space<vmem>>) target(%dma_start3A_238 : memref<200x128xf32, #tpu.memory_space<hbm>>) target_semaphore(%arg8 : memref<!tpu.dma_semaphore, #tpu.memory_space<semaphore_mem>>)
      } else {
      }
      %not3A = arith.constant true
      %not3A_221 = arith.xori %and3A_219, %not3A : i1
      %convert_element_type3A_222 = arith.extui %not3A_221 : i1 to i32
      %cond3A_223 = arith.constant 0 : i32
      %cond3A_224 = arith.cmpi ne, %convert_element_type3A_222, %cond3A_223 : i32
      scf.if %cond3A_224 {
        %rem3A = arith.constant 2 : i32
        %rem3A_229 = arith.remsi %scan3A_80, %rem3A : i32
        %ge3A = arith.constant 2 : i32
        %ge3A_230 = arith.cmpi sge, %scan3A_80, %ge3A : i32
        %convert_element_type3A_231 = arith.extui %ge3A_230 : i1 to i32
        %cond3A_232 = arith.constant 0 : i32
        %cond3A_233 = arith.cmpi ne, %convert_element_type3A_231, %cond3A_232 : i32
        scf.if %cond3A_233 {
          %dma_wait3A = arith.constant 0 : i32
          %dma_wait3A_1020 = arith.constant 0 : i32
          %dma_wait3A_1021 = tpu.memref_slice %arg7[%rem3A_229, %dma_wait3A, %dma_wait3A_1020] : memref<2x200x128xf32, #tpu.memory_space<vmem>> -> memref<1x200x128xf32, #tpu.memory_space<vmem>>
          %dma_wait3A_1022 = tpu.memref_squeeze %dma_wait3A_1021 : memref<1x200x128xf32, #tpu.memory_space<vmem>> -> memref<200x128xf32, #tpu.memory_space<vmem>>
          %dma_wait3A_1023 = arith.constant 0 : i32
          %dma_wait3A_1024 = arith.constant 0 : i32
          %dma_wait3A_1025 = tpu.memref_slice %arg4[%mul3A_2, %dma_wait3A_1023, %dma_wait3A_1024] : memref<4096x200x128xf32, #tpu.memory_space<hbm>> -> memref<1x200x128xf32, #tpu.memory_space<hbm>>
          %dma_wait3A_1026 = tpu.memref_squeeze %dma_wait3A_1025 : memref<1x200x128xf32, #tpu.memory_space<hbm>> -> memref<200x128xf32, #tpu.memory_space<hbm>>
          %dma_wait3A_1027 = arith.constant 0 : i32
          %dma_wait3A_1028 = arith.constant 0 : i32
          %dma_wait3A_1029 = tpu.memref_slice %arg4[%mul3A_2, %dma_wait3A_1027, %dma_wait3A_1028] : memref<4096x200x128xf32, #tpu.memory_space<hbm>> -> memref<1x200x128xf32, #tpu.memory_space<hbm>>
          %dma_wait3A_1030 = tpu.memref_squeeze %dma_wait3A_1029 : memref<1x200x128xf32, #tpu.memory_space<hbm>> -> memref<200x128xf32, #tpu.memory_space<hbm>>
          %dma_wait3A_1031 = arith.constant 0 : i32
          %dma_wait3A_1032 = arith.constant 0 : i32
          %dma_wait3A_1033 = tpu.memref_slice %arg7[%rem3A_229, %dma_wait3A_1031, %dma_wait3A_1032] : memref<2x200x128xf32, #tpu.memory_space<vmem>> -> memref<1x200x128xf32, #tpu.memory_space<vmem>>
          %dma_wait3A_1034 = tpu.memref_squeeze %dma_wait3A_1033 : memref<1x200x128xf32, #tpu.memory_space<vmem>> -> memref<200x128xf32, #tpu.memory_space<vmem>>
          tpu.wait_dma2 semaphore(%arg9 : memref<!tpu.dma_semaphore, #tpu.memory_space<semaphore_mem>>) src(%dma_wait3A_1034 : memref<200x128xf32, #tpu.memory_space<vmem>>) dst(%dma_wait3A_1030 : memref<200x128xf32, #tpu.memory_space<hbm>>)
        } else {
        }
        %scan3A_234 = arith.constant 0 : i32
        %scan3A_235 = arith.constant 0 : i32
        %scan3A_236 = arith.constant 12 : i32
        %scan3A_237 = arith.addi %scan3A_235, %scan3A_236 : i32
        %scan3A_238 = arith.constant 1 : i32
        %scan3A_239 = scf.for %scan3A_1020 = %scan3A_235 to %scan3A_237 step %scan3A_238 iter_args(%scan3A_1021 = %scan3A_234) -> (i32)  : i32 {
          %mul3A_1022 = arith.constant 16 : i32
          %mul3A_1023 = arith.muli %scan3A_1020, %mul3A_1022 : i32
          %get3A_1024 = arith.index_cast %scan3A_78 : i32 to index
          %get3A_1025 = arith.index_cast %mul3A_1023 : i32 to index
          %get3A_1026 = tpu.vector_load %arg5[%get3A_1024, %get3A_1025] {strides = array<i32>} : memref<128x200xi32, #tpu.memory_space<vmem>>, vector<1x16xi32>,
          %get3A_1027 = vector.shape_cast %get3A_1026 : vector<1x16xi32> to vector<16xi32>
          %slice3A_1028 = vector.extract_strided_slice %get3A_1027 {offsets = [0], sizes = [1], strides = [1]} : vector<16xi32> to vector<1xi32>
          %squeeze3A_1029 = vector.extract %slice3A_1028[0] : i32 from vector<1xi32>
          %ne3A_1030 = arith.constant 0 : i32
          %ne3A_1031 = arith.cmpi ne, %squeeze3A_1029, %ne3A_1030 : i32
          %convert_element_type3A_1032 = arith.extui %ne3A_1031 : i1 to i32
          %add3A_1033 = arith.addi %scan3A_1021, %convert_element_type3A_1032 : i32
          %mul3A_1034 = arith.muli %add3A_1033, %convert_element_type3A_1032 : i32
          %mul3A_1035 = arith.constant 16 : i32
          %mul3A_1036 = arith.muli %scan3A_1020, %mul3A_1035 : i32
          %add3A_1037 = arith.constant 0 : i32
          %add3A_1038 = arith.addi %mul3A_1036, %add3A_1037 : i32
          %get3A_1039 = arith.index_cast %mul3A_1034 : i32 to index
          %get3A_1040 = arith.constant 0 : index
          %get3A_1041 = tpu.vector_load %arg6[%get3A_1039, %get3A_1040] {strides = array<i32>} : memref<256x128xf32, #tpu.memory_space<vmem>>, vector<1x16xf32>,
          %get3A_1042 = vector.shape_cast %get3A_1041 : vector<1x16xf32> to vector<16xf32>
          %swap3A_1043 = arith.index_cast %rem3A_229 : i32 to index
          %swap3A_1044 = arith.index_cast %add3A_1038 : i32 to index
          %swap3A_1045 = arith.constant 0 : index
          %swap3A_1046 = tpu.vector_load %arg7[%swap3A_1043, %swap3A_1044, %swap3A_1045] {strides = array<i32>} : memref<2x200x128xf32, #tpu.memory_space<vmem>>, vector<1x1x16xf32>,
          %swap3A_1047 = vector.shape_cast %swap3A_1046 : vector<1x1x16xf32> to vector<16xf32>
          %swap3A_1048 = vector.shape_cast %get3A_1042 : vector<16xf32> to vector<1x1x16xf32>
          tpu.vector_store %arg7[%swap3A_1043, %swap3A_1044, %swap3A_1045], %swap3A_1048 {strides = array<i32>} : memref<2x200x128xf32, #tpu.memory_space<vmem>>, vector<1x1x16xf32>,
          %get3A_1049 = arith.index_cast %mul3A_1034 : i32 to index
          %get3A_1050 = arith.constant 16 : index
          %get3A_1051 = tpu.vector_load %arg6[%get3A_1049, %get3A_1050] {strides = array<i32>} : memref<256x128xf32, #tpu.memory_space<vmem>>, vector<1x16xf32>,
          %get3A_1052 = vector.shape_cast %get3A_1051 : vector<1x16xf32> to vector<16xf32>
          %swap3A_1053 = arith.index_cast %rem3A_229 : i32 to index
          %swap3A_1054 = arith.index_cast %add3A_1038 : i32 to index
          %swap3A_1055 = arith.constant 16 : index
          %swap3A_1056 = tpu.vector_load %arg7[%swap3A_1053, %swap3A_1054, %swap3A_1055] {strides = array<i32>} : memref<2x200x128xf32, #tpu.memory_space<vmem>>, vector<1x1x16xf32>,
          %swap3A_1057 = vector.shape_cast %swap3A_1056 : vector<1x1x16xf32> to vector<16xf32>
          %swap3A_1058 = vector.shape_cast %get3A_1052 : vector<16xf32> to vector<1x1x16xf32>
          tpu.vector_store %arg7[%swap3A_1053, %swap3A_1054, %swap3A_1055], %swap3A_1058 {strides = array<i32>} : memref<2x200x128xf32, #tpu.memory_space<vmem>>, vector<1x1x16xf32>,
          %get3A_1059 = arith.index_cast %mul3A_1034 : i32 to index
          %get3A_1060 = arith.constant 32 : index
          %get3A_1061 = tpu.vector_load %arg6[%get3A_1059, %get3A_1060] {strides = array<i32>} : memref<256x128xf32, #tpu.memory_space<vmem>>, vector<1x16xf32>,
          %get3A_1062 = vector.shape_cast %get3A_1061 : vector<1x16xf32> to vector<16xf32>
          %swap3A_1063 = arith.index_cast %rem3A_229 : i32 to index
          %swap3A_1064 = arith.index_cast %add3A_1038 : i32 to index
          %swap3A_1065 = arith.constant 32 : index
          %swap3A_1066 = tpu.vector_load %arg7[%swap3A_1063, %swap3A_1064, %swap3A_1065] {strides = array<i32>} : memref<2x200x128xf32, #tpu.memory_space<vmem>>, vector<1x1x16xf32>,
          %swap3A_1067 = vector.shape_cast %swap3A_1066 : vector<1x1x16xf32> to vector<16xf32>
          %swap3A_1068 = vector.shape_cast %get3A_1062 : vector<16xf32> to vector<1x1x16xf32>
          tpu.vector_store %arg7[%swap3A_1063, %swap3A_1064, %swap3A_1065], %swap3A_1068 {strides = array<i32>} : memref<2x200x128xf32, #tpu.memory_space<vmem>>, vector<1x1x16xf32>,
          %get3A_1069 = arith.index_cast %mul3A_1034 : i32 to index
          %get3A_1070 = arith.constant 48 : index
          %get3A_1071 = tpu.vector_load %arg6[%get3A_1069, %get3A_1070] {strides = array<i32>} : memref<256x128xf32, #tpu.memory_space<vmem>>, vector<1x16xf32>,
          %get3A_1072 = vector.shape_cast %get3A_1071 : vector<1x16xf32> to vector<16xf32>
          %swap3A_1073 = arith.index_cast %rem3A_229 : i32 to index
          %swap3A_1074 = arith.index_cast %add3A_1038 : i32 to index
          %swap3A_1075 = arith.constant 48 : index
          %swap3A_1076 = tpu.vector_load %arg7[%swap3A_1073, %swap3A_1074, %swap3A_1075] {strides = array<i32>} : memref<2x200x128xf32, #tpu.memory_space<vmem>>, vector<1x1x16xf32>,
          %swap3A_1077 = vector.shape_cast %swap3A_1076 : vector<1x1x16xf32> to vector<16xf32>
          %swap3A_1078 = vector.shape_cast %get3A_1072 : vector<16xf32> to vector<1x1x16xf32>
          tpu.vector_store %arg7[%swap3A_1073, %swap3A_1074, %swap3A_1075], %swap3A_1078 {strides = array<i32>} : memref<2x200x128xf32, #tpu.memory_space<vmem>>, vector<1x1x16xf32>,
          %get3A_1079 = arith.index_cast %mul3A_1034 : i32 to index
          %get3A_1080 = arith.constant 64 : index
          %get3A_1081 = tpu.vector_load %arg6[%get3A_1079, %get3A_1080] {strides = array<i32>} : memref<256x128xf32, #tpu.memory_space<vmem>>, vector<1x16xf32>,
          %get3A_1082 = vector.shape_cast %get3A_1081 : vector<1x16xf32> to vector<16xf32>
          %swap3A_1083 = arith.index_cast %rem3A_229 : i32 to index
          %swap3A_1084 = arith.index_cast %add3A_1038 : i32 to index
          %swap3A_1085 = arith.constant 64 : index
          %swap3A_1086 = tpu.vector_load %arg7[%swap3A_1083, %swap3A_1084, %swap3A_1085] {strides = array<i32>} : memref<2x200x128xf32, #tpu.memory_space<vmem>>, vector<1x1x16xf32>,
          %swap3A_1087 = vector.shape_cast %swap3A_1086 : vector<1x1x16xf32> to vector<16xf32>
          %swap3A_1088 = vector.shape_cast %get3A_1082 : vector<16xf32> to vector<1x1x16xf32>
          tpu.vector_store %arg7[%swap3A_1083, %swap3A_1084, %swap3A_1085], %swap3A_1088 {strides = array<i32>} : memref<2x200x128xf32, #tpu.memory_space<vmem>>, vector<1x1x16xf32>,
          %get3A_1089 = arith.index_cast %mul3A_1034 : i32 to index
          %get3A_1090 = arith.constant 80 : index
          %get3A_1091 = tpu.vector_load %arg6[%get3A_1089, %get3A_1090] {strides = array<i32>} : memref<256x128xf32, #tpu.memory_space<vmem>>, vector<1x16xf32>,
          %get3A_1092 = vector.shape_cast %get3A_1091 : vector<1x16xf32> to vector<16xf32>
          %swap3A_1093 = arith.index_cast %rem3A_229 : i32 to index
          %swap3A_1094 = arith.index_cast %add3A_1038 : i32 to index
          %swap3A_1095 = arith.constant 80 : index
          %swap3A_1096 = tpu.vector_load %arg7[%swap3A_1093, %swap3A_1094, %swap3A_1095] {strides = array<i32>} : memref<2x200x128xf32, #tpu.memory_space<vmem>>, vector<1x1x16xf32>,
          %swap3A_1097 = vector.shape_cast %swap3A_1096 : vector<1x1x16xf32> to vector<16xf32>
          %swap3A_1098 = vector.shape_cast %get3A_1092 : vector<16xf32> to vector<1x1x16xf32>
          tpu.vector_store %arg7[%swap3A_1093, %swap3A_1094, %swap3A_1095], %swap3A_1098 {strides = array<i32>} : memref<2x200x128xf32, #tpu.memory_space<vmem>>, vector<1x1x16xf32>,
          %get3A_1099 = arith.index_cast %mul3A_1034 : i32 to index
          %get3A_1100 = arith.constant 96 : index
          %get3A_1101 = tpu.vector_load %arg6[%get3A_1099, %get3A_1100] {strides = array<i32>} : memref<256x128xf32, #tpu.memory_space<vmem>>, vector<1x16xf32>,
          %get3A_1102 = vector.shape_cast %get3A_1101 : vector<1x16xf32> to vector<16xf32>
          %swap3A_1103 = arith.index_cast %rem3A_229 : i32 to index
          %swap3A_1104 = arith.index_cast %add3A_1038 : i32 to index
          %swap3A_1105 = arith.constant 96 : index
          %swap3A_1106 = tpu.vector_load %arg7[%swap3A_1103, %swap3A_1104, %swap3A_1105] {strides = array<i32>} : memref<2x200x128xf32, #tpu.memory_space<vmem>>, vector<1x1x16xf32>,
          %swap3A_1107 = vector.shape_cast %swap3A_1106 : vector<1x1x16xf32> to vector<16xf32>
          %swap3A_1108 = vector.shape_cast %get3A_1102 : vector<16xf32> to vector<1x1x16xf32>
          tpu.vector_store %arg7[%swap3A_1103, %swap3A_1104, %swap3A_1105], %swap3A_1108 {strides = array<i32>} : memref<2x200x128xf32, #tpu.memory_space<vmem>>, vector<1x1x16xf32>,
          %get3A_1109 = arith.index_cast %mul3A_1034 : i32 to index
          %get3A_1110 = arith.constant 112 : index
          %get3A_1111 = tpu.vector_load %arg6[%get3A_1109, %get3A_1110] {strides = array<i32>} : memref<256x128xf32, #tpu.memory_space<vmem>>, vector<1x16xf32>,
          %get3A_1112 = vector.shape_cast %get3A_1111 : vector<1x16xf32> to vector<16xf32>
          %swap3A_1113 = arith.index_cast %rem3A_229 : i32 to index
          %swap3A_1114 = arith.index_cast %add3A_1038 : i32 to index
          %swap3A_1115 = arith.constant 112 : index
          %swap3A_1116 = tpu.vector_load %arg7[%swap3A_1113, %swap3A_1114, %swap3A_1115] {strides = array<i32>} : memref<2x200x128xf32, #tpu.memory_space<vmem>>, vector<1x1x16xf32>,
          %swap3A_1117 = vector.shape_cast %swap3A_1116 : vector<1x1x16xf32> to vector<16xf32>
          %swap3A_1118 = vector.shape_cast %get3A_1112 : vector<16xf32> to vector<1x1x16xf32>
          tpu.vector_store %arg7[%swap3A_1113, %swap3A_1114, %swap3A_1115], %swap3A_1118 {strides = array<i32>} : memref<2x200x128xf32, #tpu.memory_space<vmem>>, vector<1x1x16xf32>,
          %slice3A_1119 = vector.extract_strided_slice %get3A_1027 {offsets = [1], sizes = [1], strides = [1]} : vector<16xi32> to vector<1xi32>
          %squeeze3A_1120 = vector.extract %slice3A_1119[0] : i32 from vector<1xi32>
          %ne3A_1121 = arith.constant 0 : i32
          %ne3A_1122 = arith.cmpi ne, %squeeze3A_1120, %ne3A_1121 : i32
          %convert_element_type3A_1123 = arith.extui %ne3A_1122 : i1 to i32
          %add3A_1124 = arith.addi %add3A_1033, %convert_element_type3A_1123 : i32
          %mul3A_1125 = arith.muli %add3A_1124, %convert_element_type3A_1123 : i32
          %mul3A_1126 = arith.constant 16 : i32
          %mul3A_1127 = arith.muli %scan3A_1020, %mul3A_1126 : i32
          %add3A_1128 = arith.constant 1 : i32
          %add3A_1129 = arith.addi %mul3A_1127, %add3A_1128 : i32
          %get3A_1130 = arith.index_cast %mul3A_1125 : i32 to index
          %get3A_1131 = arith.constant 0 : index
          %get3A_1132 = tpu.vector_load %arg6[%get3A_1130, %get3A_1131] {strides = array<i32>} : memref<256x128xf32, #tpu.memory_space<vmem>>, vector<1x16xf32>,
          %get3A_1133 = vector.shape_cast %get3A_1132 : vector<1x16xf32> to vector<16xf32>
          %swap3A_1134 = arith.index_cast %rem3A_229 : i32 to index
          %swap3A_1135 = arith.index_cast %add3A_1129 : i32 to index
          %swap3A_1136 = arith.constant 0 : index
          %swap3A_1137 = tpu.vector_load %arg7[%swap3A_1134, %swap3A_1135, %swap3A_1136] {strides = array<i32>} : memref<2x200x128xf32, #tpu.memory_space<vmem>>, vector<1x1x16xf32>,
          %swap3A_1138 = vector.shape_cast %swap3A_1137 : vector<1x1x16xf32> to vector<16xf32>
          %swap3A_1139 = vector.shape_cast %get3A_1133 : vector<16xf32> to vector<1x1x16xf32>
          tpu.vector_store %arg7[%swap3A_1134, %swap3A_1135, %swap3A_1136], %swap3A_1139 {strides = array<i32>} : memref<2x200x128xf32, #tpu.memory_space<vmem>>, vector<1x1x16xf32>,
          %get3A_1140 = arith.index_cast %mul3A_1125 : i32 to index
          %get3A_1141 = arith.constant 16 : index
          %get3A_1142 = tpu.vector_load %arg6[%get3A_1140, %get3A_1141] {strides = array<i32>} : memref<256x128xf32, #tpu.memory_space<vmem>>, vector<1x16xf32>,
          %get3A_1143 = vector.shape_cast %get3A_1142 : vector<1x16xf32> to vector<16xf32>
          %swap3A_1144 = arith.index_cast %rem3A_229 : i32 to index
          %swap3A_1145 = arith.index_cast %add3A_1129 : i32 to index
          %swap3A_1146 = arith.constant 16 : index
          %swap3A_1147 = tpu.vector_load %arg7[%swap3A_1144, %swap3A_1145, %swap3A_1146] {strides = array<i32>} : memref<2x200x128xf32, #tpu.memory_space<vmem>>, vector<1x1x16xf32>,
          %swap3A_1148 = vector.shape_cast %swap3A_1147 : vector<1x1x16xf32> to vector<16xf32>
          %swap3A_1149 = vector.shape_cast %get3A_1143 : vector<16xf32> to vector<1x1x16xf32>
          tpu.vector_store %arg7[%swap3A_1144, %swap3A_1145, %swap3A_1146], %swap3A_1149 {strides = array<i32>} : memref<2x200x128xf32, #tpu.memory_space<vmem>>, vector<1x1x16xf32>,
          %get3A_1150 = arith.index_cast %mul3A_1125 : i32 to index
          %get3A_1151 = arith.constant 32 : index
          %get3A_1152 = tpu.vector_load %arg6[%get3A_1150, %get3A_1151] {strides = array<i32>} : memref<256x128xf32, #tpu.memory_space<vmem>>, vector<1x16xf32>,
          %get3A_1153 = vector.shape_cast %get3A_1152 : vector<1x16xf32> to vector<16xf32>
          %swap3A_1154 = arith.index_cast %rem3A_229 : i32 to index
          %swap3A_1155 = arith.index_cast %add3A_1129 : i32 to index
          %swap3A_1156 = arith.constant 32 : index
          %swap3A_1157 = tpu.vector_load %arg7[%swap3A_1154, %swap3A_1155, %swap3A_1156] {strides = array<i32>} : memref<2x200x128xf32, #tpu.memory_space<vmem>>, vector<1x1x16xf32>,
          %swap3A_1158 = vector.shape_cast %swap3A_1157 : vector<1x1x16xf32> to vector<16xf32>
          %swap3A_1159 = vector.shape_cast %get3A_1153 : vector<16xf32> to vector<1x1x16xf32>
          tpu.vector_store %arg7[%swap3A_1154, %swap3A_1155, %swap3A_1156], %swap3A_1159 {strides = array<i32>} : memref<2x200x128xf32, #tpu.memory_space<vmem>>, vector<1x1x16xf32>,
          %get3A_1160 = arith.index_cast %mul3A_1125 : i32 to index
          %get3A_1161 = arith.constant 48 : index
          %get3A_1162 = tpu.vector_load %arg6[%get3A_1160, %get3A_1161] {strides = array<i32>} : memref<256x128xf32, #tpu.memory_space<vmem>>, vector<1x16xf32>,
          %get3A_1163 = vector.shape_cast %get3A_1162 : vector<1x16xf32> to vector<16xf32>
          %swap3A_1164 = arith.index_cast %rem3A_229 : i32 to index
          %swap3A_1165 = arith.index_cast %add3A_1129 : i32 to index
          %swap3A_1166 = arith.constant 48 : index
          %swap3A_1167 = tpu.vector_load %arg7[%swap3A_1164, %swap3A_1165, %swap3A_1166] {strides = array<i32>} : memref<2x200x128xf32, #tpu.memory_space<vmem>>, vector<1x1x16xf32>,
          %swap3A_1168 = vector.shape_cast %swap3A_1167 : vector<1x1x16xf32> to vector<16xf32>
          %swap3A_1169 = vector.shape_cast %get3A_1163 : vector<16xf32> to vector<1x1x16xf32>
          tpu.vector_store %arg7[%swap3A_1164, %swap3A_1165, %swap3A_1166], %swap3A_1169 {strides = array<i32>} : memref<2x200x128xf32, #tpu.memory_space<vmem>>, vector<1x1x16xf32>,
          %get3A_1170 = arith.index_cast %mul3A_1125 : i32 to index
          %get3A_1171 = arith.constant 64 : index
          %get3A_1172 = tpu.vector_load %arg6[%get3A_1170, %get3A_1171] {strides = array<i32>} : memref<256x128xf32, #tpu.memory_space<vmem>>, vector<1x16xf32>,
          %get3A_1173 = vector.shape_cast %get3A_1172 : vector<1x16xf32> to vector<16xf32>
          %swap3A_1174 = arith.index_cast %rem3A_229 : i32 to index
          %swap3A_1175 = arith.index_cast %add3A_1129 : i32 to index
          %swap3A_1176 = arith.constant 64 : index
          %swap3A_1177 = tpu.vector_load %arg7[%swap3A_1174, %swap3A_1175, %swap3A_1176] {strides = array<i32>} : memref<2x200x128xf32, #tpu.memory_space<vmem>>, vector<1x1x16xf32>,
          %swap3A_1178 = vector.shape_cast %swap3A_1177 : vector<1x1x16xf32> to vector<16xf32>
          %swap3A_1179 = vector.shape_cast %get3A_1173 : vector<16xf32> to vector<1x1x16xf32>
          tpu.vector_store %arg7[%swap3A_1174, %swap3A_1175, %swap3A_1176], %swap3A_1179 {strides = array<i32>} : memref<2x200x128xf32, #tpu.memory_space<vmem>>, vector<1x1x16xf32>,
          %get3A_1180 = arith.index_cast %mul3A_1125 : i32 to index
          %get3A_1181 = arith.constant 80 : index
          %get3A_1182 = tpu.vector_load %arg6[%get3A_1180, %get3A_1181] {strides = array<i32>} : memref<256x128xf32, #tpu.memory_space<vmem>>, vector<1x16xf32>,
          %get3A_1183 = vector.shape_cast %get3A_1182 : vector<1x16xf32> to vector<16xf32>
          %swap3A_1184 = arith.index_cast %rem3A_229 : i32 to index
          %swap3A_1185 = arith.index_cast %add3A_1129 : i32 to index
          %swap3A_1186 = arith.constant 80 : index
          %swap3A_1187 = tpu.vector_load %arg7[%swap3A_1184, %swap3A_1185, %swap3A_1186] {strides = array<i32>} : memref<2x200x128xf32, #tpu.memory_space<vmem>>, vector<1x1x16xf32>,
          %swap3A_1188 = vector.shape_cast %swap3A_1187 : vector<1x1x16xf32> to vector<16xf32>
          %swap3A_1189 = vector.shape_cast %get3A_1183 : vector<16xf32> to vector<1x1x16xf32>
          tpu.vector_store %arg7[%swap3A_1184, %swap3A_1185, %swap3A_1186], %swap3A_1189 {strides = array<i32>} : memref<2x200x128xf32, #tpu.memory_space<vmem>>, vector<1x1x16xf32>,
          %get3A_1190 = arith.index_cast %mul3A_1125 : i32 to index
          %get3A_1191 = arith.constant 96 : index
          %get3A_1192 = tpu.vector_load %arg6[%get3A_1190, %get3A_1191] {strides = array<i32>} : memref<256x128xf32, #tpu.memory_space<vmem>>, vector<1x16xf32>,
          %get3A_1193 = vector.shape_cast %get3A_1192 : vector<1x16xf32> to vector<16xf32>
          %swap3A_1194 = arith.index_cast %rem3A_229 : i32 to index
          %swap3A_1195 = arith.index_cast %add3A_1129 : i32 to index
          %swap3A_1196 = arith.constant 96 : index
          %swap3A_1197 = tpu.vector_load %arg7[%swap3A_1194, %swap3A_1195, %swap3A_1196] {strides = array<i32>} : memref<2x200x128xf32, #tpu.memory_space<vmem>>, vector<1x1x16xf32>,
          %swap3A_1198 = vector.shape_cast %swap3A_1197 : vector<1x1x16xf32> to vector<16xf32>
          %swap3A_1199 = vector.shape_cast %get3A_1193 : vector<16xf32> to vector<1x1x16xf32>
          tpu.vector_store %arg7[%swap3A_1194, %swap3A_1195, %swap3A_1196], %swap3A_1199 {strides = array<i32>} : memref<2x200x128xf32, #tpu.memory_space<vmem>>, vector<1x1x16xf32>,
          %get3A_1200 = arith.index_cast %mul3A_1125 : i32 to index
          %get3A_1201 = arith.constant 112 : index
          %get3A_1202 = tpu.vector_load %arg6[%get3A_1200, %get3A_1201] {strides = array<i32>} : memref<256x128xf32, #tpu.memory_space<vmem>>, vector<1x16xf32>,
          %get3A_1203 = vector.shape_cast %get3A_1202 : vector<1x16xf32> to vector<16xf32>
          %swap3A_1204 = arith.index_cast %rem3A_229 : i32 to index
          %swap3A_1205 = arith.index_cast %add3A_1129 : i32 to index
          %swap3A_1206 = arith.constant 112 : index
          %swap3A_1207 = tpu.vector_load %arg7[%swap3A_1204, %swap3A_1205, %swap3A_1206] {strides = array<i32>} : memref<2x200x128xf32, #tpu.memory_space<vmem>>, vector<1x1x16xf32>,
          %swap3A_1208 = vector.shape_cast %swap3A_1207 : vector<1x1x16xf32> to vector<16xf32>
          %swap3A_1209 = vector.shape_cast %get3A_1203 : vector<16xf32> to vector<1x1x16xf32>
          tpu.vector_store %arg7[%swap3A_1204, %swap3A_1205, %swap3A_1206], %swap3A_1209 {strides = array<i32>} : memref<2x200x128xf32, #tpu.memory_space<vmem>>, vector<1x1x16xf32>,
          %slice3A_1210 = vector.extract_strided_slice %get3A_1027 {offsets = [2], sizes = [1], strides = [1]} : vector<16xi32> to vector<1xi32>
          %squeeze3A_1211 = vector.extract %slice3A_1210[0] : i32 from vector<1xi32>
          %ne3A_1212 = arith.constant 0 : i32
          %ne3A_1213 = arith.cmpi ne, %squeeze3A_1211, %ne3A_1212 : i32
          %convert_element_type3A_1214 = arith.extui %ne3A_1213 : i1 to i32
          %add3A_1215 = arith.addi %add3A_1124, %convert_element_type3A_1214 : i32
          %mul3A_1216 = arith.muli %add3A_1215, %convert_element_type3A_1214 : i32
          %mul3A_1217 = arith.constant 16 : i32
          %mul3A_1218 = arith.muli %scan3A_1020, %mul3A_1217 : i32
          %add3A_1219 = arith.constant 2 : i32
          %add3A_1220 = arith.addi %mul3A_1218, %add3A_1219 : i32
          %get3A_1221 = arith.index_cast %mul3A_1216 : i32 to index
          %get3A_1222 = arith.constant 0 : index
          %get3A_1223 = tpu.vector_load %arg6[%get3A_1221, %get3A_1222] {strides = array<i32>} : memref<256x128xf32, #tpu.memory_space<vmem>>, vector<1x16xf32>,
          %get3A_1224 = vector.shape_cast %get3A_1223 : vector<1x16xf32> to vector<16xf32>
          %swap3A_1225 = arith.index_cast %rem3A_229 : i32 to index
          %swap3A_1226 = arith.index_cast %add3A_1220 : i32 to index
          %swap3A_1227 = arith.constant 0 : index
          %swap3A_1228 = tpu.vector_load %arg7[%swap3A_1225, %swap3A_1226, %swap3A_1227] {strides = array<i32>} : memref<2x200x128xf32, #tpu.memory_space<vmem>>, vector<1x1x16xf32>,
          %swap3A_1229 = vector.shape_cast %swap3A_1228 : vector<1x1x16xf32> to vector<16xf32>
          %swap3A_1230 = vector.shape_cast %get3A_1224 : vector<16xf32> to vector<1x1x16xf32>
          tpu.vector_store %arg7[%swap3A_1225, %swap3A_1226, %swap3A_1227], %swap3A_1230 {strides = array<i32>} : memref<2x200x128xf32, #tpu.memory_space<vmem>>, vector<1x1x16xf32>,
          %get3A_1231 = arith.index_cast %mul3A_1216 : i32 to index
          %get3A_1232 = arith.constant 16 : index
          %get3A_1233 = tpu.vector_load %arg6[%get3A_1231, %get3A_1232] {strides = array<i32>} : memref<256x128xf32, #tpu.memory_space<vmem>>, vector<1x16xf32>,
          %get3A_1234 = vector.shape_cast %get3A_1233 : vector<1x16xf32> to vector<16xf32>
          %swap3A_1235 = arith.index_cast %rem3A_229 : i32 to index
          %swap3A_1236 = arith.index_cast %add3A_1220 : i32 to index
          %swap3A_1237 = arith.constant 16 : index
          %swap3A_1238 = tpu.vector_load %arg7[%swap3A_1235, %swap3A_1236, %swap3A_1237] {strides = array<i32>} : memref<2x200x128xf32, #tpu.memory_space<vmem>>, vector<1x1x16xf32>,
          %swap3A_1239 = vector.shape_cast %swap3A_1238 : vector<1x1x16xf32> to vector<16xf32>
          %swap3A_1240 = vector.shape_cast %get3A_1234 : vector<16xf32> to vector<1x1x16xf32>
          tpu.vector_store %arg7[%swap3A_1235, %swap3A_1236, %swap3A_1237], %swap3A_1240 {strides = array<i32>} : memref<2x200x128xf32, #tpu.memory_space<vmem>>, vector<1x1x16xf32>,
          %get3A_1241 = arith.index_cast %mul3A_1216 : i32 to index
          %get3A_1242 = arith.constant 32 : index
          %get3A_1243 = tpu.vector_load %arg6[%get3A_1241, %get3A_1242] {strides = array<i32>} : memref<256x128xf32, #tpu.memory_space<vmem>>, vector<1x16xf32>,
          %get3A_1244 = vector.shape_cast %get3A_1243 : vector<1x16xf32> to vector<16xf32>
          %swap3A_1245 = arith.index_cast %rem3A_229 : i32 to index
          %swap3A_1246 = arith.index_cast %add3A_1220 : i32 to index
          %swap3A_1247 = arith.constant 32 : index
          %swap3A_1248 = tpu.vector_load %arg7[%swap3A_1245, %swap3A_1246, %swap3A_1247] {strides = array<i32>} : memref<2x200x128xf32, #tpu.memory_space<vmem>>, vector<1x1x16xf32>,
          %swap3A_1249 = vector.shape_cast %swap3A_1248 : vector<1x1x16xf32> to vector<16xf32>
          %swap3A_1250 = vector.shape_cast %get3A_1244 : vector<16xf32> to vector<1x1x16xf32>
          tpu.vector_store %arg7[%swap3A_1245, %swap3A_1246, %swap3A_1247], %swap3A_1250 {strides = array<i32>} : memref<2x200x128xf32, #tpu.memory_space<vmem>>, vector<1x1x16xf32>,
          %get3A_1251 = arith.index_cast %mul3A_1216 : i32 to index
          %get3A_1252 = arith.constant 48 : index
          %get3A_1253 = tpu.vector_load %arg6[%get3A_1251, %get3A_1252] {strides = array<i32>} : memref<256x128xf32, #tpu.memory_space<vmem>>, vector<1x16xf32>,
          %get3A_1254 = vector.shape_cast %get3A_1253 : vector<1x16xf32> to vector<16xf32>
          %swap3A_1255 = arith.index_cast %rem3A_229 : i32 to index
          %swap3A_1256 = arith.index_cast %add3A_1220 : i32 to index
          %swap3A_1257 = arith.constant 48 : index
          %swap3A_1258 = tpu.vector_load %arg7[%swap3A_1255, %swap3A_1256, %swap3A_1257] {strides = array<i32>} : memref<2x200x128xf32, #tpu.memory_space<vmem>>, vector<1x1x16xf32>,
          %swap3A_1259 = vector.shape_cast %swap3A_1258 : vector<1x1x16xf32> to vector<16xf32>
          %swap3A_1260 = vector.shape_cast %get3A_1254 : vector<16xf32> to vector<1x1x16xf32>
          tpu.vector_store %arg7[%swap3A_1255, %swap3A_1256, %swap3A_1257], %swap3A_1260 {strides = array<i32>} : memref<2x200x128xf32, #tpu.memory_space<vmem>>, vector<1x1x16xf32>,
          %get3A_1261 = arith.index_cast %mul3A_1216 : i32 to index
          %get3A_1262 = arith.constant 64 : index
          %get3A_1263 = tpu.vector_load %arg6[%get3A_1261, %get3A_1262] {strides = array<i32>} : memref<256x128xf32, #tpu.memory_space<vmem>>, vector<1x16xf32>,
          %get3A_1264 = vector.shape_cast %get3A_1263 : vector<1x16xf32> to vector<16xf32>
          %swap3A_1265 = arith.index_cast %rem3A_229 : i32 to index
          %swap3A_1266 = arith.index_cast %add3A_1220 : i32 to index
          %swap3A_1267 = arith.constant 64 : index
          %swap3A_1268 = tpu.vector_load %arg7[%swap3A_1265, %swap3A_1266, %swap3A_1267] {strides = array<i32>} : memref<2x200x128xf32, #tpu.memory_space<vmem>>, vector<1x1x16xf32>,
          %swap3A_1269 = vector.shape_cast %swap3A_1268 : vector<1x1x16xf32> to vector<16xf32>
          %swap3A_1270 = vector.shape_cast %get3A_1264 : vector<16xf32> to vector<1x1x16xf32>
          tpu.vector_store %arg7[%swap3A_1265, %swap3A_1266, %swap3A_1267], %swap3A_1270 {strides = array<i32>} : memref<2x200x128xf32, #tpu.memory_space<vmem>>, vector<1x1x16xf32>,
          %get3A_1271 = arith.index_cast %mul3A_1216 : i32 to index
          %get3A_1272 = arith.constant 80 : index
          %get3A_1273 = tpu.vector_load %arg6[%get3A_1271, %get3A_1272] {strides = array<i32>} : memref<256x128xf32, #tpu.memory_space<vmem>>, vector<1x16xf32>,
          %get3A_1274 = vector.shape_cast %get3A_1273 : vector<1x16xf32> to vector<16xf32>
          %swap3A_1275 = arith.index_cast %rem3A_229 : i32 to index
          %swap3A_1276 = arith.index_cast %add3A_1220 : i32 to index
          %swap3A_1277 = arith.constant 80 : index
          %swap3A_1278 = tpu.vector_load %arg7[%swap3A_1275, %swap3A_1276, %swap3A_1277] {strides = array<i32>} : memref<2x200x128xf32, #tpu.memory_space<vmem>>, vector<1x1x16xf32>,
          %swap3A_1279 = vector.shape_cast %swap3A_1278 : vector<1x1x16xf32> to vector<16xf32>
          %swap3A_1280 = vector.shape_cast %get3A_1274 : vector<16xf32> to vector<1x1x16xf32>
          tpu.vector_store %arg7[%swap3A_1275, %swap3A_1276, %swap3A_1277], %swap3A_1280 {strides = array<i32>} : memref<2x200x128xf32, #tpu.memory_space<vmem>>, vector<1x1x16xf32>,
          %get3A_1281 = arith.index_cast %mul3A_1216 : i32 to index
          %get3A_1282 = arith.constant 96 : index
          %get3A_1283 = tpu.vector_load %arg6[%get3A_1281, %get3A_1282] {strides = array<i32>} : memref<256x128xf32, #tpu.memory_space<vmem>>, vector<1x16xf32>,
          %get3A_1284 = vector.shape_cast %get3A_1283 : vector<1x16xf32> to vector<16xf32>
          %swap3A_1285 = arith.index_cast %rem3A_229 : i32 to index
          %swap3A_1286 = arith.index_cast %add3A_1220 : i32 to index
          %swap3A_1287 = arith.constant 96 : index
          %swap3A_1288 = tpu.vector_load %arg7[%swap3A_1285, %swap3A_1286, %swap3A_1287] {strides = array<i32>} : memref<2x200x128xf32, #tpu.memory_space<vmem>>, vector<1x1x16xf32>,
          %swap3A_1289 = vector.shape_cast %swap3A_1288 : vector<1x1x16xf32> to vector<16xf32>
          %swap3A_1290 = vector.shape_cast %get3A_1284 : vector<16xf32> to vector<1x1x16xf32>
          tpu.vector_store %arg7[%swap3A_1285, %swap3A_1286, %swap3A_1287], %swap3A_1290 {strides = array<i32>} : memref<2x200x128xf32, #tpu.memory_space<vmem>>, vector<1x1x16xf32>,
          %get3A_1291 = arith.index_cast %mul3A_1216 : i32 to index
          %get3A_1292 = arith.constant 112 : index
          %get3A_1293 = tpu.vector_load %arg6[%get3A_1291, %get3A_1292] {strides = array<i32>} : memref<256x128xf32, #tpu.memory_space<vmem>>, vector<1x16xf32>,
          %get3A_1294 = vector.shape_cast %get3A_1293 : vector<1x16xf32> to vector<16xf32>
          %swap3A_1295 = arith.index_cast %rem3A_229 : i32 to index
          %swap3A_1296 = arith.index_cast %add3A_1220 : i32 to index
          %swap3A_1297 = arith.constant 112 : index
          %swap3A_1298 = tpu.vector_load %arg7[%swap3A_1295, %swap3A_1296, %swap3A_1297] {strides = array<i32>} : memref<2x200x128xf32, #tpu.memory_space<vmem>>, vector<1x1x16xf32>,
          %swap3A_1299 = vector.shape_cast %swap3A_1298 : vector<1x1x16xf32> to vector<16xf32>
          %swap3A_1300 = vector.shape_cast %get3A_1294 : vector<16xf32> to vector<1x1x16xf32>
          tpu.vector_store %arg7[%swap3A_1295, %swap3A_1296, %swap3A_1297], %swap3A_1300 {strides = array<i32>} : memref<2x200x128xf32, #tpu.memory_space<vmem>>, vector<1x1x16xf32>,
          %slice3A_1301 = vector.extract_strided_slice %get3A_1027 {offsets = [3], sizes = [1], strides = [1]} : vector<16xi32> to vector<1xi32>
          %squeeze3A_1302 = vector.extract %slice3A_1301[0] : i32 from vector<1xi32>
          %ne3A_1303 = arith.constant 0 : i32
          %ne3A_1304 = arith.cmpi ne, %squeeze3A_1302, %ne3A_1303 : i32
          %convert_element_type3A_1305 = arith.extui %ne3A_1304 : i1 to i32
          %add3A_1306 = arith.addi %add3A_1215, %convert_element_type3A_1305 : i32
          %mul3A_1307 = arith.muli %add3A_1306, %convert_element_type3A_1305 : i32
          %mul3A_1308 = arith.constant 16 : i32
          %mul3A_1309 = arith.muli %scan3A_1020, %mul3A_1308 : i32
          %add3A_1310 = arith.constant 3 : i32
          %add3A_1311 = arith.addi %mul3A_1309, %add3A_1310 : i32
          %get3A_1312 = arith.index_cast %mul3A_1307 : i32 to index
          %get3A_1313 = arith.constant 0 : index
          %get3A_1314 = tpu.vector_load %arg6[%get3A_1312, %get3A_1313] {strides = array<i32>} : memref<256x128xf32, #tpu.memory_space<vmem>>, vector<1x16xf32>,
          %get3A_1315 = vector.shape_cast %get3A_1314 : vector<1x16xf32> to vector<16xf32>
          %swap3A_1316 = arith.index_cast %rem3A_229 : i32 to index
          %swap3A_1317 = arith.index_cast %add3A_1311 : i32 to index
          %swap3A_1318 = arith.constant 0 : index
          %swap3A_1319 = tpu.vector_load %arg7[%swap3A_1316, %swap3A_1317, %swap3A_1318] {strides = array<i32>} : memref<2x200x128xf32, #tpu.memory_space<vmem>>, vector<1x1x16xf32>,
          %swap3A_1320 = vector.shape_cast %swap3A_1319 : vector<1x1x16xf32> to vector<16xf32>
          %swap3A_1321 = vector.shape_cast %get3A_1315 : vector<16xf32> to vector<1x1x16xf32>
          tpu.vector_store %arg7[%swap3A_1316, %swap3A_1317, %swap3A_1318], %swap3A_1321 {strides = array<i32>} : memref<2x200x128xf32, #tpu.memory_space<vmem>>, vector<1x1x16xf32>,
          %get3A_1322 = arith.index_cast %mul3A_1307 : i32 to index
          %get3A_1323 = arith.constant 16 : index
          %get3A_1324 = tpu.vector_load %arg6[%get3A_1322, %get3A_1323] {strides = array<i32>} : memref<256x128xf32, #tpu.memory_space<vmem>>, vector<1x16xf32>,
          %get3A_1325 = vector.shape_cast %get3A_1324 : vector<1x16xf32> to vector<16xf32>
          %swap3A_1326 = arith.index_cast %rem3A_229 : i32 to index
          %swap3A_1327 = arith.index_cast %add3A_1311 : i32 to index
          %swap3A_1328 = arith.constant 16 : index
          %swap3A_1329 = tpu.vector_load %arg7[%swap3A_1326, %swap3A_1327, %swap3A_1328] {strides = array<i32>} : memref<2x200x128xf32, #tpu.memory_space<vmem>>, vector<1x1x16xf32>,
          %swap3A_1330 = vector.shape_cast %swap3A_1329 : vector<1x1x16xf32> to vector<16xf32>
          %swap3A_1331 = vector.shape_cast %get3A_1325 : vector<16xf32> to vector<1x1x16xf32>
          tpu.vector_store %arg7[%swap3A_1326, %swap3A_1327, %swap3A_1328], %swap3A_1331 {strides = array<i32>} : memref<2x200x128xf32, #tpu.memory_space<vmem>>, vector<1x1x16xf32>,
          %get3A_1332 = arith.index_cast %mul3A_1307 : i32 to index
          %get3A_1333 = arith.constant 32 : index
          %get3A_1334 = tpu.vector_load %arg6[%get3A_1332, %get3A_1333] {strides = array<i32>} : memref<256x128xf32, #tpu.memory_space<vmem>>, vector<1x16xf32>,
          %get3A_1335 = vector.shape_cast %get3A_1334 : vector<1x16xf32> to vector<16xf32>
          %swap3A_1336 = arith.index_cast %rem3A_229 : i32 to index
          %swap3A_1337 = arith.index_cast %add3A_1311 : i32 to index
          %swap3A_1338 = arith.constant 32 : index
          %swap3A_1339 = tpu.vector_load %arg7[%swap3A_1336, %swap3A_1337, %swap3A_1338] {strides = array<i32>} : memref<2x200x128xf32, #tpu.memory_space<vmem>>, vector<1x1x16xf32>,
          %swap3A_1340 = vector.shape_cast %swap3A_1339 : vector<1x1x16xf32> to vector<16xf32>
          %swap3A_1341 = vector.shape_cast %get3A_1335 : vector<16xf32> to vector<1x1x16xf32>
          tpu.vector_store %arg7[%swap3A_1336, %swap3A_1337, %swap3A_1338], %swap3A_1341 {strides = array<i32>} : memref<2x200x128xf32, #tpu.memory_space<vmem>>, vector<1x1x16xf32>,
          %get3A_1342 = arith.index_cast %mul3A_1307 : i32 to index
          %get3A_1343 = arith.constant 48 : index
          %get3A_1344 = tpu.vector_load %arg6[%get3A_1342, %get3A_1343] {strides = array<i32>} : memref<256x128xf32, #tpu.memory_space<vmem>>, vector<1x16xf32>,
          %get3A_1345 = vector.shape_cast %get3A_1344 : vector<1x16xf32> to vector<16xf32>
          %swap3A_1346 = arith.index_cast %rem3A_229 : i32 to index
          %swap3A_1347 = arith.index_cast %add3A_1311 : i32 to index
          %swap3A_1348 = arith.constant 48 : index
          %swap3A_1349 = tpu.vector_load %arg7[%swap3A_1346, %swap3A_1347, %swap3A_1348] {strides = array<i32>} : memref<2x200x128xf32, #tpu.memory_space<vmem>>, vector<1x1x16xf32>,
          %swap3A_1350 = vector.shape_cast %swap3A_1349 : vector<1x1x16xf32> to vector<16xf32>
          %swap3A_1351 = vector.shape_cast %get3A_1345 : vector<16xf32> to vector<1x1x16xf32>
          tpu.vector_store %arg7[%swap3A_1346, %swap3A_1347, %swap3A_1348], %swap3A_1351 {strides = array<i32>} : memref<2x200x128xf32, #tpu.memory_space<vmem>>, vector<1x1x16xf32>,
          %get3A_1352 = arith.index_cast %mul3A_1307 : i32 to index
          %get3A_1353 = arith.constant 64 : index
          %get3A_1354 = tpu.vector_load %arg6[%get3A_1352, %get3A_1353] {strides = array<i32>} : memref<256x128xf32, #tpu.memory_space<vmem>>, vector<1x16xf32>,
          %get3A_1355 = vector.shape_cast %get3A_1354 : vector<1x16xf32> to vector<16xf32>
          %swap3A_1356 = arith.index_cast %rem3A_229 : i32 to index
          %swap3A_1357 = arith.index_cast %add3A_1311 : i32 to index
          %swap3A_1358 = arith.constant 64 : index
          %swap3A_1359 = tpu.vector_load %arg7[%swap3A_1356, %swap3A_1357, %swap3A_1358] {strides = array<i32>} : memref<2x200x128xf32, #tpu.memory_space<vmem>>, vector<1x1x16xf32>,
          %swap3A_1360 = vector.shape_cast %swap3A_1359 : vector<1x1x16xf32> to vector<16xf32>
          %swap3A_1361 = vector.shape_cast %get3A_1355 : vector<16xf32> to vector<1x1x16xf32>
          tpu.vector_store %arg7[%swap3A_1356, %swap3A_1357, %swap3A_1358], %swap3A_1361 {strides = array<i32>} : memref<2x200x128xf32, #tpu.memory_space<vmem>>, vector<1x1x16xf32>,
          %get3A_1362 = arith.index_cast %mul3A_1307 : i32 to index
          %get3A_1363 = arith.constant 80 : index
          %get3A_1364 = tpu.vector_load %arg6[%get3A_1362, %get3A_1363] {strides = array<i32>} : memref<256x128xf32, #tpu.memory_space<vmem>>, vector<1x16xf32>,
          %get3A_1365 = vector.shape_cast %get3A_1364 : vector<1x16xf32> to vector<16xf32>
          %swap3A_1366 = arith.index_cast %rem3A_229 : i32 to index
          %swap3A_1367 = arith.index_cast %add3A_1311 : i32 to index
          %swap3A_1368 = arith.constant 80 : index
          %swap3A_1369 = tpu.vector_load %arg7[%swap3A_1366, %swap3A_1367, %swap3A_1368] {strides = array<i32>} : memref<2x200x128xf32, #tpu.memory_space<vmem>>, vector<1x1x16xf32>,
          %swap3A_1370 = vector.shape_cast %swap3A_1369 : vector<1x1x16xf32> to vector<16xf32>
          %swap3A_1371 = vector.shape_cast %get3A_1365 : vector<16xf32> to vector<1x1x16xf32>
          tpu.vector_store %arg7[%swap3A_1366, %swap3A_1367, %swap3A_1368], %swap3A_1371 {strides = array<i32>} : memref<2x200x128xf32, #tpu.memory_space<vmem>>, vector<1x1x16xf32>,
          %get3A_1372 = arith.index_cast %mul3A_1307 : i32 to index
          %get3A_1373 = arith.constant 96 : index
          %get3A_1374 = tpu.vector_load %arg6[%get3A_1372, %get3A_1373] {strides = array<i32>} : memref<256x128xf32, #tpu.memory_space<vmem>>, vector<1x16xf32>,
          %get3A_1375 = vector.shape_cast %get3A_1374 : vector<1x16xf32> to vector<16xf32>
          %swap3A_1376 = arith.index_cast %rem3A_229 : i32 to index
          %swap3A_1377 = arith.index_cast %add3A_1311 : i32 to index
          %swap3A_1378 = arith.constant 96 : index
          %swap3A_1379 = tpu.vector_load %arg7[%swap3A_1376, %swap3A_1377, %swap3A_1378] {strides = array<i32>} : memref<2x200x128xf32, #tpu.memory_space<vmem>>, vector<1x1x16xf32>,
          %swap3A_1380 = vector.shape_cast %swap3A_1379 : vector<1x1x16xf32> to vector<16xf32>
          %swap3A_1381 = vector.shape_cast %get3A_1375 : vector<16xf32> to vector<1x1x16xf32>
          tpu.vector_store %arg7[%swap3A_1376, %swap3A_1377, %swap3A_1378], %swap3A_1381 {strides = array<i32>} : memref<2x200x128xf32, #tpu.memory_space<vmem>>, vector<1x1x16xf32>,
          %get3A_1382 = arith.index_cast %mul3A_1307 : i32 to index
          %get3A_1383 = arith.constant 112 : index
          %get3A_1384 = tpu.vector_load %arg6[%get3A_1382, %get3A_1383] {strides = array<i32>} : memref<256x128xf32, #tpu.memory_space<vmem>>, vector<1x16xf32>,
          %get3A_1385 = vector.shape_cast %get3A_1384 : vector<1x16xf32> to vector<16xf32>
          %swap3A_1386 = arith.index_cast %rem3A_229 : i32 to index
          %swap3A_1387 = arith.index_cast %add3A_1311 : i32 to index
          %swap3A_1388 = arith.constant 112 : index
          %swap3A_1389 = tpu.vector_load %arg7[%swap3A_1386, %swap3A_1387, %swap3A_1388] {strides = array<i32>} : memref<2x200x128xf32, #tpu.memory_space<vmem>>, vector<1x1x16xf32>,
          %swap3A_1390 = vector.shape_cast %swap3A_1389 : vector<1x1x16xf32> to vector<16xf32>
          %swap3A_1391 = vector.shape_cast %get3A_1385 : vector<16xf32> to vector<1x1x16xf32>
          tpu.vector_store %arg7[%swap3A_1386, %swap3A_1387, %swap3A_1388], %swap3A_1391 {strides = array<i32>} : memref<2x200x128xf32, #tpu.memory_space<vmem>>, vector<1x1x16xf32>,
          %slice3A_1392 = vector.extract_strided_slice %get3A_1027 {offsets = [4], sizes = [1], strides = [1]} : vector<16xi32> to vector<1xi32>
          %squeeze3A_1393 = vector.extract %slice3A_1392[0] : i32 from vector<1xi32>
          %ne3A_1394 = arith.constant 0 : i32
          %ne3A_1395 = arith.cmpi ne, %squeeze3A_1393, %ne3A_1394 : i32
          %convert_element_type3A_1396 = arith.extui %ne3A_1395 : i1 to i32
          %add3A_1397 = arith.addi %add3A_1306, %convert_element_type3A_1396 : i32
          %mul3A_1398 = arith.muli %add3A_1397, %convert_element_type3A_1396 : i32
          %mul3A_1399 = arith.constant 16 : i32
          %mul3A_1400 = arith.muli %scan3A_1020, %mul3A_1399 : i32
          %add3A_1401 = arith.constant 4 : i32
          %add3A_1402 = arith.addi %mul3A_1400, %add3A_1401 : i32
          %get3A_1403 = arith.index_cast %mul3A_1398 : i32 to index
          %get3A_1404 = arith.constant 0 : index
          %get3A_1405 = tpu.vector_load %arg6[%get3A_1403, %get3A_1404] {strides = array<i32>} : memref<256x128xf32, #tpu.memory_space<vmem>>, vector<1x16xf32>,
          %get3A_1406 = vector.shape_cast %get3A_1405 : vector<1x16xf32> to vector<16xf32>
          %swap3A_1407 = arith.index_cast %rem3A_229 : i32 to index
          %swap3A_1408 = arith.index_cast %add3A_1402 : i32 to index
          %swap3A_1409 = arith.constant 0 : index
          %swap3A_1410 = tpu.vector_load %arg7[%swap3A_1407, %swap3A_1408, %swap3A_1409] {strides = array<i32>} : memref<2x200x128xf32, #tpu.memory_space<vmem>>, vector<1x1x16xf32>,
          %swap3A_1411 = vector.shape_cast %swap3A_1410 : vector<1x1x16xf32> to vector<16xf32>
          %swap3A_1412 = vector.shape_cast %get3A_1406 : vector<16xf32> to vector<1x1x16xf32>
          tpu.vector_store %arg7[%swap3A_1407, %swap3A_1408, %swap3A_1409], %swap3A_1412 {strides = array<i32>} : memref<2x200x128xf32, #tpu.memory_space<vmem>>, vector<1x1x16xf32>,
          %get3A_1413 = arith.index_cast %mul3A_1398 : i32 to index
          %get3A_1414 = arith.constant 16 : index
          %get3A_1415 = tpu.vector_load %arg6[%get3A_1413, %get3A_1414] {strides = array<i32>} : memref<256x128xf32, #tpu.memory_space<vmem>>, vector<1x16xf32>,
          %get3A_1416 = vector.shape_cast %get3A_1415 : vector<1x16xf32> to vector<16xf32>
          %swap3A_1417 = arith.index_cast %rem3A_229 : i32 to index
          %swap3A_1418 = arith.index_cast %add3A_1402 : i32 to index
          %swap3A_1419 = arith.constant 16 : index
          %swap3A_1420 = tpu.vector_load %arg7[%swap3A_1417, %swap3A_1418, %swap3A_1419] {strides = array<i32>} : memref<2x200x128xf32, #tpu.memory_space<vmem>>, vector<1x1x16xf32>,
          %swap3A_1421 = vector.shape_cast %swap3A_1420 : vector<1x1x16xf32> to vector<16xf32>
          %swap3A_1422 = vector.shape_cast %get3A_1416 : vector<16xf32> to vector<1x1x16xf32>
          tpu.vector_store %arg7[%swap3A_1417, %swap3A_1418, %swap3A_1419], %swap3A_1422 {strides = array<i32>} : memref<2x200x128xf32, #tpu.memory_space<vmem>>, vector<1x1x16xf32>,
          %get3A_1423 = arith.index_cast %mul3A_1398 : i32 to index
          %get3A_1424 = arith.constant 32 : index
          %get3A_1425 = tpu.vector_load %arg6[%get3A_1423, %get3A_1424] {strides = array<i32>} : memref<256x128xf32, #tpu.memory_space<vmem>>, vector<1x16xf32>,
          %get3A_1426 = vector.shape_cast %get3A_1425 : vector<1x16xf32> to vector<16xf32>
          %swap3A_1427 = arith.index_cast %rem3A_229 : i32 to index
          %swap3A_1428 = arith.index_cast %add3A_1402 : i32 to index
          %swap3A_1429 = arith.constant 32 : index
          %swap3A_1430 = tpu.vector_load %arg7[%swap3A_1427, %swap3A_1428, %swap3A_1429] {strides = array<i32>} : memref<2x200x128xf32, #tpu.memory_space<vmem>>, vector<1x1x16xf32>,
          %swap3A_1431 = vector.shape_cast %swap3A_1430 : vector<1x1x16xf32> to vector<16xf32>
          %swap3A_1432 = vector.shape_cast %get3A_1426 : vector<16xf32> to vector<1x1x16xf32>
          tpu.vector_store %arg7[%swap3A_1427, %swap3A_1428, %swap3A_1429], %swap3A_1432 {strides = array<i32>} : memref<2x200x128xf32, #tpu.memory_space<vmem>>, vector<1x1x16xf32>,
          %get3A_1433 = arith.index_cast %mul3A_1398 : i32 to index
          %get3A_1434 = arith.constant 48 : index
          %get3A_1435 = tpu.vector_load %arg6[%get3A_1433, %get3A_1434] {strides = array<i32>} : memref<256x128xf32, #tpu.memory_space<vmem>>, vector<1x16xf32>,
          %get3A_1436 = vector.shape_cast %get3A_1435 : vector<1x16xf32> to vector<16xf32>
          %swap3A_1437 = arith.index_cast %rem3A_229 : i32 to index
          %swap3A_1438 = arith.index_cast %add3A_1402 : i32 to index
          %swap3A_1439 = arith.constant 48 : index
          %swap3A_1440 = tpu.vector_load %arg7[%swap3A_1437, %swap3A_1438, %swap3A_1439] {strides = array<i32>} : memref<2x200x128xf32, #tpu.memory_space<vmem>>, vector<1x1x16xf32>,
          %swap3A_1441 = vector.shape_cast %swap3A_1440 : vector<1x1x16xf32> to vector<16xf32>
          %swap3A_1442 = vector.shape_cast %get3A_1436 : vector<16xf32> to vector<1x1x16xf32>
          tpu.vector_store %arg7[%swap3A_1437, %swap3A_1438, %swap3A_1439], %swap3A_1442 {strides = array<i32>} : memref<2x200x128xf32, #tpu.memory_space<vmem>>, vector<1x1x16xf32>,
          %get3A_1443 = arith.index_cast %mul3A_1398 : i32 to index
          %get3A_1444 = arith.constant 64 : index
          %get3A_1445 = tpu.vector_load %arg6[%get3A_1443, %get3A_1444] {strides = array<i32>} : memref<256x128xf32, #tpu.memory_space<vmem>>, vector<1x16xf32>,
          %get3A_1446 = vector.shape_cast %get3A_1445 : vector<1x16xf32> to vector<16xf32>
          %swap3A_1447 = arith.index_cast %rem3A_229 : i32 to index
          %swap3A_1448 = arith.index_cast %add3A_1402 : i32 to index
          %swap3A_1449 = arith.constant 64 : index
          %swap3A_1450 = tpu.vector_load %arg7[%swap3A_1447, %swap3A_1448, %swap3A_1449] {strides = array<i32>} : memref<2x200x128xf32, #tpu.memory_space<vmem>>, vector<1x1x16xf32>,
          %swap3A_1451 = vector.shape_cast %swap3A_1450 : vector<1x1x16xf32> to vector<16xf32>
          %swap3A_1452 = vector.shape_cast %get3A_1446 : vector<16xf32> to vector<1x1x16xf32>
          tpu.vector_store %arg7[%swap3A_1447, %swap3A_1448, %swap3A_1449], %swap3A_1452 {strides = array<i32>} : memref<2x200x128xf32, #tpu.memory_space<vmem>>, vector<1x1x16xf32>,
          %get3A_1453 = arith.index_cast %mul3A_1398 : i32 to index
          %get3A_1454 = arith.constant 80 : index
          %get3A_1455 = tpu.vector_load %arg6[%get3A_1453, %get3A_1454] {strides = array<i32>} : memref<256x128xf32, #tpu.memory_space<vmem>>, vector<1x16xf32>,
          %get3A_1456 = vector.shape_cast %get3A_1455 : vector<1x16xf32> to vector<16xf32>
          %swap3A_1457 = arith.index_cast %rem3A_229 : i32 to index
          %swap3A_1458 = arith.index_cast %add3A_1402 : i32 to index
          %swap3A_1459 = arith.constant 80 : index
          %swap3A_1460 = tpu.vector_load %arg7[%swap3A_1457, %swap3A_1458, %swap3A_1459] {strides = array<i32>} : memref<2x200x128xf32, #tpu.memory_space<vmem>>, vector<1x1x16xf32>,
          %swap3A_1461 = vector.shape_cast %swap3A_1460 : vector<1x1x16xf32> to vector<16xf32>
          %swap3A_1462 = vector.shape_cast %get3A_1456 : vector<16xf32> to vector<1x1x16xf32>
          tpu.vector_store %arg7[%swap3A_1457, %swap3A_1458, %swap3A_1459], %swap3A_1462 {strides = array<i32>} : memref<2x200x128xf32, #tpu.memory_space<vmem>>, vector<1x1x16xf32>,
          %get3A_1463 = arith.index_cast %mul3A_1398 : i32 to index
          %get3A_1464 = arith.constant 96 : index
          %get3A_1465 = tpu.vector_load %arg6[%get3A_1463, %get3A_1464] {strides = array<i32>} : memref<256x128xf32, #tpu.memory_space<vmem>>, vector<1x16xf32>,
          %get3A_1466 = vector.shape_cast %get3A_1465 : vector<1x16xf32> to vector<16xf32>
          %swap3A_1467 = arith.index_cast %rem3A_229 : i32 to index
          %swap3A_1468 = arith.index_cast %add3A_1402 : i32 to index
          %swap3A_1469 = arith.constant 96 : index
          %swap3A_1470 = tpu.vector_load %arg7[%swap3A_1467, %swap3A_1468, %swap3A_1469] {strides = array<i32>} : memref<2x200x128xf32, #tpu.memory_space<vmem>>, vector<1x1x16xf32>,
          %swap3A_1471 = vector.shape_cast %swap3A_1470 : vector<1x1x16xf32> to vector<16xf32>
          %swap3A_1472 = vector.shape_cast %get3A_1466 : vector<16xf32> to vector<1x1x16xf32>
          tpu.vector_store %arg7[%swap3A_1467, %swap3A_1468, %swap3A_1469], %swap3A_1472 {strides = array<i32>} : memref<2x200x128xf32, #tpu.memory_space<vmem>>, vector<1x1x16xf32>,
          %get3A_1473 = arith.index_cast %mul3A_1398 : i32 to index
          %get3A_1474 = arith.constant 112 : index
          %get3A_1475 = tpu.vector_load %arg6[%get3A_1473, %get3A_1474] {strides = array<i32>} : memref<256x128xf32, #tpu.memory_space<vmem>>, vector<1x16xf32>,
          %get3A_1476 = vector.shape_cast %get3A_1475 : vector<1x16xf32> to vector<16xf32>
          %swap3A_1477 = arith.index_cast %rem3A_229 : i32 to index
          %swap3A_1478 = arith.index_cast %add3A_1402 : i32 to index
          %swap3A_1479 = arith.constant 112 : index
          %swap3A_1480 = tpu.vector_load %arg7[%swap3A_1477, %swap3A_1478, %swap3A_1479] {strides = array<i32>} : memref<2x200x128xf32, #tpu.memory_space<vmem>>, vector<1x1x16xf32>,
          %swap3A_1481 = vector.shape_cast %swap3A_1480 : vector<1x1x16xf32> to vector<16xf32>
          %swap3A_1482 = vector.shape_cast %get3A_1476 : vector<16xf32> to vector<1x1x16xf32>
          tpu.vector_store %arg7[%swap3A_1477, %swap3A_1478, %swap3A_1479], %swap3A_1482 {strides = array<i32>} : memref<2x200x128xf32, #tpu.memory_space<vmem>>, vector<1x1x16xf32>,
          %slice3A_1483 = vector.extract_strided_slice %get3A_1027 {offsets = [5], sizes = [1], strides = [1]} : vector<16xi32> to vector<1xi32>
          %squeeze3A_1484 = vector.extract %slice3A_1483[0] : i32 from vector<1xi32>
          %ne3A_1485 = arith.constant 0 : i32
          %ne3A_1486 = arith.cmpi ne, %squeeze3A_1484, %ne3A_1485 : i32
          %convert_element_type3A_1487 = arith.extui %ne3A_1486 : i1 to i32
          %add3A_1488 = arith.addi %add3A_1397, %convert_element_type3A_1487 : i32
          %mul3A_1489 = arith.muli %add3A_1488, %convert_element_type3A_1487 : i32
          %mul3A_1490 = arith.constant 16 : i32
          %mul3A_1491 = arith.muli %scan3A_1020, %mul3A_1490 : i32
          %add3A_1492 = arith.constant 5 : i32
          %add3A_1493 = arith.addi %mul3A_1491, %add3A_1492 : i32
          %get3A_1494 = arith.index_cast %mul3A_1489 : i32 to index
          %get3A_1495 = arith.constant 0 : index
          %get3A_1496 = tpu.vector_load %arg6[%get3A_1494, %get3A_1495] {strides = array<i32>} : memref<256x128xf32, #tpu.memory_space<vmem>>, vector<1x16xf32>,
          %get3A_1497 = vector.shape_cast %get3A_1496 : vector<1x16xf32> to vector<16xf32>
          %swap3A_1498 = arith.index_cast %rem3A_229 : i32 to index
          %swap3A_1499 = arith.index_cast %add3A_1493 : i32 to index
          %swap3A_1500 = arith.constant 0 : index
          %swap3A_1501 = tpu.vector_load %arg7[%swap3A_1498, %swap3A_1499, %swap3A_1500] {strides = array<i32>} : memref<2x200x128xf32, #tpu.memory_space<vmem>>, vector<1x1x16xf32>,
          %swap3A_1502 = vector.shape_cast %swap3A_1501 : vector<1x1x16xf32> to vector<16xf32>
          %swap3A_1503 = vector.shape_cast %get3A_1497 : vector<16xf32> to vector<1x1x16xf32>
          tpu.vector_store %arg7[%swap3A_1498, %swap3A_1499, %swap3A_1500], %swap3A_1503 {strides = array<i32>} : memref<2x200x128xf32, #tpu.memory_space<vmem>>, vector<1x1x16xf32>,
          %get3A_1504 = arith.index_cast %mul3A_1489 : i32 to index
          %get3A_1505 = arith.constant 16 : index
          %get3A_1506 = tpu.vector_load %arg6[%get3A_1504, %get3A_1505] {strides = array<i32>} : memref<256x128xf32, #tpu.memory_space<vmem>>, vector<1x16xf32>,
          %get3A_1507 = vector.shape_cast %get3A_1506 : vector<1x16xf32> to vector<16xf32>
          %swap3A_1508 = arith.index_cast %rem3A_229 : i32 to index
          %swap3A_1509 = arith.index_cast %add3A_1493 : i32 to index
          %swap3A_1510 = arith.constant 16 : index
          %swap3A_1511 = tpu.vector_load %arg7[%swap3A_1508, %swap3A_1509, %swap3A_1510] {strides = array<i32>} : memref<2x200x128xf32, #tpu.memory_space<vmem>>, vector<1x1x16xf32>,
          %swap3A_1512 = vector.shape_cast %swap3A_1511 : vector<1x1x16xf32> to vector<16xf32>
          %swap3A_1513 = vector.shape_cast %get3A_1507 : vector<16xf32> to vector<1x1x16xf32>
          tpu.vector_store %arg7[%swap3A_1508, %swap3A_1509, %swap3A_1510], %swap3A_1513 {strides = array<i32>} : memref<2x200x128xf32, #tpu.memory_space<vmem>>, vector<1x1x16xf32>,
          %get3A_1514 = arith.index_cast %mul3A_1489 : i32 to index
          %get3A_1515 = arith.constant 32 : index
          %get3A_1516 = tpu.vector_load %arg6[%get3A_1514, %get3A_1515] {strides = array<i32>} : memref<256x128xf32, #tpu.memory_space<vmem>>, vector<1x16xf32>,
          %get3A_1517 = vector.shape_cast %get3A_1516 : vector<1x16xf32> to vector<16xf32>
          %swap3A_1518 = arith.index_cast %rem3A_229 : i32 to index
          %swap3A_1519 = arith.index_cast %add3A_1493 : i32 to index
          %swap3A_1520 = arith.constant 32 : index
          %swap3A_1521 = tpu.vector_load %arg7[%swap3A_1518, %swap3A_1519, %swap3A_1520] {strides = array<i32>} : memref<2x200x128xf32, #tpu.memory_space<vmem>>, vector<1x1x16xf32>,
          %swap3A_1522 = vector.shape_cast %swap3A_1521 : vector<1x1x16xf32> to vector<16xf32>
          %swap3A_1523 = vector.shape_cast %get3A_1517 : vector<16xf32> to vector<1x1x16xf32>
          tpu.vector_store %arg7[%swap3A_1518, %swap3A_1519, %swap3A_1520], %swap3A_1523 {strides = array<i32>} : memref<2x200x128xf32, #tpu.memory_space<vmem>>, vector<1x1x16xf32>,
          %get3A_1524 = arith.index_cast %mul3A_1489 : i32 to index
          %get3A_1525 = arith.constant 48 : index
          %get3A_1526 = tpu.vector_load %arg6[%get3A_1524, %get3A_1525] {strides = array<i32>} : memref<256x128xf32, #tpu.memory_space<vmem>>, vector<1x16xf32>,
          %get3A_1527 = vector.shape_cast %get3A_1526 : vector<1x16xf32> to vector<16xf32>
          %swap3A_1528 = arith.index_cast %rem3A_229 : i32 to index
          %swap3A_1529 = arith.index_cast %add3A_1493 : i32 to index
          %swap3A_1530 = arith.constant 48 : index
          %swap3A_1531 = tpu.vector_load %arg7[%swap3A_1528, %swap3A_1529, %swap3A_1530] {strides = array<i32>} : memref<2x200x128xf32, #tpu.memory_space<vmem>>, vector<1x1x16xf32>,
          %swap3A_1532 = vector.shape_cast %swap3A_1531 : vector<1x1x16xf32> to vector<16xf32>
          %swap3A_1533 = vector.shape_cast %get3A_1527 : vector<16xf32> to vector<1x1x16xf32>
          tpu.vector_store %arg7[%swap3A_1528, %swap3A_1529, %swap3A_1530], %swap3A_1533 {strides = array<i32>} : memref<2x200x128xf32, #tpu.memory_space<vmem>>, vector<1x1x16xf32>,
          %get3A_1534 = arith.index_cast %mul3A_1489 : i32 to index
          %get3A_1535 = arith.constant 64 : index
          %get3A_1536 = tpu.vector_load %arg6[%get3A_1534, %get3A_1535] {strides = array<i32>} : memref<256x128xf32, #tpu.memory_space<vmem>>, vector<1x16xf32>,
          %get3A_1537 = vector.shape_cast %get3A_1536 : vector<1x16xf32> to vector<16xf32>
          %swap3A_1538 = arith.index_cast %rem3A_229 : i32 to index
          %swap3A_1539 = arith.index_cast %add3A_1493 : i32 to index
          %swap3A_1540 = arith.constant 64 : index
          %swap3A_1541 = tpu.vector_load %arg7[%swap3A_1538, %swap3A_1539, %swap3A_1540] {strides = array<i32>} : memref<2x200x128xf32, #tpu.memory_space<vmem>>, vector<1x1x16xf32>,
          %swap3A_1542 = vector.shape_cast %swap3A_1541 : vector<1x1x16xf32> to vector<16xf32>
          %swap3A_1543 = vector.shape_cast %get3A_1537 : vector<16xf32> to vector<1x1x16xf32>
          tpu.vector_store %arg7[%swap3A_1538, %swap3A_1539, %swap3A_1540], %swap3A_1543 {strides = array<i32>} : memref<2x200x128xf32, #tpu.memory_space<vmem>>, vector<1x1x16xf32>,
          %get3A_1544 = arith.index_cast %mul3A_1489 : i32 to index
          %get3A_1545 = arith.constant 80 : index
          %get3A_1546 = tpu.vector_load %arg6[%get3A_1544, %get3A_1545] {strides = array<i32>} : memref<256x128xf32, #tpu.memory_space<vmem>>, vector<1x16xf32>,
          %get3A_1547 = vector.shape_cast %get3A_1546 : vector<1x16xf32> to vector<16xf32>
          %swap3A_1548 = arith.index_cast %rem3A_229 : i32 to index
          %swap3A_1549 = arith.index_cast %add3A_1493 : i32 to index
          %swap3A_1550 = arith.constant 80 : index
          %swap3A_1551 = tpu.vector_load %arg7[%swap3A_1548, %swap3A_1549, %swap3A_1550] {strides = array<i32>} : memref<2x200x128xf32, #tpu.memory_space<vmem>>, vector<1x1x16xf32>,
          %swap3A_1552 = vector.shape_cast %swap3A_1551 : vector<1x1x16xf32> to vector<16xf32>
          %swap3A_1553 = vector.shape_cast %get3A_1547 : vector<16xf32> to vector<1x1x16xf32>
          tpu.vector_store %arg7[%swap3A_1548, %swap3A_1549, %swap3A_1550], %swap3A_1553 {strides = array<i32>} : memref<2x200x128xf32, #tpu.memory_space<vmem>>, vector<1x1x16xf32>,
          %get3A_1554 = arith.index_cast %mul3A_1489 : i32 to index
          %get3A_1555 = arith.constant 96 : index
          %get3A_1556 = tpu.vector_load %arg6[%get3A_1554, %get3A_1555] {strides = array<i32>} : memref<256x128xf32, #tpu.memory_space<vmem>>, vector<1x16xf32>,
          %get3A_1557 = vector.shape_cast %get3A_1556 : vector<1x16xf32> to vector<16xf32>
          %swap3A_1558 = arith.index_cast %rem3A_229 : i32 to index
          %swap3A_1559 = arith.index_cast %add3A_1493 : i32 to index
          %swap3A_1560 = arith.constant 96 : index
          %swap3A_1561 = tpu.vector_load %arg7[%swap3A_1558, %swap3A_1559, %swap3A_1560] {strides = array<i32>} : memref<2x200x128xf32, #tpu.memory_space<vmem>>, vector<1x1x16xf32>,
          %swap3A_1562 = vector.shape_cast %swap3A_1561 : vector<1x1x16xf32> to vector<16xf32>
          %swap3A_1563 = vector.shape_cast %get3A_1557 : vector<16xf32> to vector<1x1x16xf32>
          tpu.vector_store %arg7[%swap3A_1558, %swap3A_1559, %swap3A_1560], %swap3A_1563 {strides = array<i32>} : memref<2x200x128xf32, #tpu.memory_space<vmem>>, vector<1x1x16xf32>,
          %get3A_1564 = arith.index_cast %mul3A_1489 : i32 to index
          %get3A_1565 = arith.constant 112 : index
          %get3A_1566 = tpu.vector_load %arg6[%get3A_1564, %get3A_1565] {strides = array<i32>} : memref<256x128xf32, #tpu.memory_space<vmem>>, vector<1x16xf32>,
          %get3A_1567 = vector.shape_cast %get3A_1566 : vector<1x16xf32> to vector<16xf32>
          %swap3A_1568 = arith.index_cast %rem3A_229 : i32 to index
          %swap3A_1569 = arith.index_cast %add3A_1493 : i32 to index
          %swap3A_1570 = arith.constant 112 : index
          %swap3A_1571 = tpu.vector_load %arg7[%swap3A_1568, %swap3A_1569, %swap3A_1570] {strides = array<i32>} : memref<2x200x128xf32, #tpu.memory_space<vmem>>, vector<1x1x16xf32>,
          %swap3A_1572 = vector.shape_cast %swap3A_1571 : vector<1x1x16xf32> to vector<16xf32>
          %swap3A_1573 = vector.shape_cast %get3A_1567 : vector<16xf32> to vector<1x1x16xf32>
          tpu.vector_store %arg7[%swap3A_1568, %swap3A_1569, %swap3A_1570], %swap3A_1573 {strides = array<i32>} : memref<2x200x128xf32, #tpu.memory_space<vmem>>, vector<1x1x16xf32>,
          %slice3A_1574 = vector.extract_strided_slice %get3A_1027 {offsets = [6], sizes = [1], strides = [1]} : vector<16xi32> to vector<1xi32>
          %squeeze3A_1575 = vector.extract %slice3A_1574[0] : i32 from vector<1xi32>
          %ne3A_1576 = arith.constant 0 : i32
          %ne3A_1577 = arith.cmpi ne, %squeeze3A_1575, %ne3A_1576 : i32
          %convert_element_type3A_1578 = arith.extui %ne3A_1577 : i1 to i32
          %add3A_1579 = arith.addi %add3A_1488, %convert_element_type3A_1578 : i32
          %mul3A_1580 = arith.muli %add3A_1579, %convert_element_type3A_1578 : i32
          %mul3A_1581 = arith.constant 16 : i32
          %mul3A_1582 = arith.muli %scan3A_1020, %mul3A_1581 : i32
          %add3A_1583 = arith.constant 6 : i32
          %add3A_1584 = arith.addi %mul3A_1582, %add3A_1583 : i32
          %get3A_1585 = arith.index_cast %mul3A_1580 : i32 to index
          %get3A_1586 = arith.constant 0 : index
          %get3A_1587 = tpu.vector_load %arg6[%get3A_1585, %get3A_1586] {strides = array<i32>} : memref<256x128xf32, #tpu.memory_space<vmem>>, vector<1x16xf32>,
          %get3A_1588 = vector.shape_cast %get3A_1587 : vector<1x16xf32> to vector<16xf32>
          %swap3A_1589 = arith.index_cast %rem3A_229 : i32 to index
          %swap3A_1590 = arith.index_cast %add3A_1584 : i32 to index
          %swap3A_1591 = arith.constant 0 : index
          %swap3A_1592 = tpu.vector_load %arg7[%swap3A_1589, %swap3A_1590, %swap3A_1591] {strides = array<i32>} : memref<2x200x128xf32, #tpu.memory_space<vmem>>, vector<1x1x16xf32>,
          %swap3A_1593 = vector.shape_cast %swap3A_1592 : vector<1x1x16xf32> to vector<16xf32>
          %swap3A_1594 = vector.shape_cast %get3A_1588 : vector<16xf32> to vector<1x1x16xf32>
          tpu.vector_store %arg7[%swap3A_1589, %swap3A_1590, %swap3A_1591], %swap3A_1594 {strides = array<i32>} : memref<2x200x128xf32, #tpu.memory_space<vmem>>, vector<1x1x16xf32>,
          %get3A_1595 = arith.index_cast %mul3A_1580 : i32 to index
          %get3A_1596 = arith.constant 16 : index
          %get3A_1597 = tpu.vector_load %arg6[%get3A_1595, %get3A_1596] {strides = array<i32>} : memref<256x128xf32, #tpu.memory_space<vmem>>, vector<1x16xf32>,
          %get3A_1598 = vector.shape_cast %get3A_1597 : vector<1x16xf32> to vector<16xf32>
          %swap3A_1599 = arith.index_cast %rem3A_229 : i32 to index
          %swap3A_1600 = arith.index_cast %add3A_1584 : i32 to index
          %swap3A_1601 = arith.constant 16 : index
          %swap3A_1602 = tpu.vector_load %arg7[%swap3A_1599, %swap3A_1600, %swap3A_1601] {strides = array<i32>} : memref<2x200x128xf32, #tpu.memory_space<vmem>>, vector<1x1x16xf32>,
          %swap3A_1603 = vector.shape_cast %swap3A_1602 : vector<1x1x16xf32> to vector<16xf32>
          %swap3A_1604 = vector.shape_cast %get3A_1598 : vector<16xf32> to vector<1x1x16xf32>
          tpu.vector_store %arg7[%swap3A_1599, %swap3A_1600, %swap3A_1601], %swap3A_1604 {strides = array<i32>} : memref<2x200x128xf32, #tpu.memory_space<vmem>>, vector<1x1x16xf32>,
          %get3A_1605 = arith.index_cast %mul3A_1580 : i32 to index
          %get3A_1606 = arith.constant 32 : index
          %get3A_1607 = tpu.vector_load %arg6[%get3A_1605, %get3A_1606] {strides = array<i32>} : memref<256x128xf32, #tpu.memory_space<vmem>>, vector<1x16xf32>,
          %get3A_1608 = vector.shape_cast %get3A_1607 : vector<1x16xf32> to vector<16xf32>
          %swap3A_1609 = arith.index_cast %rem3A_229 : i32 to index
          %swap3A_1610 = arith.index_cast %add3A_1584 : i32 to index
          %swap3A_1611 = arith.constant 32 : index
          %swap3A_1612 = tpu.vector_load %arg7[%swap3A_1609, %swap3A_1610, %swap3A_1611] {strides = array<i32>} : memref<2x200x128xf32, #tpu.memory_space<vmem>>, vector<1x1x16xf32>,
          %swap3A_1613 = vector.shape_cast %swap3A_1612 : vector<1x1x16xf32> to vector<16xf32>
          %swap3A_1614 = vector.shape_cast %get3A_1608 : vector<16xf32> to vector<1x1x16xf32>
          tpu.vector_store %arg7[%swap3A_1609, %swap3A_1610, %swap3A_1611], %swap3A_1614 {strides = array<i32>} : memref<2x200x128xf32, #tpu.memory_space<vmem>>, vector<1x1x16xf32>,
          %get3A_1615 = arith.index_cast %mul3A_1580 : i32 to index
          %get3A_1616 = arith.constant 48 : index
          %get3A_1617 = tpu.vector_load %arg6[%get3A_1615, %get3A_1616] {strides = array<i32>} : memref<256x128xf32, #tpu.memory_space<vmem>>, vector<1x16xf32>,
          %get3A_1618 = vector.shape_cast %get3A_1617 : vector<1x16xf32> to vector<16xf32>
          %swap3A_1619 = arith.index_cast %rem3A_229 : i32 to index
          %swap3A_1620 = arith.index_cast %add3A_1584 : i32 to index
          %swap3A_1621 = arith.constant 48 : index
          %swap3A_1622 = tpu.vector_load %arg7[%swap3A_1619, %swap3A_1620, %swap3A_1621] {strides = array<i32>} : memref<2x200x128xf32, #tpu.memory_space<vmem>>, vector<1x1x16xf32>,
          %swap3A_1623 = vector.shape_cast %swap3A_1622 : vector<1x1x16xf32> to vector<16xf32>
          %swap3A_1624 = vector.shape_cast %get3A_1618 : vector<16xf32> to vector<1x1x16xf32>
          tpu.vector_store %arg7[%swap3A_1619, %swap3A_1620, %swap3A_1621], %swap3A_1624 {strides = array<i32>} : memref<2x200x128xf32, #tpu.memory_space<vmem>>, vector<1x1x16xf32>,
          %get3A_1625 = arith.index_cast %mul3A_1580 : i32 to index
          %get3A_1626 = arith.constant 64 : index
          %get3A_1627 = tpu.vector_load %arg6[%get3A_1625, %get3A_1626] {strides = array<i32>} : memref<256x128xf32, #tpu.memory_space<vmem>>, vector<1x16xf32>,
          %get3A_1628 = vector.shape_cast %get3A_1627 : vector<1x16xf32> to vector<16xf32>
          %swap3A_1629 = arith.index_cast %rem3A_229 : i32 to index
          %swap3A_1630 = arith.index_cast %add3A_1584 : i32 to index
          %swap3A_1631 = arith.constant 64 : index
          %swap3A_1632 = tpu.vector_load %arg7[%swap3A_1629, %swap3A_1630, %swap3A_1631] {strides = array<i32>} : memref<2x200x128xf32, #tpu.memory_space<vmem>>, vector<1x1x16xf32>,
          %swap3A_1633 = vector.shape_cast %swap3A_1632 : vector<1x1x16xf32> to vector<16xf32>
          %swap3A_1634 = vector.shape_cast %get3A_1628 : vector<16xf32> to vector<1x1x16xf32>
          tpu.vector_store %arg7[%swap3A_1629, %swap3A_1630, %swap3A_1631], %swap3A_1634 {strides = array<i32>} : memref<2x200x128xf32, #tpu.memory_space<vmem>>, vector<1x1x16xf32>,
          %get3A_1635 = arith.index_cast %mul3A_1580 : i32 to index
          %get3A_1636 = arith.constant 80 : index
          %get3A_1637 = tpu.vector_load %arg6[%get3A_1635, %get3A_1636] {strides = array<i32>} : memref<256x128xf32, #tpu.memory_space<vmem>>, vector<1x16xf32>,
          %get3A_1638 = vector.shape_cast %get3A_1637 : vector<1x16xf32> to vector<16xf32>
          %swap3A_1639 = arith.index_cast %rem3A_229 : i32 to index
          %swap3A_1640 = arith.index_cast %add3A_1584 : i32 to index
          %swap3A_1641 = arith.constant 80 : index
          %swap3A_1642 = tpu.vector_load %arg7[%swap3A_1639, %swap3A_1640, %swap3A_1641] {strides = array<i32>} : memref<2x200x128xf32, #tpu.memory_space<vmem>>, vector<1x1x16xf32>,
          %swap3A_1643 = vector.shape_cast %swap3A_1642 : vector<1x1x16xf32> to vector<16xf32>
          %swap3A_1644 = vector.shape_cast %get3A_1638 : vector<16xf32> to vector<1x1x16xf32>
          tpu.vector_store %arg7[%swap3A_1639, %swap3A_1640, %swap3A_1641], %swap3A_1644 {strides = array<i32>} : memref<2x200x128xf32, #tpu.memory_space<vmem>>, vector<1x1x16xf32>,
          %get3A_1645 = arith.index_cast %mul3A_1580 : i32 to index
          %get3A_1646 = arith.constant 96 : index
          %get3A_1647 = tpu.vector_load %arg6[%get3A_1645, %get3A_1646] {strides = array<i32>} : memref<256x128xf32, #tpu.memory_space<vmem>>, vector<1x16xf32>,
          %get3A_1648 = vector.shape_cast %get3A_1647 : vector<1x16xf32> to vector<16xf32>
          %swap3A_1649 = arith.index_cast %rem3A_229 : i32 to index
          %swap3A_1650 = arith.index_cast %add3A_1584 : i32 to index
          %swap3A_1651 = arith.constant 96 : index
          %swap3A_1652 = tpu.vector_load %arg7[%swap3A_1649, %swap3A_1650, %swap3A_1651] {strides = array<i32>} : memref<2x200x128xf32, #tpu.memory_space<vmem>>, vector<1x1x16xf32>,
          %swap3A_1653 = vector.shape_cast %swap3A_1652 : vector<1x1x16xf32> to vector<16xf32>
          %swap3A_1654 = vector.shape_cast %get3A_1648 : vector<16xf32> to vector<1x1x16xf32>
          tpu.vector_store %arg7[%swap3A_1649, %swap3A_1650, %swap3A_1651], %swap3A_1654 {strides = array<i32>} : memref<2x200x128xf32, #tpu.memory_space<vmem>>, vector<1x1x16xf32>,
          %get3A_1655 = arith.index_cast %mul3A_1580 : i32 to index
          %get3A_1656 = arith.constant 112 : index
          %get3A_1657 = tpu.vector_load %arg6[%get3A_1655, %get3A_1656] {strides = array<i32>} : memref<256x128xf32, #tpu.memory_space<vmem>>, vector<1x16xf32>,
          %get3A_1658 = vector.shape_cast %get3A_1657 : vector<1x16xf32> to vector<16xf32>
          %swap3A_1659 = arith.index_cast %rem3A_229 : i32 to index
          %swap3A_1660 = arith.index_cast %add3A_1584 : i32 to index
          %swap3A_1661 = arith.constant 112 : index
          %swap3A_1662 = tpu.vector_load %arg7[%swap3A_1659, %swap3A_1660, %swap3A_1661] {strides = array<i32>} : memref<2x200x128xf32, #tpu.memory_space<vmem>>, vector<1x1x16xf32>,
          %swap3A_1663 = vector.shape_cast %swap3A_1662 : vector<1x1x16xf32> to vector<16xf32>
          %swap3A_1664 = vector.shape_cast %get3A_1658 : vector<16xf32> to vector<1x1x16xf32>
          tpu.vector_store %arg7[%swap3A_1659, %swap3A_1660, %swap3A_1661], %swap3A_1664 {strides = array<i32>} : memref<2x200x128xf32, #tpu.memory_space<vmem>>, vector<1x1x16xf32>,
          %slice3A_1665 = vector.extract_strided_slice %get3A_1027 {offsets = [7], sizes = [1], strides = [1]} : vector<16xi32> to vector<1xi32>
          %squeeze3A_1666 = vector.extract %slice3A_1665[0] : i32 from vector<1xi32>
          %ne3A_1667 = arith.constant 0 : i32
          %ne3A_1668 = arith.cmpi ne, %squeeze3A_1666, %ne3A_1667 : i32
          %convert_element_type3A_1669 = arith.extui %ne3A_1668 : i1 to i32
          %add3A_1670 = arith.addi %add3A_1579, %convert_element_type3A_1669 : i32
          %mul3A_1671 = arith.muli %add3A_1670, %convert_element_type3A_1669 : i32
          %mul3A_1672 = arith.constant 16 : i32
          %mul3A_1673 = arith.muli %scan3A_1020, %mul3A_1672 : i32
          %add3A_1674 = arith.constant 7 : i32
          %add3A_1675 = arith.addi %mul3A_1673, %add3A_1674 : i32
          %get3A_1676 = arith.index_cast %mul3A_1671 : i32 to index
          %get3A_1677 = arith.constant 0 : index
          %get3A_1678 = tpu.vector_load %arg6[%get3A_1676, %get3A_1677] {strides = array<i32>} : memref<256x128xf32, #tpu.memory_space<vmem>>, vector<1x16xf32>,
          %get3A_1679 = vector.shape_cast %get3A_1678 : vector<1x16xf32> to vector<16xf32>
          %swap3A_1680 = arith.index_cast %rem3A_229 : i32 to index
          %swap3A_1681 = arith.index_cast %add3A_1675 : i32 to index
          %swap3A_1682 = arith.constant 0 : index
          %swap3A_1683 = tpu.vector_load %arg7[%swap3A_1680, %swap3A_1681, %swap3A_1682] {strides = array<i32>} : memref<2x200x128xf32, #tpu.memory_space<vmem>>, vector<1x1x16xf32>,
          %swap3A_1684 = vector.shape_cast %swap3A_1683 : vector<1x1x16xf32> to vector<16xf32>
          %swap3A_1685 = vector.shape_cast %get3A_1679 : vector<16xf32> to vector<1x1x16xf32>
          tpu.vector_store %arg7[%swap3A_1680, %swap3A_1681, %swap3A_1682], %swap3A_1685 {strides = array<i32>} : memref<2x200x128xf32, #tpu.memory_space<vmem>>, vector<1x1x16xf32>,
          %get3A_1686 = arith.index_cast %mul3A_1671 : i32 to index
          %get3A_1687 = arith.constant 16 : index
          %get3A_1688 = tpu.vector_load %arg6[%get3A_1686, %get3A_1687] {strides = array<i32>} : memref<256x128xf32, #tpu.memory_space<vmem>>, vector<1x16xf32>,
          %get3A_1689 = vector.shape_cast %get3A_1688 : vector<1x16xf32> to vector<16xf32>
          %swap3A_1690 = arith.index_cast %rem3A_229 : i32 to index
          %swap3A_1691 = arith.index_cast %add3A_1675 : i32 to index
          %swap3A_1692 = arith.constant 16 : index
          %swap3A_1693 = tpu.vector_load %arg7[%swap3A_1690, %swap3A_1691, %swap3A_1692] {strides = array<i32>} : memref<2x200x128xf32, #tpu.memory_space<vmem>>, vector<1x1x16xf32>,
          %swap3A_1694 = vector.shape_cast %swap3A_1693 : vector<1x1x16xf32> to vector<16xf32>
          %swap3A_1695 = vector.shape_cast %get3A_1689 : vector<16xf32> to vector<1x1x16xf32>
          tpu.vector_store %arg7[%swap3A_1690, %swap3A_1691, %swap3A_1692], %swap3A_1695 {strides = array<i32>} : memref<2x200x128xf32, #tpu.memory_space<vmem>>, vector<1x1x16xf32>,
          %get3A_1696 = arith.index_cast %mul3A_1671 : i32 to index
          %get3A_1697 = arith.constant 32 : index
          %get3A_1698 = tpu.vector_load %arg6[%get3A_1696, %get3A_1697] {strides = array<i32>} : memref<256x128xf32, #tpu.memory_space<vmem>>, vector<1x16xf32>,
          %get3A_1699 = vector.shape_cast %get3A_1698 : vector<1x16xf32> to vector<16xf32>
          %swap3A_1700 = arith.index_cast %rem3A_229 : i32 to index
          %swap3A_1701 = arith.index_cast %add3A_1675 : i32 to index
          %swap3A_1702 = arith.constant 32 : index
          %swap3A_1703 = tpu.vector_load %arg7[%swap3A_1700, %swap3A_1701, %swap3A_1702] {strides = array<i32>} : memref<2x200x128xf32, #tpu.memory_space<vmem>>, vector<1x1x16xf32>,
          %swap3A_1704 = vector.shape_cast %swap3A_1703 : vector<1x1x16xf32> to vector<16xf32>
          %swap3A_1705 = vector.shape_cast %get3A_1699 : vector<16xf32> to vector<1x1x16xf32>
          tpu.vector_store %arg7[%swap3A_1700, %swap3A_1701, %swap3A_1702], %swap3A_1705 {strides = array<i32>} : memref<2x200x128xf32, #tpu.memory_space<vmem>>, vector<1x1x16xf32>,
          %get3A_1706 = arith.index_cast %mul3A_1671 : i32 to index
          %get3A_1707 = arith.constant 48 : index
          %get3A_1708 = tpu.vector_load %arg6[%get3A_1706, %get3A_1707] {strides = array<i32>} : memref<256x128xf32, #tpu.memory_space<vmem>>, vector<1x16xf32>,
          %get3A_1709 = vector.shape_cast %get3A_1708 : vector<1x16xf32> to vector<16xf32>
          %swap3A_1710 = arith.index_cast %rem3A_229 : i32 to index
          %swap3A_1711 = arith.index_cast %add3A_1675 : i32 to index
          %swap3A_1712 = arith.constant 48 : index
          %swap3A_1713 = tpu.vector_load %arg7[%swap3A_1710, %swap3A_1711, %swap3A_1712] {strides = array<i32>} : memref<2x200x128xf32, #tpu.memory_space<vmem>>, vector<1x1x16xf32>,
          %swap3A_1714 = vector.shape_cast %swap3A_1713 : vector<1x1x16xf32> to vector<16xf32>
          %swap3A_1715 = vector.shape_cast %get3A_1709 : vector<16xf32> to vector<1x1x16xf32>
          tpu.vector_store %arg7[%swap3A_1710, %swap3A_1711, %swap3A_1712], %swap3A_1715 {strides = array<i32>} : memref<2x200x128xf32, #tpu.memory_space<vmem>>, vector<1x1x16xf32>,
          %get3A_1716 = arith.index_cast %mul3A_1671 : i32 to index
          %get3A_1717 = arith.constant 64 : index
          %get3A_1718 = tpu.vector_load %arg6[%get3A_1716, %get3A_1717] {strides = array<i32>} : memref<256x128xf32, #tpu.memory_space<vmem>>, vector<1x16xf32>,
          %get3A_1719 = vector.shape_cast %get3A_1718 : vector<1x16xf32> to vector<16xf32>
          %swap3A_1720 = arith.index_cast %rem3A_229 : i32 to index
          %swap3A_1721 = arith.index_cast %add3A_1675 : i32 to index
          %swap3A_1722 = arith.constant 64 : index
          %swap3A_1723 = tpu.vector_load %arg7[%swap3A_1720, %swap3A_1721, %swap3A_1722] {strides = array<i32>} : memref<2x200x128xf32, #tpu.memory_space<vmem>>, vector<1x1x16xf32>,
          %swap3A_1724 = vector.shape_cast %swap3A_1723 : vector<1x1x16xf32> to vector<16xf32>
          %swap3A_1725 = vector.shape_cast %get3A_1719 : vector<16xf32> to vector<1x1x16xf32>
          tpu.vector_store %arg7[%swap3A_1720, %swap3A_1721, %swap3A_1722], %swap3A_1725 {strides = array<i32>} : memref<2x200x128xf32, #tpu.memory_space<vmem>>, vector<1x1x16xf32>,
          %get3A_1726 = arith.index_cast %mul3A_1671 : i32 to index
          %get3A_1727 = arith.constant 80 : index
          %get3A_1728 = tpu.vector_load %arg6[%get3A_1726, %get3A_1727] {strides = array<i32>} : memref<256x128xf32, #tpu.memory_space<vmem>>, vector<1x16xf32>,
          %get3A_1729 = vector.shape_cast %get3A_1728 : vector<1x16xf32> to vector<16xf32>
          %swap3A_1730 = arith.index_cast %rem3A_229 : i32 to index
          %swap3A_1731 = arith.index_cast %add3A_1675 : i32 to index
          %swap3A_1732 = arith.constant 80 : index
          %swap3A_1733 = tpu.vector_load %arg7[%swap3A_1730, %swap3A_1731, %swap3A_1732] {strides = array<i32>} : memref<2x200x128xf32, #tpu.memory_space<vmem>>, vector<1x1x16xf32>,
          %swap3A_1734 = vector.shape_cast %swap3A_1733 : vector<1x1x16xf32> to vector<16xf32>
          %swap3A_1735 = vector.shape_cast %get3A_1729 : vector<16xf32> to vector<1x1x16xf32>
          tpu.vector_store %arg7[%swap3A_1730, %swap3A_1731, %swap3A_1732], %swap3A_1735 {strides = array<i32>} : memref<2x200x128xf32, #tpu.memory_space<vmem>>, vector<1x1x16xf32>,
          %get3A_1736 = arith.index_cast %mul3A_1671 : i32 to index
          %get3A_1737 = arith.constant 96 : index
          %get3A_1738 = tpu.vector_load %arg6[%get3A_1736, %get3A_1737] {strides = array<i32>} : memref<256x128xf32, #tpu.memory_space<vmem>>, vector<1x16xf32>,
          %get3A_1739 = vector.shape_cast %get3A_1738 : vector<1x16xf32> to vector<16xf32>
          %swap3A_1740 = arith.index_cast %rem3A_229 : i32 to index
          %swap3A_1741 = arith.index_cast %add3A_1675 : i32 to index
          %swap3A_1742 = arith.constant 96 : index
          %swap3A_1743 = tpu.vector_load %arg7[%swap3A_1740, %swap3A_1741, %swap3A_1742] {strides = array<i32>} : memref<2x200x128xf32, #tpu.memory_space<vmem>>, vector<1x1x16xf32>,
          %swap3A_1744 = vector.shape_cast %swap3A_1743 : vector<1x1x16xf32> to vector<16xf32>
          %swap3A_1745 = vector.shape_cast %get3A_1739 : vector<16xf32> to vector<1x1x16xf32>
          tpu.vector_store %arg7[%swap3A_1740, %swap3A_1741, %swap3A_1742], %swap3A_1745 {strides = array<i32>} : memref<2x200x128xf32, #tpu.memory_space<vmem>>, vector<1x1x16xf32>,
          %get3A_1746 = arith.index_cast %mul3A_1671 : i32 to index
          %get3A_1747 = arith.constant 112 : index
          %get3A_1748 = tpu.vector_load %arg6[%get3A_1746, %get3A_1747] {strides = array<i32>} : memref<256x128xf32, #tpu.memory_space<vmem>>, vector<1x16xf32>,
          %get3A_1749 = vector.shape_cast %get3A_1748 : vector<1x16xf32> to vector<16xf32>
          %swap3A_1750 = arith.index_cast %rem3A_229 : i32 to index
          %swap3A_1751 = arith.index_cast %add3A_1675 : i32 to index
          %swap3A_1752 = arith.constant 112 : index
          %swap3A_1753 = tpu.vector_load %arg7[%swap3A_1750, %swap3A_1751, %swap3A_1752] {strides = array<i32>} : memref<2x200x128xf32, #tpu.memory_space<vmem>>, vector<1x1x16xf32>,
          %swap3A_1754 = vector.shape_cast %swap3A_1753 : vector<1x1x16xf32> to vector<16xf32>
          %swap3A_1755 = vector.shape_cast %get3A_1749 : vector<16xf32> to vector<1x1x16xf32>
          tpu.vector_store %arg7[%swap3A_1750, %swap3A_1751, %swap3A_1752], %swap3A_1755 {strides = array<i32>} : memref<2x200x128xf32, #tpu.memory_space<vmem>>, vector<1x1x16xf32>,
          %slice3A_1756 = vector.extract_strided_slice %get3A_1027 {offsets = [8], sizes = [1], strides = [1]} : vector<16xi32> to vector<1xi32>
          %squeeze3A_1757 = vector.extract %slice3A_1756[0] : i32 from vector<1xi32>
          %ne3A_1758 = arith.constant 0 : i32
          %ne3A_1759 = arith.cmpi ne, %squeeze3A_1757, %ne3A_1758 : i32
          %convert_element_type3A_1760 = arith.extui %ne3A_1759 : i1 to i32
          %add3A_1761 = arith.addi %add3A_1670, %convert_element_type3A_1760 : i32
          %mul3A_1762 = arith.muli %add3A_1761, %convert_element_type3A_1760 : i32
          %mul3A_1763 = arith.constant 16 : i32
          %mul3A_1764 = arith.muli %scan3A_1020, %mul3A_1763 : i32
          %add3A_1765 = arith.constant 8 : i32
          %add3A_1766 = arith.addi %mul3A_1764, %add3A_1765 : i32
          %get3A_1767 = arith.index_cast %mul3A_1762 : i32 to index
          %get3A_1768 = arith.constant 0 : index
          %get3A_1769 = tpu.vector_load %arg6[%get3A_1767, %get3A_1768] {strides = array<i32>} : memref<256x128xf32, #tpu.memory_space<vmem>>, vector<1x16xf32>,
          %get3A_1770 = vector.shape_cast %get3A_1769 : vector<1x16xf32> to vector<16xf32>
          %swap3A_1771 = arith.index_cast %rem3A_229 : i32 to index
          %swap3A_1772 = arith.index_cast %add3A_1766 : i32 to index
          %swap3A_1773 = arith.constant 0 : index
          %swap3A_1774 = tpu.vector_load %arg7[%swap3A_1771, %swap3A_1772, %swap3A_1773] {strides = array<i32>} : memref<2x200x128xf32, #tpu.memory_space<vmem>>, vector<1x1x16xf32>,
          %swap3A_1775 = vector.shape_cast %swap3A_1774 : vector<1x1x16xf32> to vector<16xf32>
          %swap3A_1776 = vector.shape_cast %get3A_1770 : vector<16xf32> to vector<1x1x16xf32>
          tpu.vector_store %arg7[%swap3A_1771, %swap3A_1772, %swap3A_1773], %swap3A_1776 {strides = array<i32>} : memref<2x200x128xf32, #tpu.memory_space<vmem>>, vector<1x1x16xf32>,
          %get3A_1777 = arith.index_cast %mul3A_1762 : i32 to index
          %get3A_1778 = arith.constant 16 : index
          %get3A_1779 = tpu.vector_load %arg6[%get3A_1777, %get3A_1778] {strides = array<i32>} : memref<256x128xf32, #tpu.memory_space<vmem>>, vector<1x16xf32>,
          %get3A_1780 = vector.shape_cast %get3A_1779 : vector<1x16xf32> to vector<16xf32>
          %swap3A_1781 = arith.index_cast %rem3A_229 : i32 to index
          %swap3A_1782 = arith.index_cast %add3A_1766 : i32 to index
          %swap3A_1783 = arith.constant 16 : index
          %swap3A_1784 = tpu.vector_load %arg7[%swap3A_1781, %swap3A_1782, %swap3A_1783] {strides = array<i32>} : memref<2x200x128xf32, #tpu.memory_space<vmem>>, vector<1x1x16xf32>,
          %swap3A_1785 = vector.shape_cast %swap3A_1784 : vector<1x1x16xf32> to vector<16xf32>
          %swap3A_1786 = vector.shape_cast %get3A_1780 : vector<16xf32> to vector<1x1x16xf32>
          tpu.vector_store %arg7[%swap3A_1781, %swap3A_1782, %swap3A_1783], %swap3A_1786 {strides = array<i32>} : memref<2x200x128xf32, #tpu.memory_space<vmem>>, vector<1x1x16xf32>,
          %get3A_1787 = arith.index_cast %mul3A_1762 : i32 to index
          %get3A_1788 = arith.constant 32 : index
          %get3A_1789 = tpu.vector_load %arg6[%get3A_1787, %get3A_1788] {strides = array<i32>} : memref<256x128xf32, #tpu.memory_space<vmem>>, vector<1x16xf32>,
          %get3A_1790 = vector.shape_cast %get3A_1789 : vector<1x16xf32> to vector<16xf32>
          %swap3A_1791 = arith.index_cast %rem3A_229 : i32 to index
          %swap3A_1792 = arith.index_cast %add3A_1766 : i32 to index
          %swap3A_1793 = arith.constant 32 : index
          %swap3A_1794 = tpu.vector_load %arg7[%swap3A_1791, %swap3A_1792, %swap3A_1793] {strides = array<i32>} : memref<2x200x128xf32, #tpu.memory_space<vmem>>, vector<1x1x16xf32>,
          %swap3A_1795 = vector.shape_cast %swap3A_1794 : vector<1x1x16xf32> to vector<16xf32>
          %swap3A_1796 = vector.shape_cast %get3A_1790 : vector<16xf32> to vector<1x1x16xf32>
          tpu.vector_store %arg7[%swap3A_1791, %swap3A_1792, %swap3A_1793], %swap3A_1796 {strides = array<i32>} : memref<2x200x128xf32, #tpu.memory_space<vmem>>, vector<1x1x16xf32>,
          %get3A_1797 = arith.index_cast %mul3A_1762 : i32 to index
          %get3A_1798 = arith.constant 48 : index
          %get3A_1799 = tpu.vector_load %arg6[%get3A_1797, %get3A_1798] {strides = array<i32>} : memref<256x128xf32, #tpu.memory_space<vmem>>, vector<1x16xf32>,
          %get3A_1800 = vector.shape_cast %get3A_1799 : vector<1x16xf32> to vector<16xf32>
          %swap3A_1801 = arith.index_cast %rem3A_229 : i32 to index
          %swap3A_1802 = arith.index_cast %add3A_1766 : i32 to index
          %swap3A_1803 = arith.constant 48 : index
          %swap3A_1804 = tpu.vector_load %arg7[%swap3A_1801, %swap3A_1802, %swap3A_1803] {strides = array<i32>} : memref<2x200x128xf32, #tpu.memory_space<vmem>>, vector<1x1x16xf32>,
          %swap3A_1805 = vector.shape_cast %swap3A_1804 : vector<1x1x16xf32> to vector<16xf32>
          %swap3A_1806 = vector.shape_cast %get3A_1800 : vector<16xf32> to vector<1x1x16xf32>
          tpu.vector_store %arg7[%swap3A_1801, %swap3A_1802, %swap3A_1803], %swap3A_1806 {strides = array<i32>} : memref<2x200x128xf32, #tpu.memory_space<vmem>>, vector<1x1x16xf32>,
          %get3A_1807 = arith.index_cast %mul3A_1762 : i32 to index
          %get3A_1808 = arith.constant 64 : index
          %get3A_1809 = tpu.vector_load %arg6[%get3A_1807, %get3A_1808] {strides = array<i32>} : memref<256x128xf32, #tpu.memory_space<vmem>>, vector<1x16xf32>,
          %get3A_1810 = vector.shape_cast %get3A_1809 : vector<1x16xf32> to vector<16xf32>
          %swap3A_1811 = arith.index_cast %rem3A_229 : i32 to index
          %swap3A_1812 = arith.index_cast %add3A_1766 : i32 to index
          %swap3A_1813 = arith.constant 64 : index
          %swap3A_1814 = tpu.vector_load %arg7[%swap3A_1811, %swap3A_1812, %swap3A_1813] {strides = array<i32>} : memref<2x200x128xf32, #tpu.memory_space<vmem>>, vector<1x1x16xf32>,
          %swap3A_1815 = vector.shape_cast %swap3A_1814 : vector<1x1x16xf32> to vector<16xf32>
          %swap3A_1816 = vector.shape_cast %get3A_1810 : vector<16xf32> to vector<1x1x16xf32>
          tpu.vector_store %arg7[%swap3A_1811, %swap3A_1812, %swap3A_1813], %swap3A_1816 {strides = array<i32>} : memref<2x200x128xf32, #tpu.memory_space<vmem>>, vector<1x1x16xf32>,
          %get3A_1817 = arith.index_cast %mul3A_1762 : i32 to index
          %get3A_1818 = arith.constant 80 : index
          %get3A_1819 = tpu.vector_load %arg6[%get3A_1817, %get3A_1818] {strides = array<i32>} : memref<256x128xf32, #tpu.memory_space<vmem>>, vector<1x16xf32>,
          %get3A_1820 = vector.shape_cast %get3A_1819 : vector<1x16xf32> to vector<16xf32>
          %swap3A_1821 = arith.index_cast %rem3A_229 : i32 to index
          %swap3A_1822 = arith.index_cast %add3A_1766 : i32 to index
          %swap3A_1823 = arith.constant 80 : index
          %swap3A_1824 = tpu.vector_load %arg7[%swap3A_1821, %swap3A_1822, %swap3A_1823] {strides = array<i32>} : memref<2x200x128xf32, #tpu.memory_space<vmem>>, vector<1x1x16xf32>,
          %swap3A_1825 = vector.shape_cast %swap3A_1824 : vector<1x1x16xf32> to vector<16xf32>
          %swap3A_1826 = vector.shape_cast %get3A_1820 : vector<16xf32> to vector<1x1x16xf32>
          tpu.vector_store %arg7[%swap3A_1821, %swap3A_1822, %swap3A_1823], %swap3A_1826 {strides = array<i32>} : memref<2x200x128xf32, #tpu.memory_space<vmem>>, vector<1x1x16xf32>,
          %get3A_1827 = arith.index_cast %mul3A_1762 : i32 to index
          %get3A_1828 = arith.constant 96 : index
          %get3A_1829 = tpu.vector_load %arg6[%get3A_1827, %get3A_1828] {strides = array<i32>} : memref<256x128xf32, #tpu.memory_space<vmem>>, vector<1x16xf32>,
          %get3A_1830 = vector.shape_cast %get3A_1829 : vector<1x16xf32> to vector<16xf32>
          %swap3A_1831 = arith.index_cast %rem3A_229 : i32 to index
          %swap3A_1832 = arith.index_cast %add3A_1766 : i32 to index
          %swap3A_1833 = arith.constant 96 : index
          %swap3A_1834 = tpu.vector_load %arg7[%swap3A_1831, %swap3A_1832, %swap3A_1833] {strides = array<i32>} : memref<2x200x128xf32, #tpu.memory_space<vmem>>, vector<1x1x16xf32>,
          %swap3A_1835 = vector.shape_cast %swap3A_1834 : vector<1x1x16xf32> to vector<16xf32>
          %swap3A_1836 = vector.shape_cast %get3A_1830 : vector<16xf32> to vector<1x1x16xf32>
          tpu.vector_store %arg7[%swap3A_1831, %swap3A_1832, %swap3A_1833], %swap3A_1836 {strides = array<i32>} : memref<2x200x128xf32, #tpu.memory_space<vmem>>, vector<1x1x16xf32>,
          %get3A_1837 = arith.index_cast %mul3A_1762 : i32 to index
          %get3A_1838 = arith.constant 112 : index
          %get3A_1839 = tpu.vector_load %arg6[%get3A_1837, %get3A_1838] {strides = array<i32>} : memref<256x128xf32, #tpu.memory_space<vmem>>, vector<1x16xf32>,
          %get3A_1840 = vector.shape_cast %get3A_1839 : vector<1x16xf32> to vector<16xf32>
          %swap3A_1841 = arith.index_cast %rem3A_229 : i32 to index
          %swap3A_1842 = arith.index_cast %add3A_1766 : i32 to index
          %swap3A_1843 = arith.constant 112 : index
          %swap3A_1844 = tpu.vector_load %arg7[%swap3A_1841, %swap3A_1842, %swap3A_1843] {strides = array<i32>} : memref<2x200x128xf32, #tpu.memory_space<vmem>>, vector<1x1x16xf32>,
          %swap3A_1845 = vector.shape_cast %swap3A_1844 : vector<1x1x16xf32> to vector<16xf32>
          %swap3A_1846 = vector.shape_cast %get3A_1840 : vector<16xf32> to vector<1x1x16xf32>
          tpu.vector_store %arg7[%swap3A_1841, %swap3A_1842, %swap3A_1843], %swap3A_1846 {strides = array<i32>} : memref<2x200x128xf32, #tpu.memory_space<vmem>>, vector<1x1x16xf32>,
          %slice3A_1847 = vector.extract_strided_slice %get3A_1027 {offsets = [9], sizes = [1], strides = [1]} : vector<16xi32> to vector<1xi32>
          %squeeze3A_1848 = vector.extract %slice3A_1847[0] : i32 from vector<1xi32>
          %ne3A_1849 = arith.constant 0 : i32
          %ne3A_1850 = arith.cmpi ne, %squeeze3A_1848, %ne3A_1849 : i32
          %convert_element_type3A_1851 = arith.extui %ne3A_1850 : i1 to i32
          %add3A_1852 = arith.addi %add3A_1761, %convert_element_type3A_1851 : i32
          %mul3A_1853 = arith.muli %add3A_1852, %convert_element_type3A_1851 : i32
          %mul3A_1854 = arith.constant 16 : i32
          %mul3A_1855 = arith.muli %scan3A_1020, %mul3A_1854 : i32
          %add3A_1856 = arith.constant 9 : i32
          %add3A_1857 = arith.addi %mul3A_1855, %add3A_1856 : i32
          %get3A_1858 = arith.index_cast %mul3A_1853 : i32 to index
          %get3A_1859 = arith.constant 0 : index
          %get3A_1860 = tpu.vector_load %arg6[%get3A_1858, %get3A_1859] {strides = array<i32>} : memref<256x128xf32, #tpu.memory_space<vmem>>, vector<1x16xf32>,
          %get3A_1861 = vector.shape_cast %get3A_1860 : vector<1x16xf32> to vector<16xf32>
          %swap3A_1862 = arith.index_cast %rem3A_229 : i32 to index
          %swap3A_1863 = arith.index_cast %add3A_1857 : i32 to index
          %swap3A_1864 = arith.constant 0 : index
          %swap3A_1865 = tpu.vector_load %arg7[%swap3A_1862, %swap3A_1863, %swap3A_1864] {strides = array<i32>} : memref<2x200x128xf32, #tpu.memory_space<vmem>>, vector<1x1x16xf32>,
          %swap3A_1866 = vector.shape_cast %swap3A_1865 : vector<1x1x16xf32> to vector<16xf32>
          %swap3A_1867 = vector.shape_cast %get3A_1861 : vector<16xf32> to vector<1x1x16xf32>
          tpu.vector_store %arg7[%swap3A_1862, %swap3A_1863, %swap3A_1864], %swap3A_1867 {strides = array<i32>} : memref<2x200x128xf32, #tpu.memory_space<vmem>>, vector<1x1x16xf32>,
          %get3A_1868 = arith.index_cast %mul3A_1853 : i32 to index
          %get3A_1869 = arith.constant 16 : index
          %get3A_1870 = tpu.vector_load %arg6[%get3A_1868, %get3A_1869] {strides = array<i32>} : memref<256x128xf32, #tpu.memory_space<vmem>>, vector<1x16xf32>,
          %get3A_1871 = vector.shape_cast %get3A_1870 : vector<1x16xf32> to vector<16xf32>
          %swap3A_1872 = arith.index_cast %rem3A_229 : i32 to index
          %swap3A_1873 = arith.index_cast %add3A_1857 : i32 to index
          %swap3A_1874 = arith.constant 16 : index
          %swap3A_1875 = tpu.vector_load %arg7[%swap3A_1872, %swap3A_1873, %swap3A_1874] {strides = array<i32>} : memref<2x200x128xf32, #tpu.memory_space<vmem>>, vector<1x1x16xf32>,
          %swap3A_1876 = vector.shape_cast %swap3A_1875 : vector<1x1x16xf32> to vector<16xf32>
          %swap3A_1877 = vector.shape_cast %get3A_1871 : vector<16xf32> to vector<1x1x16xf32>
          tpu.vector_store %arg7[%swap3A_1872, %swap3A_1873, %swap3A_1874], %swap3A_1877 {strides = array<i32>} : memref<2x200x128xf32, #tpu.memory_space<vmem>>, vector<1x1x16xf32>,
          %get3A_1878 = arith.index_cast %mul3A_1853 : i32 to index
          %get3A_1879 = arith.constant 32 : index
          %get3A_1880 = tpu.vector_load %arg6[%get3A_1878, %get3A_1879] {strides = array<i32>} : memref<256x128xf32, #tpu.memory_space<vmem>>, vector<1x16xf32>,
          %get3A_1881 = vector.shape_cast %get3A_1880 : vector<1x16xf32> to vector<16xf32>
          %swap3A_1882 = arith.index_cast %rem3A_229 : i32 to index
          %swap3A_1883 = arith.index_cast %add3A_1857 : i32 to index
          %swap3A_1884 = arith.constant 32 : index
          %swap3A_1885 = tpu.vector_load %arg7[%swap3A_1882, %swap3A_1883, %swap3A_1884] {strides = array<i32>} : memref<2x200x128xf32, #tpu.memory_space<vmem>>, vector<1x1x16xf32>,
          %swap3A_1886 = vector.shape_cast %swap3A_1885 : vector<1x1x16xf32> to vector<16xf32>
          %swap3A_1887 = vector.shape_cast %get3A_1881 : vector<16xf32> to vector<1x1x16xf32>
          tpu.vector_store %arg7[%swap3A_1882, %swap3A_1883, %swap3A_1884], %swap3A_1887 {strides = array<i32>} : memref<2x200x128xf32, #tpu.memory_space<vmem>>, vector<1x1x16xf32>,
          %get3A_1888 = arith.index_cast %mul3A_1853 : i32 to index
          %get3A_1889 = arith.constant 48 : index
          %get3A_1890 = tpu.vector_load %arg6[%get3A_1888, %get3A_1889] {strides = array<i32>} : memref<256x128xf32, #tpu.memory_space<vmem>>, vector<1x16xf32>,
          %get3A_1891 = vector.shape_cast %get3A_1890 : vector<1x16xf32> to vector<16xf32>
          %swap3A_1892 = arith.index_cast %rem3A_229 : i32 to index
          %swap3A_1893 = arith.index_cast %add3A_1857 : i32 to index
          %swap3A_1894 = arith.constant 48 : index
          %swap3A_1895 = tpu.vector_load %arg7[%swap3A_1892, %swap3A_1893, %swap3A_1894] {strides = array<i32>} : memref<2x200x128xf32, #tpu.memory_space<vmem>>, vector<1x1x16xf32>,
          %swap3A_1896 = vector.shape_cast %swap3A_1895 : vector<1x1x16xf32> to vector<16xf32>
          %swap3A_1897 = vector.shape_cast %get3A_1891 : vector<16xf32> to vector<1x1x16xf32>
          tpu.vector_store %arg7[%swap3A_1892, %swap3A_1893, %swap3A_1894], %swap3A_1897 {strides = array<i32>} : memref<2x200x128xf32, #tpu.memory_space<vmem>>, vector<1x1x16xf32>,
          %get3A_1898 = arith.index_cast %mul3A_1853 : i32 to index
          %get3A_1899 = arith.constant 64 : index
          %get3A_1900 = tpu.vector_load %arg6[%get3A_1898, %get3A_1899] {strides = array<i32>} : memref<256x128xf32, #tpu.memory_space<vmem>>, vector<1x16xf32>,
          %get3A_1901 = vector.shape_cast %get3A_1900 : vector<1x16xf32> to vector<16xf32>
          %swap3A_1902 = arith.index_cast %rem3A_229 : i32 to index
          %swap3A_1903 = arith.index_cast %add3A_1857 : i32 to index
          %swap3A_1904 = arith.constant 64 : index
          %swap3A_1905 = tpu.vector_load %arg7[%swap3A_1902, %swap3A_1903, %swap3A_1904] {strides = array<i32>} : memref<2x200x128xf32, #tpu.memory_space<vmem>>, vector<1x1x16xf32>,
          %swap3A_1906 = vector.shape_cast %swap3A_1905 : vector<1x1x16xf32> to vector<16xf32>
          %swap3A_1907 = vector.shape_cast %get3A_1901 : vector<16xf32> to vector<1x1x16xf32>
          tpu.vector_store %arg7[%swap3A_1902, %swap3A_1903, %swap3A_1904], %swap3A_1907 {strides = array<i32>} : memref<2x200x128xf32, #tpu.memory_space<vmem>>, vector<1x1x16xf32>,
          %get3A_1908 = arith.index_cast %mul3A_1853 : i32 to index
          %get3A_1909 = arith.constant 80 : index
          %get3A_1910 = tpu.vector_load %arg6[%get3A_1908, %get3A_1909] {strides = array<i32>} : memref<256x128xf32, #tpu.memory_space<vmem>>, vector<1x16xf32>,
          %get3A_1911 = vector.shape_cast %get3A_1910 : vector<1x16xf32> to vector<16xf32>
          %swap3A_1912 = arith.index_cast %rem3A_229 : i32 to index
          %swap3A_1913 = arith.index_cast %add3A_1857 : i32 to index
          %swap3A_1914 = arith.constant 80 : index
          %swap3A_1915 = tpu.vector_load %arg7[%swap3A_1912, %swap3A_1913, %swap3A_1914] {strides = array<i32>} : memref<2x200x128xf32, #tpu.memory_space<vmem>>, vector<1x1x16xf32>,
          %swap3A_1916 = vector.shape_cast %swap3A_1915 : vector<1x1x16xf32> to vector<16xf32>
          %swap3A_1917 = vector.shape_cast %get3A_1911 : vector<16xf32> to vector<1x1x16xf32>
          tpu.vector_store %arg7[%swap3A_1912, %swap3A_1913, %swap3A_1914], %swap3A_1917 {strides = array<i32>} : memref<2x200x128xf32, #tpu.memory_space<vmem>>, vector<1x1x16xf32>,
          %get3A_1918 = arith.index_cast %mul3A_1853 : i32 to index
          %get3A_1919 = arith.constant 96 : index
          %get3A_1920 = tpu.vector_load %arg6[%get3A_1918, %get3A_1919] {strides = array<i32>} : memref<256x128xf32, #tpu.memory_space<vmem>>, vector<1x16xf32>,
          %get3A_1921 = vector.shape_cast %get3A_1920 : vector<1x16xf32> to vector<16xf32>
          %swap3A_1922 = arith.index_cast %rem3A_229 : i32 to index
          %swap3A_1923 = arith.index_cast %add3A_1857 : i32 to index
          %swap3A_1924 = arith.constant 96 : index
          %swap3A_1925 = tpu.vector_load %arg7[%swap3A_1922, %swap3A_1923, %swap3A_1924] {strides = array<i32>} : memref<2x200x128xf32, #tpu.memory_space<vmem>>, vector<1x1x16xf32>,
          %swap3A_1926 = vector.shape_cast %swap3A_1925 : vector<1x1x16xf32> to vector<16xf32>
          %swap3A_1927 = vector.shape_cast %get3A_1921 : vector<16xf32> to vector<1x1x16xf32>
          tpu.vector_store %arg7[%swap3A_1922, %swap3A_1923, %swap3A_1924], %swap3A_1927 {strides = array<i32>} : memref<2x200x128xf32, #tpu.memory_space<vmem>>, vector<1x1x16xf32>,
          %get3A_1928 = arith.index_cast %mul3A_1853 : i32 to index
          %get3A_1929 = arith.constant 112 : index
          %get3A_1930 = tpu.vector_load %arg6[%get3A_1928, %get3A_1929] {strides = array<i32>} : memref<256x128xf32, #tpu.memory_space<vmem>>, vector<1x16xf32>,
          %get3A_1931 = vector.shape_cast %get3A_1930 : vector<1x16xf32> to vector<16xf32>
          %swap3A_1932 = arith.index_cast %rem3A_229 : i32 to index
          %swap3A_1933 = arith.index_cast %add3A_1857 : i32 to index
          %swap3A_1934 = arith.constant 112 : index
          %swap3A_1935 = tpu.vector_load %arg7[%swap3A_1932, %swap3A_1933, %swap3A_1934] {strides = array<i32>} : memref<2x200x128xf32, #tpu.memory_space<vmem>>, vector<1x1x16xf32>,
          %swap3A_1936 = vector.shape_cast %swap3A_1935 : vector<1x1x16xf32> to vector<16xf32>
          %swap3A_1937 = vector.shape_cast %get3A_1931 : vector<16xf32> to vector<1x1x16xf32>
          tpu.vector_store %arg7[%swap3A_1932, %swap3A_1933, %swap3A_1934], %swap3A_1937 {strides = array<i32>} : memref<2x200x128xf32, #tpu.memory_space<vmem>>, vector<1x1x16xf32>,
          %slice3A_1938 = vector.extract_strided_slice %get3A_1027 {offsets = [10], sizes = [1], strides = [1]} : vector<16xi32> to vector<1xi32>
          %squeeze3A_1939 = vector.extract %slice3A_1938[0] : i32 from vector<1xi32>
          %ne3A_1940 = arith.constant 0 : i32
          %ne3A_1941 = arith.cmpi ne, %squeeze3A_1939, %ne3A_1940 : i32
          %convert_element_type3A_1942 = arith.extui %ne3A_1941 : i1 to i32
          %add3A_1943 = arith.addi %add3A_1852, %convert_element_type3A_1942 : i32
          %mul3A_1944 = arith.muli %add3A_1943, %convert_element_type3A_1942 : i32
          %mul3A_1945 = arith.constant 16 : i32
          %mul3A_1946 = arith.muli %scan3A_1020, %mul3A_1945 : i32
          %add3A_1947 = arith.constant 10 : i32
          %add3A_1948 = arith.addi %mul3A_1946, %add3A_1947 : i32
          %get3A_1949 = arith.index_cast %mul3A_1944 : i32 to index
          %get3A_1950 = arith.constant 0 : index
          %get3A_1951 = tpu.vector_load %arg6[%get3A_1949, %get3A_1950] {strides = array<i32>} : memref<256x128xf32, #tpu.memory_space<vmem>>, vector<1x16xf32>,
          %get3A_1952 = vector.shape_cast %get3A_1951 : vector<1x16xf32> to vector<16xf32>
          %swap3A_1953 = arith.index_cast %rem3A_229 : i32 to index
          %swap3A_1954 = arith.index_cast %add3A_1948 : i32 to index
          %swap3A_1955 = arith.constant 0 : index
          %swap3A_1956 = tpu.vector_load %arg7[%swap3A_1953, %swap3A_1954, %swap3A_1955] {strides = array<i32>} : memref<2x200x128xf32, #tpu.memory_space<vmem>>, vector<1x1x16xf32>,
          %swap3A_1957 = vector.shape_cast %swap3A_1956 : vector<1x1x16xf32> to vector<16xf32>
          %swap3A_1958 = vector.shape_cast %get3A_1952 : vector<16xf32> to vector<1x1x16xf32>
          tpu.vector_store %arg7[%swap3A_1953, %swap3A_1954, %swap3A_1955], %swap3A_1958 {strides = array<i32>} : memref<2x200x128xf32, #tpu.memory_space<vmem>>, vector<1x1x16xf32>,
          %get3A_1959 = arith.index_cast %mul3A_1944 : i32 to index
          %get3A_1960 = arith.constant 16 : index
          %get3A_1961 = tpu.vector_load %arg6[%get3A_1959, %get3A_1960] {strides = array<i32>} : memref<256x128xf32, #tpu.memory_space<vmem>>, vector<1x16xf32>,
          %get3A_1962 = vector.shape_cast %get3A_1961 : vector<1x16xf32> to vector<16xf32>
          %swap3A_1963 = arith.index_cast %rem3A_229 : i32 to index
          %swap3A_1964 = arith.index_cast %add3A_1948 : i32 to index
          %swap3A_1965 = arith.constant 16 : index
          %swap3A_1966 = tpu.vector_load %arg7[%swap3A_1963, %swap3A_1964, %swap3A_1965] {strides = array<i32>} : memref<2x200x128xf32, #tpu.memory_space<vmem>>, vector<1x1x16xf32>,
          %swap3A_1967 = vector.shape_cast %swap3A_1966 : vector<1x1x16xf32> to vector<16xf32>
          %swap3A_1968 = vector.shape_cast %get3A_1962 : vector<16xf32> to vector<1x1x16xf32>
          tpu.vector_store %arg7[%swap3A_1963, %swap3A_1964, %swap3A_1965], %swap3A_1968 {strides = array<i32>} : memref<2x200x128xf32, #tpu.memory_space<vmem>>, vector<1x1x16xf32>,
          %get3A_1969 = arith.index_cast %mul3A_1944 : i32 to index
          %get3A_1970 = arith.constant 32 : index
          %get3A_1971 = tpu.vector_load %arg6[%get3A_1969, %get3A_1970] {strides = array<i32>} : memref<256x128xf32, #tpu.memory_space<vmem>>, vector<1x16xf32>,
          %get3A_1972 = vector.shape_cast %get3A_1971 : vector<1x16xf32> to vector<16xf32>
          %swap3A_1973 = arith.index_cast %rem3A_229 : i32 to index
          %swap3A_1974 = arith.index_cast %add3A_1948 : i32 to index
          %swap3A_1975 = arith.constant 32 : index
          %swap3A_1976 = tpu.vector_load %arg7[%swap3A_1973, %swap3A_1974, %swap3A_1975] {strides = array<i32>} : memref<2x200x128xf32, #tpu.memory_space<vmem>>, vector<1x1x16xf32>,
          %swap3A_1977 = vector.shape_cast %swap3A_1976 : vector<1x1x16xf32> to vector<16xf32>
          %swap3A_1978 = vector.shape_cast %get3A_1972 : vector<16xf32> to vector<1x1x16xf32>
          tpu.vector_store %arg7[%swap3A_1973, %swap3A_1974, %swap3A_1975], %swap3A_1978 {strides = array<i32>} : memref<2x200x128xf32, #tpu.memory_space<vmem>>, vector<1x1x16xf32>,
          %get3A_1979 = arith.index_cast %mul3A_1944 : i32 to index
          %get3A_1980 = arith.constant 48 : index
          %get3A_1981 = tpu.vector_load %arg6[%get3A_1979, %get3A_1980] {strides = array<i32>} : memref<256x128xf32, #tpu.memory_space<vmem>>, vector<1x16xf32>,
          %get3A_1982 = vector.shape_cast %get3A_1981 : vector<1x16xf32> to vector<16xf32>
          %swap3A_1983 = arith.index_cast %rem3A_229 : i32 to index
          %swap3A_1984 = arith.index_cast %add3A_1948 : i32 to index
          %swap3A_1985 = arith.constant 48 : index
          %swap3A_1986 = tpu.vector_load %arg7[%swap3A_1983, %swap3A_1984, %swap3A_1985] {strides = array<i32>} : memref<2x200x128xf32, #tpu.memory_space<vmem>>, vector<1x1x16xf32>,
          %swap3A_1987 = vector.shape_cast %swap3A_1986 : vector<1x1x16xf32> to vector<16xf32>
          %swap3A_1988 = vector.shape_cast %get3A_1982 : vector<16xf32> to vector<1x1x16xf32>
          tpu.vector_store %arg7[%swap3A_1983, %swap3A_1984, %swap3A_1985], %swap3A_1988 {strides = array<i32>} : memref<2x200x128xf32, #tpu.memory_space<vmem>>, vector<1x1x16xf32>,
          %get3A_1989 = arith.index_cast %mul3A_1944 : i32 to index
          %get3A_1990 = arith.constant 64 : index
          %get3A_1991 = tpu.vector_load %arg6[%get3A_1989, %get3A_1990] {strides = array<i32>} : memref<256x128xf32, #tpu.memory_space<vmem>>, vector<1x16xf32>,
          %get3A_1992 = vector.shape_cast %get3A_1991 : vector<1x16xf32> to vector<16xf32>
          %swap3A_1993 = arith.index_cast %rem3A_229 : i32 to index
          %swap3A_1994 = arith.index_cast %add3A_1948 : i32 to index
          %swap3A_1995 = arith.constant 64 : index
          %swap3A_1996 = tpu.vector_load %arg7[%swap3A_1993, %swap3A_1994, %swap3A_1995] {strides = array<i32>} : memref<2x200x128xf32, #tpu.memory_space<vmem>>, vector<1x1x16xf32>,
          %swap3A_1997 = vector.shape_cast %swap3A_1996 : vector<1x1x16xf32> to vector<16xf32>
          %swap3A_1998 = vector.shape_cast %get3A_1992 : vector<16xf32> to vector<1x1x16xf32>
          tpu.vector_store %arg7[%swap3A_1993, %swap3A_1994, %swap3A_1995], %swap3A_1998 {strides = array<i32>} : memref<2x200x128xf32, #tpu.memory_space<vmem>>, vector<1x1x16xf32>,
          %get3A_1999 = arith.index_cast %mul3A_1944 : i32 to index
          %get3A_2000 = arith.constant 80 : index
          %get3A_2001 = tpu.vector_load %arg6[%get3A_1999, %get3A_2000] {strides = array<i32>} : memref<256x128xf32, #tpu.memory_space<vmem>>, vector<1x16xf32>,
          %get3A_2002 = vector.shape_cast %get3A_2001 : vector<1x16xf32> to vector<16xf32>
          %swap3A_2003 = arith.index_cast %rem3A_229 : i32 to index
          %swap3A_2004 = arith.index_cast %add3A_1948 : i32 to index
          %swap3A_2005 = arith.constant 80 : index
          %swap3A_2006 = tpu.vector_load %arg7[%swap3A_2003, %swap3A_2004, %swap3A_2005] {strides = array<i32>} : memref<2x200x128xf32, #tpu.memory_space<vmem>>, vector<1x1x16xf32>,
          %swap3A_2007 = vector.shape_cast %swap3A_2006 : vector<1x1x16xf32> to vector<16xf32>
          %swap3A_2008 = vector.shape_cast %get3A_2002 : vector<16xf32> to vector<1x1x16xf32>
          tpu.vector_store %arg7[%swap3A_2003, %swap3A_2004, %swap3A_2005], %swap3A_2008 {strides = array<i32>} : memref<2x200x128xf32, #tpu.memory_space<vmem>>, vector<1x1x16xf32>,
          %get3A_2009 = arith.index_cast %mul3A_1944 : i32 to index
          %get3A_2010 = arith.constant 96 : index
          %get3A_2011 = tpu.vector_load %arg6[%get3A_2009, %get3A_2010] {strides = array<i32>} : memref<256x128xf32, #tpu.memory_space<vmem>>, vector<1x16xf32>,
          %get3A_2012 = vector.shape_cast %get3A_2011 : vector<1x16xf32> to vector<16xf32>
          %swap3A_2013 = arith.index_cast %rem3A_229 : i32 to index
          %swap3A_2014 = arith.index_cast %add3A_1948 : i32 to index
          %swap3A_2015 = arith.constant 96 : index
          %swap3A_2016 = tpu.vector_load %arg7[%swap3A_2013, %swap3A_2014, %swap3A_2015] {strides = array<i32>} : memref<2x200x128xf32, #tpu.memory_space<vmem>>, vector<1x1x16xf32>,
          %swap3A_2017 = vector.shape_cast %swap3A_2016 : vector<1x1x16xf32> to vector<16xf32>
          %swap3A_2018 = vector.shape_cast %get3A_2012 : vector<16xf32> to vector<1x1x16xf32>
          tpu.vector_store %arg7[%swap3A_2013, %swap3A_2014, %swap3A_2015], %swap3A_2018 {strides = array<i32>} : memref<2x200x128xf32, #tpu.memory_space<vmem>>, vector<1x1x16xf32>,
          %get3A_2019 = arith.index_cast %mul3A_1944 : i32 to index
          %get3A_2020 = arith.constant 112 : index
          %get3A_2021 = tpu.vector_load %arg6[%get3A_2019, %get3A_2020] {strides = array<i32>} : memref<256x128xf32, #tpu.memory_space<vmem>>, vector<1x16xf32>,
          %get3A_2022 = vector.shape_cast %get3A_2021 : vector<1x16xf32> to vector<16xf32>
          %swap3A_2023 = arith.index_cast %rem3A_229 : i32 to index
          %swap3A_2024 = arith.index_cast %add3A_1948 : i32 to index
          %swap3A_2025 = arith.constant 112 : index
          %swap3A_2026 = tpu.vector_load %arg7[%swap3A_2023, %swap3A_2024, %swap3A_2025] {strides = array<i32>} : memref<2x200x128xf32, #tpu.memory_space<vmem>>, vector<1x1x16xf32>,
          %swap3A_2027 = vector.shape_cast %swap3A_2026 : vector<1x1x16xf32> to vector<16xf32>
          %swap3A_2028 = vector.shape_cast %get3A_2022 : vector<16xf32> to vector<1x1x16xf32>
          tpu.vector_store %arg7[%swap3A_2023, %swap3A_2024, %swap3A_2025], %swap3A_2028 {strides = array<i32>} : memref<2x200x128xf32, #tpu.memory_space<vmem>>, vector<1x1x16xf32>,
          %slice3A_2029 = vector.extract_strided_slice %get3A_1027 {offsets = [11], sizes = [1], strides = [1]} : vector<16xi32> to vector<1xi32>
          %squeeze3A_2030 = vector.extract %slice3A_2029[0] : i32 from vector<1xi32>
          %ne3A_2031 = arith.constant 0 : i32
          %ne3A_2032 = arith.cmpi ne, %squeeze3A_2030, %ne3A_2031 : i32
          %convert_element_type3A_2033 = arith.extui %ne3A_2032 : i1 to i32
          %add3A_2034 = arith.addi %add3A_1943, %convert_element_type3A_2033 : i32
          %mul3A_2035 = arith.muli %add3A_2034, %convert_element_type3A_2033 : i32
          %mul3A_2036 = arith.constant 16 : i32
          %mul3A_2037 = arith.muli %scan3A_1020, %mul3A_2036 : i32
          %add3A_2038 = arith.constant 11 : i32
          %add3A_2039 = arith.addi %mul3A_2037, %add3A_2038 : i32
          %get3A_2040 = arith.index_cast %mul3A_2035 : i32 to index
          %get3A_2041 = arith.constant 0 : index
          %get3A_2042 = tpu.vector_load %arg6[%get3A_2040, %get3A_2041] {strides = array<i32>} : memref<256x128xf32, #tpu.memory_space<vmem>>, vector<1x16xf32>,
          %get3A_2043 = vector.shape_cast %get3A_2042 : vector<1x16xf32> to vector<16xf32>
          %swap3A_2044 = arith.index_cast %rem3A_229 : i32 to index
          %swap3A_2045 = arith.index_cast %add3A_2039 : i32 to index
          %swap3A_2046 = arith.constant 0 : index
          %swap3A_2047 = tpu.vector_load %arg7[%swap3A_2044, %swap3A_2045, %swap3A_2046] {strides = array<i32>} : memref<2x200x128xf32, #tpu.memory_space<vmem>>, vector<1x1x16xf32>,
          %swap3A_2048 = vector.shape_cast %swap3A_2047 : vector<1x1x16xf32> to vector<16xf32>
          %swap3A_2049 = vector.shape_cast %get3A_2043 : vector<16xf32> to vector<1x1x16xf32>
          tpu.vector_store %arg7[%swap3A_2044, %swap3A_2045, %swap3A_2046], %swap3A_2049 {strides = array<i32>} : memref<2x200x128xf32, #tpu.memory_space<vmem>>, vector<1x1x16xf32>,
          %get3A_2050 = arith.index_cast %mul3A_2035 : i32 to index
          %get3A_2051 = arith.constant 16 : index
          %get3A_2052 = tpu.vector_load %arg6[%get3A_2050, %get3A_2051] {strides = array<i32>} : memref<256x128xf32, #tpu.memory_space<vmem>>, vector<1x16xf32>,
          %get3A_2053 = vector.shape_cast %get3A_2052 : vector<1x16xf32> to vector<16xf32>
          %swap3A_2054 = arith.index_cast %rem3A_229 : i32 to index
          %swap3A_2055 = arith.index_cast %add3A_2039 : i32 to index
          %swap3A_2056 = arith.constant 16 : index
          %swap3A_2057 = tpu.vector_load %arg7[%swap3A_2054, %swap3A_2055, %swap3A_2056] {strides = array<i32>} : memref<2x200x128xf32, #tpu.memory_space<vmem>>, vector<1x1x16xf32>,
          %swap3A_2058 = vector.shape_cast %swap3A_2057 : vector<1x1x16xf32> to vector<16xf32>
          %swap3A_2059 = vector.shape_cast %get3A_2053 : vector<16xf32> to vector<1x1x16xf32>
          tpu.vector_store %arg7[%swap3A_2054, %swap3A_2055, %swap3A_2056], %swap3A_2059 {strides = array<i32>} : memref<2x200x128xf32, #tpu.memory_space<vmem>>, vector<1x1x16xf32>,
          %get3A_2060 = arith.index_cast %mul3A_2035 : i32 to index
          %get3A_2061 = arith.constant 32 : index
          %get3A_2062 = tpu.vector_load %arg6[%get3A_2060, %get3A_2061] {strides = array<i32>} : memref<256x128xf32, #tpu.memory_space<vmem>>, vector<1x16xf32>,
          %get3A_2063 = vector.shape_cast %get3A_2062 : vector<1x16xf32> to vector<16xf32>
          %swap3A_2064 = arith.index_cast %rem3A_229 : i32 to index
          %swap3A_2065 = arith.index_cast %add3A_2039 : i32 to index
          %swap3A_2066 = arith.constant 32 : index
          %swap3A_2067 = tpu.vector_load %arg7[%swap3A_2064, %swap3A_2065, %swap3A_2066] {strides = array<i32>} : memref<2x200x128xf32, #tpu.memory_space<vmem>>, vector<1x1x16xf32>,
          %swap3A_2068 = vector.shape_cast %swap3A_2067 : vector<1x1x16xf32> to vector<16xf32>
          %swap3A_2069 = vector.shape_cast %get3A_2063 : vector<16xf32> to vector<1x1x16xf32>
          tpu.vector_store %arg7[%swap3A_2064, %swap3A_2065, %swap3A_2066], %swap3A_2069 {strides = array<i32>} : memref<2x200x128xf32, #tpu.memory_space<vmem>>, vector<1x1x16xf32>,
          %get3A_2070 = arith.index_cast %mul3A_2035 : i32 to index
          %get3A_2071 = arith.constant 48 : index
          %get3A_2072 = tpu.vector_load %arg6[%get3A_2070, %get3A_2071] {strides = array<i32>} : memref<256x128xf32, #tpu.memory_space<vmem>>, vector<1x16xf32>,
          %get3A_2073 = vector.shape_cast %get3A_2072 : vector<1x16xf32> to vector<16xf32>
          %swap3A_2074 = arith.index_cast %rem3A_229 : i32 to index
          %swap3A_2075 = arith.index_cast %add3A_2039 : i32 to index
          %swap3A_2076 = arith.constant 48 : index
          %swap3A_2077 = tpu.vector_load %arg7[%swap3A_2074, %swap3A_2075, %swap3A_2076] {strides = array<i32>} : memref<2x200x128xf32, #tpu.memory_space<vmem>>, vector<1x1x16xf32>,
          %swap3A_2078 = vector.shape_cast %swap3A_2077 : vector<1x1x16xf32> to vector<16xf32>
          %swap3A_2079 = vector.shape_cast %get3A_2073 : vector<16xf32> to vector<1x1x16xf32>
          tpu.vector_store %arg7[%swap3A_2074, %swap3A_2075, %swap3A_2076], %swap3A_2079 {strides = array<i32>} : memref<2x200x128xf32, #tpu.memory_space<vmem>>, vector<1x1x16xf32>,
          %get3A_2080 = arith.index_cast %mul3A_2035 : i32 to index
          %get3A_2081 = arith.constant 64 : index
          %get3A_2082 = tpu.vector_load %arg6[%get3A_2080, %get3A_2081] {strides = array<i32>} : memref<256x128xf32, #tpu.memory_space<vmem>>, vector<1x16xf32>,
          %get3A_2083 = vector.shape_cast %get3A_2082 : vector<1x16xf32> to vector<16xf32>
          %swap3A_2084 = arith.index_cast %rem3A_229 : i32 to index
          %swap3A_2085 = arith.index_cast %add3A_2039 : i32 to index
          %swap3A_2086 = arith.constant 64 : index
          %swap3A_2087 = tpu.vector_load %arg7[%swap3A_2084, %swap3A_2085, %swap3A_2086] {strides = array<i32>} : memref<2x200x128xf32, #tpu.memory_space<vmem>>, vector<1x1x16xf32>,
          %swap3A_2088 = vector.shape_cast %swap3A_2087 : vector<1x1x16xf32> to vector<16xf32>
          %swap3A_2089 = vector.shape_cast %get3A_2083 : vector<16xf32> to vector<1x1x16xf32>
          tpu.vector_store %arg7[%swap3A_2084, %swap3A_2085, %swap3A_2086], %swap3A_2089 {strides = array<i32>} : memref<2x200x128xf32, #tpu.memory_space<vmem>>, vector<1x1x16xf32>,
          %get3A_2090 = arith.index_cast %mul3A_2035 : i32 to index
          %get3A_2091 = arith.constant 80 : index
          %get3A_2092 = tpu.vector_load %arg6[%get3A_2090, %get3A_2091] {strides = array<i32>} : memref<256x128xf32, #tpu.memory_space<vmem>>, vector<1x16xf32>,
          %get3A_2093 = vector.shape_cast %get3A_2092 : vector<1x16xf32> to vector<16xf32>
          %swap3A_2094 = arith.index_cast %rem3A_229 : i32 to index
          %swap3A_2095 = arith.index_cast %add3A_2039 : i32 to index
          %swap3A_2096 = arith.constant 80 : index
          %swap3A_2097 = tpu.vector_load %arg7[%swap3A_2094, %swap3A_2095, %swap3A_2096] {strides = array<i32>} : memref<2x200x128xf32, #tpu.memory_space<vmem>>, vector<1x1x16xf32>,
          %swap3A_2098 = vector.shape_cast %swap3A_2097 : vector<1x1x16xf32> to vector<16xf32>
          %swap3A_2099 = vector.shape_cast %get3A_2093 : vector<16xf32> to vector<1x1x16xf32>
          tpu.vector_store %arg7[%swap3A_2094, %swap3A_2095, %swap3A_2096], %swap3A_2099 {strides = array<i32>} : memref<2x200x128xf32, #tpu.memory_space<vmem>>, vector<1x1x16xf32>,
          %get3A_2100 = arith.index_cast %mul3A_2035 : i32 to index
          %get3A_2101 = arith.constant 96 : index
          %get3A_2102 = tpu.vector_load %arg6[%get3A_2100, %get3A_2101] {strides = array<i32>} : memref<256x128xf32, #tpu.memory_space<vmem>>, vector<1x16xf32>,
          %get3A_2103 = vector.shape_cast %get3A_2102 : vector<1x16xf32> to vector<16xf32>
          %swap3A_2104 = arith.index_cast %rem3A_229 : i32 to index
          %swap3A_2105 = arith.index_cast %add3A_2039 : i32 to index
          %swap3A_2106 = arith.constant 96 : index
          %swap3A_2107 = tpu.vector_load %arg7[%swap3A_2104, %swap3A_2105, %swap3A_2106] {strides = array<i32>} : memref<2x200x128xf32, #tpu.memory_space<vmem>>, vector<1x1x16xf32>,
          %swap3A_2108 = vector.shape_cast %swap3A_2107 : vector<1x1x16xf32> to vector<16xf32>
          %swap3A_2109 = vector.shape_cast %get3A_2103 : vector<16xf32> to vector<1x1x16xf32>
          tpu.vector_store %arg7[%swap3A_2104, %swap3A_2105, %swap3A_2106], %swap3A_2109 {strides = array<i32>} : memref<2x200x128xf32, #tpu.memory_space<vmem>>, vector<1x1x16xf32>,
          %get3A_2110 = arith.index_cast %mul3A_2035 : i32 to index
          %get3A_2111 = arith.constant 112 : index
          %get3A_2112 = tpu.vector_load %arg6[%get3A_2110, %get3A_2111] {strides = array<i32>} : memref<256x128xf32, #tpu.memory_space<vmem>>, vector<1x16xf32>,
          %get3A_2113 = vector.shape_cast %get3A_2112 : vector<1x16xf32> to vector<16xf32>
          %swap3A_2114 = arith.index_cast %rem3A_229 : i32 to index
          %swap3A_2115 = arith.index_cast %add3A_2039 : i32 to index
          %swap3A_2116 = arith.constant 112 : index
          %swap3A_2117 = tpu.vector_load %arg7[%swap3A_2114, %swap3A_2115, %swap3A_2116] {strides = array<i32>} : memref<2x200x128xf32, #tpu.memory_space<vmem>>, vector<1x1x16xf32>,
          %swap3A_2118 = vector.shape_cast %swap3A_2117 : vector<1x1x16xf32> to vector<16xf32>
          %swap3A_2119 = vector.shape_cast %get3A_2113 : vector<16xf32> to vector<1x1x16xf32>
          tpu.vector_store %arg7[%swap3A_2114, %swap3A_2115, %swap3A_2116], %swap3A_2119 {strides = array<i32>} : memref<2x200x128xf32, #tpu.memory_space<vmem>>, vector<1x1x16xf32>,
          %slice3A_2120 = vector.extract_strided_slice %get3A_1027 {offsets = [12], sizes = [1], strides = [1]} : vector<16xi32> to vector<1xi32>
          %squeeze3A_2121 = vector.extract %slice3A_2120[0] : i32 from vector<1xi32>
          %ne3A_2122 = arith.constant 0 : i32
          %ne3A_2123 = arith.cmpi ne, %squeeze3A_2121, %ne3A_2122 : i32
          %convert_element_type3A_2124 = arith.extui %ne3A_2123 : i1 to i32
          %add3A_2125 = arith.addi %add3A_2034, %convert_element_type3A_2124 : i32
          %mul3A_2126 = arith.muli %add3A_2125, %convert_element_type3A_2124 : i32
          %mul3A_2127 = arith.constant 16 : i32
          %mul3A_2128 = arith.muli %scan3A_1020, %mul3A_2127 : i32
          %add3A_2129 = arith.constant 12 : i32
          %add3A_2130 = arith.addi %mul3A_2128, %add3A_2129 : i32
          %get3A_2131 = arith.index_cast %mul3A_2126 : i32 to index
          %get3A_2132 = arith.constant 0 : index
          %get3A_2133 = tpu.vector_load %arg6[%get3A_2131, %get3A_2132] {strides = array<i32>} : memref<256x128xf32, #tpu.memory_space<vmem>>, vector<1x16xf32>,
          %get3A_2134 = vector.shape_cast %get3A_2133 : vector<1x16xf32> to vector<16xf32>
          %swap3A_2135 = arith.index_cast %rem3A_229 : i32 to index
          %swap3A_2136 = arith.index_cast %add3A_2130 : i32 to index
          %swap3A_2137 = arith.constant 0 : index
          %swap3A_2138 = tpu.vector_load %arg7[%swap3A_2135, %swap3A_2136, %swap3A_2137] {strides = array<i32>} : memref<2x200x128xf32, #tpu.memory_space<vmem>>, vector<1x1x16xf32>,
          %swap3A_2139 = vector.shape_cast %swap3A_2138 : vector<1x1x16xf32> to vector<16xf32>
          %swap3A_2140 = vector.shape_cast %get3A_2134 : vector<16xf32> to vector<1x1x16xf32>
          tpu.vector_store %arg7[%swap3A_2135, %swap3A_2136, %swap3A_2137], %swap3A_2140 {strides = array<i32>} : memref<2x200x128xf32, #tpu.memory_space<vmem>>, vector<1x1x16xf32>,
          %get3A_2141 = arith.index_cast %mul3A_2126 : i32 to index
          %get3A_2142 = arith.constant 16 : index
          %get3A_2143 = tpu.vector_load %arg6[%get3A_2141, %get3A_2142] {strides = array<i32>} : memref<256x128xf32, #tpu.memory_space<vmem>>, vector<1x16xf32>,
          %get3A_2144 = vector.shape_cast %get3A_2143 : vector<1x16xf32> to vector<16xf32>
          %swap3A_2145 = arith.index_cast %rem3A_229 : i32 to index
          %swap3A_2146 = arith.index_cast %add3A_2130 : i32 to index
          %swap3A_2147 = arith.constant 16 : index
          %swap3A_2148 = tpu.vector_load %arg7[%swap3A_2145, %swap3A_2146, %swap3A_2147] {strides = array<i32>} : memref<2x200x128xf32, #tpu.memory_space<vmem>>, vector<1x1x16xf32>,
          %swap3A_2149 = vector.shape_cast %swap3A_2148 : vector<1x1x16xf32> to vector<16xf32>
          %swap3A_2150 = vector.shape_cast %get3A_2144 : vector<16xf32> to vector<1x1x16xf32>
          tpu.vector_store %arg7[%swap3A_2145, %swap3A_2146, %swap3A_2147], %swap3A_2150 {strides = array<i32>} : memref<2x200x128xf32, #tpu.memory_space<vmem>>, vector<1x1x16xf32>,
          %get3A_2151 = arith.index_cast %mul3A_2126 : i32 to index
          %get3A_2152 = arith.constant 32 : index
          %get3A_2153 = tpu.vector_load %arg6[%get3A_2151, %get3A_2152] {strides = array<i32>} : memref<256x128xf32, #tpu.memory_space<vmem>>, vector<1x16xf32>,
          %get3A_2154 = vector.shape_cast %get3A_2153 : vector<1x16xf32> to vector<16xf32>
          %swap3A_2155 = arith.index_cast %rem3A_229 : i32 to index
          %swap3A_2156 = arith.index_cast %add3A_2130 : i32 to index
          %swap3A_2157 = arith.constant 32 : index
          %swap3A_2158 = tpu.vector_load %arg7[%swap3A_2155, %swap3A_2156, %swap3A_2157] {strides = array<i32>} : memref<2x200x128xf32, #tpu.memory_space<vmem>>, vector<1x1x16xf32>,
          %swap3A_2159 = vector.shape_cast %swap3A_2158 : vector<1x1x16xf32> to vector<16xf32>
          %swap3A_2160 = vector.shape_cast %get3A_2154 : vector<16xf32> to vector<1x1x16xf32>
          tpu.vector_store %arg7[%swap3A_2155, %swap3A_2156, %swap3A_2157], %swap3A_2160 {strides = array<i32>} : memref<2x200x128xf32, #tpu.memory_space<vmem>>, vector<1x1x16xf32>,
          %get3A_2161 = arith.index_cast %mul3A_2126 : i32 to index
          %get3A_2162 = arith.constant 48 : index
          %get3A_2163 = tpu.vector_load %arg6[%get3A_2161, %get3A_2162] {strides = array<i32>} : memref<256x128xf32, #tpu.memory_space<vmem>>, vector<1x16xf32>,
          %get3A_2164 = vector.shape_cast %get3A_2163 : vector<1x16xf32> to vector<16xf32>
          %swap3A_2165 = arith.index_cast %rem3A_229 : i32 to index
          %swap3A_2166 = arith.index_cast %add3A_2130 : i32 to index
          %swap3A_2167 = arith.constant 48 : index
          %swap3A_2168 = tpu.vector_load %arg7[%swap3A_2165, %swap3A_2166, %swap3A_2167] {strides = array<i32>} : memref<2x200x128xf32, #tpu.memory_space<vmem>>, vector<1x1x16xf32>,
          %swap3A_2169 = vector.shape_cast %swap3A_2168 : vector<1x1x16xf32> to vector<16xf32>
          %swap3A_2170 = vector.shape_cast %get3A_2164 : vector<16xf32> to vector<1x1x16xf32>
          tpu.vector_store %arg7[%swap3A_2165, %swap3A_2166, %swap3A_2167], %swap3A_2170 {strides = array<i32>} : memref<2x200x128xf32, #tpu.memory_space<vmem>>, vector<1x1x16xf32>,
          %get3A_2171 = arith.index_cast %mul3A_2126 : i32 to index
          %get3A_2172 = arith.constant 64 : index
          %get3A_2173 = tpu.vector_load %arg6[%get3A_2171, %get3A_2172] {strides = array<i32>} : memref<256x128xf32, #tpu.memory_space<vmem>>, vector<1x16xf32>,
          %get3A_2174 = vector.shape_cast %get3A_2173 : vector<1x16xf32> to vector<16xf32>
          %swap3A_2175 = arith.index_cast %rem3A_229 : i32 to index
          %swap3A_2176 = arith.index_cast %add3A_2130 : i32 to index
          %swap3A_2177 = arith.constant 64 : index
          %swap3A_2178 = tpu.vector_load %arg7[%swap3A_2175, %swap3A_2176, %swap3A_2177] {strides = array<i32>} : memref<2x200x128xf32, #tpu.memory_space<vmem>>, vector<1x1x16xf32>,
          %swap3A_2179 = vector.shape_cast %swap3A_2178 : vector<1x1x16xf32> to vector<16xf32>
          %swap3A_2180 = vector.shape_cast %get3A_2174 : vector<16xf32> to vector<1x1x16xf32>
          tpu.vector_store %arg7[%swap3A_2175, %swap3A_2176, %swap3A_2177], %swap3A_2180 {strides = array<i32>} : memref<2x200x128xf32, #tpu.memory_space<vmem>>, vector<1x1x16xf32>,
          %get3A_2181 = arith.index_cast %mul3A_2126 : i32 to index
          %get3A_2182 = arith.constant 80 : index
          %get3A_2183 = tpu.vector_load %arg6[%get3A_2181, %get3A_2182] {strides = array<i32>} : memref<256x128xf32, #tpu.memory_space<vmem>>, vector<1x16xf32>,
          %get3A_2184 = vector.shape_cast %get3A_2183 : vector<1x16xf32> to vector<16xf32>
          %swap3A_2185 = arith.index_cast %rem3A_229 : i32 to index
          %swap3A_2186 = arith.index_cast %add3A_2130 : i32 to index
          %swap3A_2187 = arith.constant 80 : index
          %swap3A_2188 = tpu.vector_load %arg7[%swap3A_2185, %swap3A_2186, %swap3A_2187] {strides = array<i32>} : memref<2x200x128xf32, #tpu.memory_space<vmem>>, vector<1x1x16xf32>,
          %swap3A_2189 = vector.shape_cast %swap3A_2188 : vector<1x1x16xf32> to vector<16xf32>
          %swap3A_2190 = vector.shape_cast %get3A_2184 : vector<16xf32> to vector<1x1x16xf32>
          tpu.vector_store %arg7[%swap3A_2185, %swap3A_2186, %swap3A_2187], %swap3A_2190 {strides = array<i32>} : memref<2x200x128xf32, #tpu.memory_space<vmem>>, vector<1x1x16xf32>,
          %get3A_2191 = arith.index_cast %mul3A_2126 : i32 to index
          %get3A_2192 = arith.constant 96 : index
          %get3A_2193 = tpu.vector_load %arg6[%get3A_2191, %get3A_2192] {strides = array<i32>} : memref<256x128xf32, #tpu.memory_space<vmem>>, vector<1x16xf32>,
          %get3A_2194 = vector.shape_cast %get3A_2193 : vector<1x16xf32> to vector<16xf32>
          %swap3A_2195 = arith.index_cast %rem3A_229 : i32 to index
          %swap3A_2196 = arith.index_cast %add3A_2130 : i32 to index
          %swap3A_2197 = arith.constant 96 : index
          %swap3A_2198 = tpu.vector_load %arg7[%swap3A_2195, %swap3A_2196, %swap3A_2197] {strides = array<i32>} : memref<2x200x128xf32, #tpu.memory_space<vmem>>, vector<1x1x16xf32>,
          %swap3A_2199 = vector.shape_cast %swap3A_2198 : vector<1x1x16xf32> to vector<16xf32>
          %swap3A_2200 = vector.shape_cast %get3A_2194 : vector<16xf32> to vector<1x1x16xf32>
          tpu.vector_store %arg7[%swap3A_2195, %swap3A_2196, %swap3A_2197], %swap3A_2200 {strides = array<i32>} : memref<2x200x128xf32, #tpu.memory_space<vmem>>, vector<1x1x16xf32>,
          %get3A_2201 = arith.index_cast %mul3A_2126 : i32 to index
          %get3A_2202 = arith.constant 112 : index
          %get3A_2203 = tpu.vector_load %arg6[%get3A_2201, %get3A_2202] {strides = array<i32>} : memref<256x128xf32, #tpu.memory_space<vmem>>, vector<1x16xf32>,
          %get3A_2204 = vector.shape_cast %get3A_2203 : vector<1x16xf32> to vector<16xf32>
          %swap3A_2205 = arith.index_cast %rem3A_229 : i32 to index
          %swap3A_2206 = arith.index_cast %add3A_2130 : i32 to index
          %swap3A_2207 = arith.constant 112 : index
          %swap3A_2208 = tpu.vector_load %arg7[%swap3A_2205, %swap3A_2206, %swap3A_2207] {strides = array<i32>} : memref<2x200x128xf32, #tpu.memory_space<vmem>>, vector<1x1x16xf32>,
          %swap3A_2209 = vector.shape_cast %swap3A_2208 : vector<1x1x16xf32> to vector<16xf32>
          %swap3A_2210 = vector.shape_cast %get3A_2204 : vector<16xf32> to vector<1x1x16xf32>
          tpu.vector_store %arg7[%swap3A_2205, %swap3A_2206, %swap3A_2207], %swap3A_2210 {strides = array<i32>} : memref<2x200x128xf32, #tpu.memory_space<vmem>>, vector<1x1x16xf32>,
          %slice3A_2211 = vector.extract_strided_slice %get3A_1027 {offsets = [13], sizes = [1], strides = [1]} : vector<16xi32> to vector<1xi32>
          %squeeze3A_2212 = vector.extract %slice3A_2211[0] : i32 from vector<1xi32>
          %ne3A_2213 = arith.constant 0 : i32
          %ne3A_2214 = arith.cmpi ne, %squeeze3A_2212, %ne3A_2213 : i32
          %convert_element_type3A_2215 = arith.extui %ne3A_2214 : i1 to i32
          %add3A_2216 = arith.addi %add3A_2125, %convert_element_type3A_2215 : i32
          %mul3A_2217 = arith.muli %add3A_2216, %convert_element_type3A_2215 : i32
          %mul3A_2218 = arith.constant 16 : i32
          %mul3A_2219 = arith.muli %scan3A_1020, %mul3A_2218 : i32
          %add3A_2220 = arith.constant 13 : i32
          %add3A_2221 = arith.addi %mul3A_2219, %add3A_2220 : i32
          %get3A_2222 = arith.index_cast %mul3A_2217 : i32 to index
          %get3A_2223 = arith.constant 0 : index
          %get3A_2224 = tpu.vector_load %arg6[%get3A_2222, %get3A_2223] {strides = array<i32>} : memref<256x128xf32, #tpu.memory_space<vmem>>, vector<1x16xf32>,
          %get3A_2225 = vector.shape_cast %get3A_2224 : vector<1x16xf32> to vector<16xf32>
          %swap3A_2226 = arith.index_cast %rem3A_229 : i32 to index
          %swap3A_2227 = arith.index_cast %add3A_2221 : i32 to index
          %swap3A_2228 = arith.constant 0 : index
          %swap3A_2229 = tpu.vector_load %arg7[%swap3A_2226, %swap3A_2227, %swap3A_2228] {strides = array<i32>} : memref<2x200x128xf32, #tpu.memory_space<vmem>>, vector<1x1x16xf32>,
          %swap3A_2230 = vector.shape_cast %swap3A_2229 : vector<1x1x16xf32> to vector<16xf32>
          %swap3A_2231 = vector.shape_cast %get3A_2225 : vector<16xf32> to vector<1x1x16xf32>
          tpu.vector_store %arg7[%swap3A_2226, %swap3A_2227, %swap3A_2228], %swap3A_2231 {strides = array<i32>} : memref<2x200x128xf32, #tpu.memory_space<vmem>>, vector<1x1x16xf32>,
          %get3A_2232 = arith.index_cast %mul3A_2217 : i32 to index
          %get3A_2233 = arith.constant 16 : index
          %get3A_2234 = tpu.vector_load %arg6[%get3A_2232, %get3A_2233] {strides = array<i32>} : memref<256x128xf32, #tpu.memory_space<vmem>>, vector<1x16xf32>,
          %get3A_2235 = vector.shape_cast %get3A_2234 : vector<1x16xf32> to vector<16xf32>
          %swap3A_2236 = arith.index_cast %rem3A_229 : i32 to index
          %swap3A_2237 = arith.index_cast %add3A_2221 : i32 to index
          %swap3A_2238 = arith.constant 16 : index
          %swap3A_2239 = tpu.vector_load %arg7[%swap3A_2236, %swap3A_2237, %swap3A_2238] {strides = array<i32>} : memref<2x200x128xf32, #tpu.memory_space<vmem>>, vector<1x1x16xf32>,
          %swap3A_2240 = vector.shape_cast %swap3A_2239 : vector<1x1x16xf32> to vector<16xf32>
          %swap3A_2241 = vector.shape_cast %get3A_2235 : vector<16xf32> to vector<1x1x16xf32>
          tpu.vector_store %arg7[%swap3A_2236, %swap3A_2237, %swap3A_2238], %swap3A_2241 {strides = array<i32>} : memref<2x200x128xf32, #tpu.memory_space<vmem>>, vector<1x1x16xf32>,
          %get3A_2242 = arith.index_cast %mul3A_2217 : i32 to index
          %get3A_2243 = arith.constant 32 : index
          %get3A_2244 = tpu.vector_load %arg6[%get3A_2242, %get3A_2243] {strides = array<i32>} : memref<256x128xf32, #tpu.memory_space<vmem>>, vector<1x16xf32>,
          %get3A_2245 = vector.shape_cast %get3A_2244 : vector<1x16xf32> to vector<16xf32>
          %swap3A_2246 = arith.index_cast %rem3A_229 : i32 to index
          %swap3A_2247 = arith.index_cast %add3A_2221 : i32 to index
          %swap3A_2248 = arith.constant 32 : index
          %swap3A_2249 = tpu.vector_load %arg7[%swap3A_2246, %swap3A_2247, %swap3A_2248] {strides = array<i32>} : memref<2x200x128xf32, #tpu.memory_space<vmem>>, vector<1x1x16xf32>,
          %swap3A_2250 = vector.shape_cast %swap3A_2249 : vector<1x1x16xf32> to vector<16xf32>
          %swap3A_2251 = vector.shape_cast %get3A_2245 : vector<16xf32> to vector<1x1x16xf32>
          tpu.vector_store %arg7[%swap3A_2246, %swap3A_2247, %swap3A_2248], %swap3A_2251 {strides = array<i32>} : memref<2x200x128xf32, #tpu.memory_space<vmem>>, vector<1x1x16xf32>,
          %get3A_2252 = arith.index_cast %mul3A_2217 : i32 to index
          %get3A_2253 = arith.constant 48 : index
          %get3A_2254 = tpu.vector_load %arg6[%get3A_2252, %get3A_2253] {strides = array<i32>} : memref<256x128xf32, #tpu.memory_space<vmem>>, vector<1x16xf32>,
          %get3A_2255 = vector.shape_cast %get3A_2254 : vector<1x16xf32> to vector<16xf32>
          %swap3A_2256 = arith.index_cast %rem3A_229 : i32 to index
          %swap3A_2257 = arith.index_cast %add3A_2221 : i32 to index
          %swap3A_2258 = arith.constant 48 : index
          %swap3A_2259 = tpu.vector_load %arg7[%swap3A_2256, %swap3A_2257, %swap3A_2258] {strides = array<i32>} : memref<2x200x128xf32, #tpu.memory_space<vmem>>, vector<1x1x16xf32>,
          %swap3A_2260 = vector.shape_cast %swap3A_2259 : vector<1x1x16xf32> to vector<16xf32>
          %swap3A_2261 = vector.shape_cast %get3A_2255 : vector<16xf32> to vector<1x1x16xf32>
          tpu.vector_store %arg7[%swap3A_2256, %swap3A_2257, %swap3A_2258], %swap3A_2261 {strides = array<i32>} : memref<2x200x128xf32, #tpu.memory_space<vmem>>, vector<1x1x16xf32>,
          %get3A_2262 = arith.index_cast %mul3A_2217 : i32 to index
          %get3A_2263 = arith.constant 64 : index
          %get3A_2264 = tpu.vector_load %arg6[%get3A_2262, %get3A_2263] {strides = array<i32>} : memref<256x128xf32, #tpu.memory_space<vmem>>, vector<1x16xf32>,
          %get3A_2265 = vector.shape_cast %get3A_2264 : vector<1x16xf32> to vector<16xf32>
          %swap3A_2266 = arith.index_cast %rem3A_229 : i32 to index
          %swap3A_2267 = arith.index_cast %add3A_2221 : i32 to index
          %swap3A_2268 = arith.constant 64 : index
          %swap3A_2269 = tpu.vector_load %arg7[%swap3A_2266, %swap3A_2267, %swap3A_2268] {strides = array<i32>} : memref<2x200x128xf32, #tpu.memory_space<vmem>>, vector<1x1x16xf32>,
          %swap3A_2270 = vector.shape_cast %swap3A_2269 : vector<1x1x16xf32> to vector<16xf32>
          %swap3A_2271 = vector.shape_cast %get3A_2265 : vector<16xf32> to vector<1x1x16xf32>
          tpu.vector_store %arg7[%swap3A_2266, %swap3A_2267, %swap3A_2268], %swap3A_2271 {strides = array<i32>} : memref<2x200x128xf32, #tpu.memory_space<vmem>>, vector<1x1x16xf32>,
          %get3A_2272 = arith.index_cast %mul3A_2217 : i32 to index
          %get3A_2273 = arith.constant 80 : index
          %get3A_2274 = tpu.vector_load %arg6[%get3A_2272, %get3A_2273] {strides = array<i32>} : memref<256x128xf32, #tpu.memory_space<vmem>>, vector<1x16xf32>,
          %get3A_2275 = vector.shape_cast %get3A_2274 : vector<1x16xf32> to vector<16xf32>
          %swap3A_2276 = arith.index_cast %rem3A_229 : i32 to index
          %swap3A_2277 = arith.index_cast %add3A_2221 : i32 to index
          %swap3A_2278 = arith.constant 80 : index
          %swap3A_2279 = tpu.vector_load %arg7[%swap3A_2276, %swap3A_2277, %swap3A_2278] {strides = array<i32>} : memref<2x200x128xf32, #tpu.memory_space<vmem>>, vector<1x1x16xf32>,
          %swap3A_2280 = vector.shape_cast %swap3A_2279 : vector<1x1x16xf32> to vector<16xf32>
          %swap3A_2281 = vector.shape_cast %get3A_2275 : vector<16xf32> to vector<1x1x16xf32>
          tpu.vector_store %arg7[%swap3A_2276, %swap3A_2277, %swap3A_2278], %swap3A_2281 {strides = array<i32>} : memref<2x200x128xf32, #tpu.memory_space<vmem>>, vector<1x1x16xf32>,
          %get3A_2282 = arith.index_cast %mul3A_2217 : i32 to index
          %get3A_2283 = arith.constant 96 : index
          %get3A_2284 = tpu.vector_load %arg6[%get3A_2282, %get3A_2283] {strides = array<i32>} : memref<256x128xf32, #tpu.memory_space<vmem>>, vector<1x16xf32>,
          %get3A_2285 = vector.shape_cast %get3A_2284 : vector<1x16xf32> to vector<16xf32>
          %swap3A_2286 = arith.index_cast %rem3A_229 : i32 to index
          %swap3A_2287 = arith.index_cast %add3A_2221 : i32 to index
          %swap3A_2288 = arith.constant 96 : index
          %swap3A_2289 = tpu.vector_load %arg7[%swap3A_2286, %swap3A_2287, %swap3A_2288] {strides = array<i32>} : memref<2x200x128xf32, #tpu.memory_space<vmem>>, vector<1x1x16xf32>,
          %swap3A_2290 = vector.shape_cast %swap3A_2289 : vector<1x1x16xf32> to vector<16xf32>
          %swap3A_2291 = vector.shape_cast %get3A_2285 : vector<16xf32> to vector<1x1x16xf32>
          tpu.vector_store %arg7[%swap3A_2286, %swap3A_2287, %swap3A_2288], %swap3A_2291 {strides = array<i32>} : memref<2x200x128xf32, #tpu.memory_space<vmem>>, vector<1x1x16xf32>,
          %get3A_2292 = arith.index_cast %mul3A_2217 : i32 to index
          %get3A_2293 = arith.constant 112 : index
          %get3A_2294 = tpu.vector_load %arg6[%get3A_2292, %get3A_2293] {strides = array<i32>} : memref<256x128xf32, #tpu.memory_space<vmem>>, vector<1x16xf32>,
          %get3A_2295 = vector.shape_cast %get3A_2294 : vector<1x16xf32> to vector<16xf32>
          %swap3A_2296 = arith.index_cast %rem3A_229 : i32 to index
          %swap3A_2297 = arith.index_cast %add3A_2221 : i32 to index
          %swap3A_2298 = arith.constant 112 : index
          %swap3A_2299 = tpu.vector_load %arg7[%swap3A_2296, %swap3A_2297, %swap3A_2298] {strides = array<i32>} : memref<2x200x128xf32, #tpu.memory_space<vmem>>, vector<1x1x16xf32>,
          %swap3A_2300 = vector.shape_cast %swap3A_2299 : vector<1x1x16xf32> to vector<16xf32>
          %swap3A_2301 = vector.shape_cast %get3A_2295 : vector<16xf32> to vector<1x1x16xf32>
          tpu.vector_store %arg7[%swap3A_2296, %swap3A_2297, %swap3A_2298], %swap3A_2301 {strides = array<i32>} : memref<2x200x128xf32, #tpu.memory_space<vmem>>, vector<1x1x16xf32>,
          %slice3A_2302 = vector.extract_strided_slice %get3A_1027 {offsets = [14], sizes = [1], strides = [1]} : vector<16xi32> to vector<1xi32>
          %squeeze3A_2303 = vector.extract %slice3A_2302[0] : i32 from vector<1xi32>
          %ne3A_2304 = arith.constant 0 : i32
          %ne3A_2305 = arith.cmpi ne, %squeeze3A_2303, %ne3A_2304 : i32
          %convert_element_type3A_2306 = arith.extui %ne3A_2305 : i1 to i32
          %add3A_2307 = arith.addi %add3A_2216, %convert_element_type3A_2306 : i32
          %mul3A_2308 = arith.muli %add3A_2307, %convert_element_type3A_2306 : i32
          %mul3A_2309 = arith.constant 16 : i32
          %mul3A_2310 = arith.muli %scan3A_1020, %mul3A_2309 : i32
          %add3A_2311 = arith.constant 14 : i32
          %add3A_2312 = arith.addi %mul3A_2310, %add3A_2311 : i32
          %get3A_2313 = arith.index_cast %mul3A_2308 : i32 to index
          %get3A_2314 = arith.constant 0 : index
          %get3A_2315 = tpu.vector_load %arg6[%get3A_2313, %get3A_2314] {strides = array<i32>} : memref<256x128xf32, #tpu.memory_space<vmem>>, vector<1x16xf32>,
          %get3A_2316 = vector.shape_cast %get3A_2315 : vector<1x16xf32> to vector<16xf32>
          %swap3A_2317 = arith.index_cast %rem3A_229 : i32 to index
          %swap3A_2318 = arith.index_cast %add3A_2312 : i32 to index
          %swap3A_2319 = arith.constant 0 : index
          %swap3A_2320 = tpu.vector_load %arg7[%swap3A_2317, %swap3A_2318, %swap3A_2319] {strides = array<i32>} : memref<2x200x128xf32, #tpu.memory_space<vmem>>, vector<1x1x16xf32>,
          %swap3A_2321 = vector.shape_cast %swap3A_2320 : vector<1x1x16xf32> to vector<16xf32>
          %swap3A_2322 = vector.shape_cast %get3A_2316 : vector<16xf32> to vector<1x1x16xf32>
          tpu.vector_store %arg7[%swap3A_2317, %swap3A_2318, %swap3A_2319], %swap3A_2322 {strides = array<i32>} : memref<2x200x128xf32, #tpu.memory_space<vmem>>, vector<1x1x16xf32>,
          %get3A_2323 = arith.index_cast %mul3A_2308 : i32 to index
          %get3A_2324 = arith.constant 16 : index
          %get3A_2325 = tpu.vector_load %arg6[%get3A_2323, %get3A_2324] {strides = array<i32>} : memref<256x128xf32, #tpu.memory_space<vmem>>, vector<1x16xf32>,
          %get3A_2326 = vector.shape_cast %get3A_2325 : vector<1x16xf32> to vector<16xf32>
          %swap3A_2327 = arith.index_cast %rem3A_229 : i32 to index
          %swap3A_2328 = arith.index_cast %add3A_2312 : i32 to index
          %swap3A_2329 = arith.constant 16 : index
          %swap3A_2330 = tpu.vector_load %arg7[%swap3A_2327, %swap3A_2328, %swap3A_2329] {strides = array<i32>} : memref<2x200x128xf32, #tpu.memory_space<vmem>>, vector<1x1x16xf32>,
          %swap3A_2331 = vector.shape_cast %swap3A_2330 : vector<1x1x16xf32> to vector<16xf32>
          %swap3A_2332 = vector.shape_cast %get3A_2326 : vector<16xf32> to vector<1x1x16xf32>
          tpu.vector_store %arg7[%swap3A_2327, %swap3A_2328, %swap3A_2329], %swap3A_2332 {strides = array<i32>} : memref<2x200x128xf32, #tpu.memory_space<vmem>>, vector<1x1x16xf32>,
          %get3A_2333 = arith.index_cast %mul3A_2308 : i32 to index
          %get3A_2334 = arith.constant 32 : index
          %get3A_2335 = tpu.vector_load %arg6[%get3A_2333, %get3A_2334] {strides = array<i32>} : memref<256x128xf32, #tpu.memory_space<vmem>>, vector<1x16xf32>,
          %get3A_2336 = vector.shape_cast %get3A_2335 : vector<1x16xf32> to vector<16xf32>
          %swap3A_2337 = arith.index_cast %rem3A_229 : i32 to index
          %swap3A_2338 = arith.index_cast %add3A_2312 : i32 to index
          %swap3A_2339 = arith.constant 32 : index
          %swap3A_2340 = tpu.vector_load %arg7[%swap3A_2337, %swap3A_2338, %swap3A_2339] {strides = array<i32>} : memref<2x200x128xf32, #tpu.memory_space<vmem>>, vector<1x1x16xf32>,
          %swap3A_2341 = vector.shape_cast %swap3A_2340 : vector<1x1x16xf32> to vector<16xf32>
          %swap3A_2342 = vector.shape_cast %get3A_2336 : vector<16xf32> to vector<1x1x16xf32>
          tpu.vector_store %arg7[%swap3A_2337, %swap3A_2338, %swap3A_2339], %swap3A_2342 {strides = array<i32>} : memref<2x200x128xf32, #tpu.memory_space<vmem>>, vector<1x1x16xf32>,
          %get3A_2343 = arith.index_cast %mul3A_2308 : i32 to index
          %get3A_2344 = arith.constant 48 : index
          %get3A_2345 = tpu.vector_load %arg6[%get3A_2343, %get3A_2344] {strides = array<i32>} : memref<256x128xf32, #tpu.memory_space<vmem>>, vector<1x16xf32>,
          %get3A_2346 = vector.shape_cast %get3A_2345 : vector<1x16xf32> to vector<16xf32>
          %swap3A_2347 = arith.index_cast %rem3A_229 : i32 to index
          %swap3A_2348 = arith.index_cast %add3A_2312 : i32 to index
          %swap3A_2349 = arith.constant 48 : index
          %swap3A_2350 = tpu.vector_load %arg7[%swap3A_2347, %swap3A_2348, %swap3A_2349] {strides = array<i32>} : memref<2x200x128xf32, #tpu.memory_space<vmem>>, vector<1x1x16xf32>,
          %swap3A_2351 = vector.shape_cast %swap3A_2350 : vector<1x1x16xf32> to vector<16xf32>
          %swap3A_2352 = vector.shape_cast %get3A_2346 : vector<16xf32> to vector<1x1x16xf32>
          tpu.vector_store %arg7[%swap3A_2347, %swap3A_2348, %swap3A_2349], %swap3A_2352 {strides = array<i32>} : memref<2x200x128xf32, #tpu.memory_space<vmem>>, vector<1x1x16xf32>,
          %get3A_2353 = arith.index_cast %mul3A_2308 : i32 to index
          %get3A_2354 = arith.constant 64 : index
          %get3A_2355 = tpu.vector_load %arg6[%get3A_2353, %get3A_2354] {strides = array<i32>} : memref<256x128xf32, #tpu.memory_space<vmem>>, vector<1x16xf32>,
          %get3A_2356 = vector.shape_cast %get3A_2355 : vector<1x16xf32> to vector<16xf32>
          %swap3A_2357 = arith.index_cast %rem3A_229 : i32 to index
          %swap3A_2358 = arith.index_cast %add3A_2312 : i32 to index
          %swap3A_2359 = arith.constant 64 : index
          %swap3A_2360 = tpu.vector_load %arg7[%swap3A_2357, %swap3A_2358, %swap3A_2359] {strides = array<i32>} : memref<2x200x128xf32, #tpu.memory_space<vmem>>, vector<1x1x16xf32>,
          %swap3A_2361 = vector.shape_cast %swap3A_2360 : vector<1x1x16xf32> to vector<16xf32>
          %swap3A_2362 = vector.shape_cast %get3A_2356 : vector<16xf32> to vector<1x1x16xf32>
          tpu.vector_store %arg7[%swap3A_2357, %swap3A_2358, %swap3A_2359], %swap3A_2362 {strides = array<i32>} : memref<2x200x128xf32, #tpu.memory_space<vmem>>, vector<1x1x16xf32>,
          %get3A_2363 = arith.index_cast %mul3A_2308 : i32 to index
          %get3A_2364 = arith.constant 80 : index
          %get3A_2365 = tpu.vector_load %arg6[%get3A_2363, %get3A_2364] {strides = array<i32>} : memref<256x128xf32, #tpu.memory_space<vmem>>, vector<1x16xf32>,
          %get3A_2366 = vector.shape_cast %get3A_2365 : vector<1x16xf32> to vector<16xf32>
          %swap3A_2367 = arith.index_cast %rem3A_229 : i32 to index
          %swap3A_2368 = arith.index_cast %add3A_2312 : i32 to index
          %swap3A_2369 = arith.constant 80 : index
          %swap3A_2370 = tpu.vector_load %arg7[%swap3A_2367, %swap3A_2368, %swap3A_2369] {strides = array<i32>} : memref<2x200x128xf32, #tpu.memory_space<vmem>>, vector<1x1x16xf32>,
          %swap3A_2371 = vector.shape_cast %swap3A_2370 : vector<1x1x16xf32> to vector<16xf32>
          %swap3A_2372 = vector.shape_cast %get3A_2366 : vector<16xf32> to vector<1x1x16xf32>
          tpu.vector_store %arg7[%swap3A_2367, %swap3A_2368, %swap3A_2369], %swap3A_2372 {strides = array<i32>} : memref<2x200x128xf32, #tpu.memory_space<vmem>>, vector<1x1x16xf32>,
          %get3A_2373 = arith.index_cast %mul3A_2308 : i32 to index
          %get3A_2374 = arith.constant 96 : index
          %get3A_2375 = tpu.vector_load %arg6[%get3A_2373, %get3A_2374] {strides = array<i32>} : memref<256x128xf32, #tpu.memory_space<vmem>>, vector<1x16xf32>,
          %get3A_2376 = vector.shape_cast %get3A_2375 : vector<1x16xf32> to vector<16xf32>
          %swap3A_2377 = arith.index_cast %rem3A_229 : i32 to index
          %swap3A_2378 = arith.index_cast %add3A_2312 : i32 to index
          %swap3A_2379 = arith.constant 96 : index
          %swap3A_2380 = tpu.vector_load %arg7[%swap3A_2377, %swap3A_2378, %swap3A_2379] {strides = array<i32>} : memref<2x200x128xf32, #tpu.memory_space<vmem>>, vector<1x1x16xf32>,
          %swap3A_2381 = vector.shape_cast %swap3A_2380 : vector<1x1x16xf32> to vector<16xf32>
          %swap3A_2382 = vector.shape_cast %get3A_2376 : vector<16xf32> to vector<1x1x16xf32>
          tpu.vector_store %arg7[%swap3A_2377, %swap3A_2378, %swap3A_2379], %swap3A_2382 {strides = array<i32>} : memref<2x200x128xf32, #tpu.memory_space<vmem>>, vector<1x1x16xf32>,
          %get3A_2383 = arith.index_cast %mul3A_2308 : i32 to index
          %get3A_2384 = arith.constant 112 : index
          %get3A_2385 = tpu.vector_load %arg6[%get3A_2383, %get3A_2384] {strides = array<i32>} : memref<256x128xf32, #tpu.memory_space<vmem>>, vector<1x16xf32>,
          %get3A_2386 = vector.shape_cast %get3A_2385 : vector<1x16xf32> to vector<16xf32>
          %swap3A_2387 = arith.index_cast %rem3A_229 : i32 to index
          %swap3A_2388 = arith.index_cast %add3A_2312 : i32 to index
          %swap3A_2389 = arith.constant 112 : index
          %swap3A_2390 = tpu.vector_load %arg7[%swap3A_2387, %swap3A_2388, %swap3A_2389] {strides = array<i32>} : memref<2x200x128xf32, #tpu.memory_space<vmem>>, vector<1x1x16xf32>,
          %swap3A_2391 = vector.shape_cast %swap3A_2390 : vector<1x1x16xf32> to vector<16xf32>
          %swap3A_2392 = vector.shape_cast %get3A_2386 : vector<16xf32> to vector<1x1x16xf32>
          tpu.vector_store %arg7[%swap3A_2387, %swap3A_2388, %swap3A_2389], %swap3A_2392 {strides = array<i32>} : memref<2x200x128xf32, #tpu.memory_space<vmem>>, vector<1x1x16xf32>,
          %slice3A_2393 = vector.extract_strided_slice %get3A_1027 {offsets = [15], sizes = [1], strides = [1]} : vector<16xi32> to vector<1xi32>
          %squeeze3A_2394 = vector.extract %slice3A_2393[0] : i32 from vector<1xi32>
          %ne3A_2395 = arith.constant 0 : i32
          %ne3A_2396 = arith.cmpi ne, %squeeze3A_2394, %ne3A_2395 : i32
          %convert_element_type3A_2397 = arith.extui %ne3A_2396 : i1 to i32
          %add3A_2398 = arith.addi %add3A_2307, %convert_element_type3A_2397 : i32
          %mul3A_2399 = arith.muli %add3A_2398, %convert_element_type3A_2397 : i32
          %mul3A_2400 = arith.constant 16 : i32
          %mul3A_2401 = arith.muli %scan3A_1020, %mul3A_2400 : i32
          %add3A_2402 = arith.constant 15 : i32
          %add3A_2403 = arith.addi %mul3A_2401, %add3A_2402 : i32
          %get3A_2404 = arith.index_cast %mul3A_2399 : i32 to index
          %get3A_2405 = arith.constant 0 : index
          %get3A_2406 = tpu.vector_load %arg6[%get3A_2404, %get3A_2405] {strides = array<i32>} : memref<256x128xf32, #tpu.memory_space<vmem>>, vector<1x16xf32>,
          %get3A_2407 = vector.shape_cast %get3A_2406 : vector<1x16xf32> to vector<16xf32>
          %swap3A_2408 = arith.index_cast %rem3A_229 : i32 to index
          %swap3A_2409 = arith.index_cast %add3A_2403 : i32 to index
          %swap3A_2410 = arith.constant 0 : index
          %swap3A_2411 = tpu.vector_load %arg7[%swap3A_2408, %swap3A_2409, %swap3A_2410] {strides = array<i32>} : memref<2x200x128xf32, #tpu.memory_space<vmem>>, vector<1x1x16xf32>,
          %swap3A_2412 = vector.shape_cast %swap3A_2411 : vector<1x1x16xf32> to vector<16xf32>
          %swap3A_2413 = vector.shape_cast %get3A_2407 : vector<16xf32> to vector<1x1x16xf32>
          tpu.vector_store %arg7[%swap3A_2408, %swap3A_2409, %swap3A_2410], %swap3A_2413 {strides = array<i32>} : memref<2x200x128xf32, #tpu.memory_space<vmem>>, vector<1x1x16xf32>,
          %get3A_2414 = arith.index_cast %mul3A_2399 : i32 to index
          %get3A_2415 = arith.constant 16 : index
          %get3A_2416 = tpu.vector_load %arg6[%get3A_2414, %get3A_2415] {strides = array<i32>} : memref<256x128xf32, #tpu.memory_space<vmem>>, vector<1x16xf32>,
          %get3A_2417 = vector.shape_cast %get3A_2416 : vector<1x16xf32> to vector<16xf32>
          %swap3A_2418 = arith.index_cast %rem3A_229 : i32 to index
          %swap3A_2419 = arith.index_cast %add3A_2403 : i32 to index
          %swap3A_2420 = arith.constant 16 : index
          %swap3A_2421 = tpu.vector_load %arg7[%swap3A_2418, %swap3A_2419, %swap3A_2420] {strides = array<i32>} : memref<2x200x128xf32, #tpu.memory_space<vmem>>, vector<1x1x16xf32>,
          %swap3A_2422 = vector.shape_cast %swap3A_2421 : vector<1x1x16xf32> to vector<16xf32>
          %swap3A_2423 = vector.shape_cast %get3A_2417 : vector<16xf32> to vector<1x1x16xf32>
          tpu.vector_store %arg7[%swap3A_2418, %swap3A_2419, %swap3A_2420], %swap3A_2423 {strides = array<i32>} : memref<2x200x128xf32, #tpu.memory_space<vmem>>, vector<1x1x16xf32>,
          %get3A_2424 = arith.index_cast %mul3A_2399 : i32 to index
          %get3A_2425 = arith.constant 32 : index
          %get3A_2426 = tpu.vector_load %arg6[%get3A_2424, %get3A_2425] {strides = array<i32>} : memref<256x128xf32, #tpu.memory_space<vmem>>, vector<1x16xf32>,
          %get3A_2427 = vector.shape_cast %get3A_2426 : vector<1x16xf32> to vector<16xf32>
          %swap3A_2428 = arith.index_cast %rem3A_229 : i32 to index
          %swap3A_2429 = arith.index_cast %add3A_2403 : i32 to index
          %swap3A_2430 = arith.constant 32 : index
          %swap3A_2431 = tpu.vector_load %arg7[%swap3A_2428, %swap3A_2429, %swap3A_2430] {strides = array<i32>} : memref<2x200x128xf32, #tpu.memory_space<vmem>>, vector<1x1x16xf32>,
          %swap3A_2432 = vector.shape_cast %swap3A_2431 : vector<1x1x16xf32> to vector<16xf32>
          %swap3A_2433 = vector.shape_cast %get3A_2427 : vector<16xf32> to vector<1x1x16xf32>
          tpu.vector_store %arg7[%swap3A_2428, %swap3A_2429, %swap3A_2430], %swap3A_2433 {strides = array<i32>} : memref<2x200x128xf32, #tpu.memory_space<vmem>>, vector<1x1x16xf32>,
          %get3A_2434 = arith.index_cast %mul3A_2399 : i32 to index
          %get3A_2435 = arith.constant 48 : index
          %get3A_2436 = tpu.vector_load %arg6[%get3A_2434, %get3A_2435] {strides = array<i32>} : memref<256x128xf32, #tpu.memory_space<vmem>>, vector<1x16xf32>,
          %get3A_2437 = vector.shape_cast %get3A_2436 : vector<1x16xf32> to vector<16xf32>
          %swap3A_2438 = arith.index_cast %rem3A_229 : i32 to index
          %swap3A_2439 = arith.index_cast %add3A_2403 : i32 to index
          %swap3A_2440 = arith.constant 48 : index
          %swap3A_2441 = tpu.vector_load %arg7[%swap3A_2438, %swap3A_2439, %swap3A_2440] {strides = array<i32>} : memref<2x200x128xf32, #tpu.memory_space<vmem>>, vector<1x1x16xf32>,
          %swap3A_2442 = vector.shape_cast %swap3A_2441 : vector<1x1x16xf32> to vector<16xf32>
          %swap3A_2443 = vector.shape_cast %get3A_2437 : vector<16xf32> to vector<1x1x16xf32>
          tpu.vector_store %arg7[%swap3A_2438, %swap3A_2439, %swap3A_2440], %swap3A_2443 {strides = array<i32>} : memref<2x200x128xf32, #tpu.memory_space<vmem>>, vector<1x1x16xf32>,
          %get3A_2444 = arith.index_cast %mul3A_2399 : i32 to index
          %get3A_2445 = arith.constant 64 : index
          %get3A_2446 = tpu.vector_load %arg6[%get3A_2444, %get3A_2445] {strides = array<i32>} : memref<256x128xf32, #tpu.memory_space<vmem>>, vector<1x16xf32>,
          %get3A_2447 = vector.shape_cast %get3A_2446 : vector<1x16xf32> to vector<16xf32>
          %swap3A_2448 = arith.index_cast %rem3A_229 : i32 to index
          %swap3A_2449 = arith.index_cast %add3A_2403 : i32 to index
          %swap3A_2450 = arith.constant 64 : index
          %swap3A_2451 = tpu.vector_load %arg7[%swap3A_2448, %swap3A_2449, %swap3A_2450] {strides = array<i32>} : memref<2x200x128xf32, #tpu.memory_space<vmem>>, vector<1x1x16xf32>,
          %swap3A_2452 = vector.shape_cast %swap3A_2451 : vector<1x1x16xf32> to vector<16xf32>
          %swap3A_2453 = vector.shape_cast %get3A_2447 : vector<16xf32> to vector<1x1x16xf32>
          tpu.vector_store %arg7[%swap3A_2448, %swap3A_2449, %swap3A_2450], %swap3A_2453 {strides = array<i32>} : memref<2x200x128xf32, #tpu.memory_space<vmem>>, vector<1x1x16xf32>,
          %get3A_2454 = arith.index_cast %mul3A_2399 : i32 to index
          %get3A_2455 = arith.constant 80 : index
          %get3A_2456 = tpu.vector_load %arg6[%get3A_2454, %get3A_2455] {strides = array<i32>} : memref<256x128xf32, #tpu.memory_space<vmem>>, vector<1x16xf32>,
          %get3A_2457 = vector.shape_cast %get3A_2456 : vector<1x16xf32> to vector<16xf32>
          %swap3A_2458 = arith.index_cast %rem3A_229 : i32 to index
          %swap3A_2459 = arith.index_cast %add3A_2403 : i32 to index
          %swap3A_2460 = arith.constant 80 : index
          %swap3A_2461 = tpu.vector_load %arg7[%swap3A_2458, %swap3A_2459, %swap3A_2460] {strides = array<i32>} : memref<2x200x128xf32, #tpu.memory_space<vmem>>, vector<1x1x16xf32>,
          %swap3A_2462 = vector.shape_cast %swap3A_2461 : vector<1x1x16xf32> to vector<16xf32>
          %swap3A_2463 = vector.shape_cast %get3A_2457 : vector<16xf32> to vector<1x1x16xf32>
          tpu.vector_store %arg7[%swap3A_2458, %swap3A_2459, %swap3A_2460], %swap3A_2463 {strides = array<i32>} : memref<2x200x128xf32, #tpu.memory_space<vmem>>, vector<1x1x16xf32>,
          %get3A_2464 = arith.index_cast %mul3A_2399 : i32 to index
          %get3A_2465 = arith.constant 96 : index
          %get3A_2466 = tpu.vector_load %arg6[%get3A_2464, %get3A_2465] {strides = array<i32>} : memref<256x128xf32, #tpu.memory_space<vmem>>, vector<1x16xf32>,
          %get3A_2467 = vector.shape_cast %get3A_2466 : vector<1x16xf32> to vector<16xf32>
          %swap3A_2468 = arith.index_cast %rem3A_229 : i32 to index
          %swap3A_2469 = arith.index_cast %add3A_2403 : i32 to index
          %swap3A_2470 = arith.constant 96 : index
          %swap3A_2471 = tpu.vector_load %arg7[%swap3A_2468, %swap3A_2469, %swap3A_2470] {strides = array<i32>} : memref<2x200x128xf32, #tpu.memory_space<vmem>>, vector<1x1x16xf32>,
          %swap3A_2472 = vector.shape_cast %swap3A_2471 : vector<1x1x16xf32> to vector<16xf32>
          %swap3A_2473 = vector.shape_cast %get3A_2467 : vector<16xf32> to vector<1x1x16xf32>
          tpu.vector_store %arg7[%swap3A_2468, %swap3A_2469, %swap3A_2470], %swap3A_2473 {strides = array<i32>} : memref<2x200x128xf32, #tpu.memory_space<vmem>>, vector<1x1x16xf32>,
          %get3A_2474 = arith.index_cast %mul3A_2399 : i32 to index
          %get3A_2475 = arith.constant 112 : index
          %get3A_2476 = tpu.vector_load %arg6[%get3A_2474, %get3A_2475] {strides = array<i32>} : memref<256x128xf32, #tpu.memory_space<vmem>>, vector<1x16xf32>,
          %get3A_2477 = vector.shape_cast %get3A_2476 : vector<1x16xf32> to vector<16xf32>
          %swap3A_2478 = arith.index_cast %rem3A_229 : i32 to index
          %swap3A_2479 = arith.index_cast %add3A_2403 : i32 to index
          %swap3A_2480 = arith.constant 112 : index
          %swap3A_2481 = tpu.vector_load %arg7[%swap3A_2478, %swap3A_2479, %swap3A_2480] {strides = array<i32>} : memref<2x200x128xf32, #tpu.memory_space<vmem>>, vector<1x1x16xf32>,
          %swap3A_2482 = vector.shape_cast %swap3A_2481 : vector<1x1x16xf32> to vector<16xf32>
          %swap3A_2483 = vector.shape_cast %get3A_2477 : vector<16xf32> to vector<1x1x16xf32>
          tpu.vector_store %arg7[%swap3A_2478, %swap3A_2479, %swap3A_2480], %swap3A_2483 {strides = array<i32>} : memref<2x200x128xf32, #tpu.memory_space<vmem>>, vector<1x1x16xf32>,
          scf.yield %add3A_2398 : i32
        }
        %scan3A_240 = arith.constant 12 : i32
        %get3A_241 = arith.index_cast %scan3A_78 : i32 to index
        %get3A_242 = arith.constant 184 : index
        %get3A_243 = tpu.vector_load %arg5[%get3A_241, %get3A_242] {strides = array<i32>} : memref<128x200xi32, #tpu.memory_space<vmem>>, vector<1x16xi32>,
        %get3A_244 = vector.shape_cast %get3A_243 : vector<1x16xi32> to vector<16xi32>
        %slice3A_245 = vector.extract_strided_slice %get3A_244 {offsets = [8], sizes = [1], strides = [1]} : vector<16xi32> to vector<1xi32>
        %squeeze3A_246 = vector.extract %slice3A_245[0] : i32 from vector<1xi32>
        %ne3A_247 = arith.constant 0 : i32
        %ne3A_248 = arith.cmpi ne, %squeeze3A_246, %ne3A_247 : i32
        %convert_element_type3A_249 = arith.extui %ne3A_248 : i1 to i32
        %add3A_250 = arith.addi %scan3A_239, %convert_element_type3A_249 : i32
        %mul3A_251 = arith.muli %add3A_250, %convert_element_type3A_249 : i32
        %get3A_252 = arith.index_cast %mul3A_251 : i32 to index
        %get3A_253 = arith.constant 0 : index
        %get3A_254 = tpu.vector_load %arg6[%get3A_252, %get3A_253] {strides = array<i32>} : memref<256x128xf32, #tpu.memory_space<vmem>>, vector<1x16xf32>,
        %get3A_255 = vector.shape_cast %get3A_254 : vector<1x16xf32> to vector<16xf32>
        %swap3A_256 = arith.constant 192 : i32
        %swap3A_257 = arith.index_cast %rem3A_229 : i32 to index
        %swap3A_258 = arith.index_cast %swap3A_256 : i32 to index
        %swap3A_259 = arith.constant 0 : index
        %swap3A_260 = tpu.vector_load %arg7[%swap3A_257, %swap3A_258, %swap3A_259] {strides = array<i32>} : memref<2x200x128xf32, #tpu.memory_space<vmem>>, vector<1x1x16xf32>,
        %swap3A_261 = vector.shape_cast %swap3A_260 : vector<1x1x16xf32> to vector<16xf32>
        %swap3A_262 = vector.shape_cast %get3A_255 : vector<16xf32> to vector<1x1x16xf32>
        tpu.vector_store %arg7[%swap3A_257, %swap3A_258, %swap3A_259], %swap3A_262 {strides = array<i32>} : memref<2x200x128xf32, #tpu.memory_space<vmem>>, vector<1x1x16xf32>,
        %get3A_263 = arith.index_cast %mul3A_251 : i32 to index
        %get3A_264 = arith.constant 16 : index
        %get3A_265 = tpu.vector_load %arg6[%get3A_263, %get3A_264] {strides = array<i32>} : memref<256x128xf32, #tpu.memory_space<vmem>>, vector<1x16xf32>,
        %get3A_266 = vector.shape_cast %get3A_265 : vector<1x16xf32> to vector<16xf32>
        %swap3A_267 = arith.constant 192 : i32
        %swap3A_268 = arith.index_cast %rem3A_229 : i32 to index
        %swap3A_269 = arith.index_cast %swap3A_267 : i32 to index
        %swap3A_270 = arith.constant 16 : index
        %swap3A_271 = tpu.vector_load %arg7[%swap3A_268, %swap3A_269, %swap3A_270] {strides = array<i32>} : memref<2x200x128xf32, #tpu.memory_space<vmem>>, vector<1x1x16xf32>,
        %swap3A_272 = vector.shape_cast %swap3A_271 : vector<1x1x16xf32> to vector<16xf32>
        %swap3A_273 = vector.shape_cast %get3A_266 : vector<16xf32> to vector<1x1x16xf32>
        tpu.vector_store %arg7[%swap3A_268, %swap3A_269, %swap3A_270], %swap3A_273 {strides = array<i32>} : memref<2x200x128xf32, #tpu.memory_space<vmem>>, vector<1x1x16xf32>,
        %get3A_274 = arith.index_cast %mul3A_251 : i32 to index
        %get3A_275 = arith.constant 32 : index
        %get3A_276 = tpu.vector_load %arg6[%get3A_274, %get3A_275] {strides = array<i32>} : memref<256x128xf32, #tpu.memory_space<vmem>>, vector<1x16xf32>,
        %get3A_277 = vector.shape_cast %get3A_276 : vector<1x16xf32> to vector<16xf32>
        %swap3A_278 = arith.constant 192 : i32
        %swap3A_279 = arith.index_cast %rem3A_229 : i32 to index
        %swap3A_280 = arith.index_cast %swap3A_278 : i32 to index
        %swap3A_281 = arith.constant 32 : index
        %swap3A_282 = tpu.vector_load %arg7[%swap3A_279, %swap3A_280, %swap3A_281] {strides = array<i32>} : memref<2x200x128xf32, #tpu.memory_space<vmem>>, vector<1x1x16xf32>,
        %swap3A_283 = vector.shape_cast %swap3A_282 : vector<1x1x16xf32> to vector<16xf32>
        %swap3A_284 = vector.shape_cast %get3A_277 : vector<16xf32> to vector<1x1x16xf32>
        tpu.vector_store %arg7[%swap3A_279, %swap3A_280, %swap3A_281], %swap3A_284 {strides = array<i32>} : memref<2x200x128xf32, #tpu.memory_space<vmem>>, vector<1x1x16xf32>,
        %get3A_285 = arith.index_cast %mul3A_251 : i32 to index
        %get3A_286 = arith.constant 48 : index
        %get3A_287 = tpu.vector_load %arg6[%get3A_285, %get3A_286] {strides = array<i32>} : memref<256x128xf32, #tpu.memory_space<vmem>>, vector<1x16xf32>,
        %get3A_288 = vector.shape_cast %get3A_287 : vector<1x16xf32> to vector<16xf32>
        %swap3A_289 = arith.constant 192 : i32
        %swap3A_290 = arith.index_cast %rem3A_229 : i32 to index
        %swap3A_291 = arith.index_cast %swap3A_289 : i32 to index
        %swap3A_292 = arith.constant 48 : index
        %swap3A_293 = tpu.vector_load %arg7[%swap3A_290, %swap3A_291, %swap3A_292] {strides = array<i32>} : memref<2x200x128xf32, #tpu.memory_space<vmem>>, vector<1x1x16xf32>,
        %swap3A_294 = vector.shape_cast %swap3A_293 : vector<1x1x16xf32> to vector<16xf32>
        %swap3A_295 = vector.shape_cast %get3A_288 : vector<16xf32> to vector<1x1x16xf32>
        tpu.vector_store %arg7[%swap3A_290, %swap3A_291, %swap3A_292], %swap3A_295 {strides = array<i32>} : memref<2x200x128xf32, #tpu.memory_space<vmem>>, vector<1x1x16xf32>,
        %get3A_296 = arith.index_cast %mul3A_251 : i32 to index
        %get3A_297 = arith.constant 64 : index
        %get3A_298 = tpu.vector_load %arg6[%get3A_296, %get3A_297] {strides = array<i32>} : memref<256x128xf32, #tpu.memory_space<vmem>>, vector<1x16xf32>,
        %get3A_299 = vector.shape_cast %get3A_298 : vector<1x16xf32> to vector<16xf32>
        %swap3A_300 = arith.constant 192 : i32
        %swap3A_301 = arith.index_cast %rem3A_229 : i32 to index
        %swap3A_302 = arith.index_cast %swap3A_300 : i32 to index
        %swap3A_303 = arith.constant 64 : index
        %swap3A_304 = tpu.vector_load %arg7[%swap3A_301, %swap3A_302, %swap3A_303] {strides = array<i32>} : memref<2x200x128xf32, #tpu.memory_space<vmem>>, vector<1x1x16xf32>,
        %swap3A_305 = vector.shape_cast %swap3A_304 : vector<1x1x16xf32> to vector<16xf32>
        %swap3A_306 = vector.shape_cast %get3A_299 : vector<16xf32> to vector<1x1x16xf32>
        tpu.vector_store %arg7[%swap3A_301, %swap3A_302, %swap3A_303], %swap3A_306 {strides = array<i32>} : memref<2x200x128xf32, #tpu.memory_space<vmem>>, vector<1x1x16xf32>,
        %get3A_307 = arith.index_cast %mul3A_251 : i32 to index
        %get3A_308 = arith.constant 80 : index
        %get3A_309 = tpu.vector_load %arg6[%get3A_307, %get3A_308] {strides = array<i32>} : memref<256x128xf32, #tpu.memory_space<vmem>>, vector<1x16xf32>,
        %get3A_310 = vector.shape_cast %get3A_309 : vector<1x16xf32> to vector<16xf32>
        %swap3A_311 = arith.constant 192 : i32
        %swap3A_312 = arith.index_cast %rem3A_229 : i32 to index
        %swap3A_313 = arith.index_cast %swap3A_311 : i32 to index
        %swap3A_314 = arith.constant 80 : index
        %swap3A_315 = tpu.vector_load %arg7[%swap3A_312, %swap3A_313, %swap3A_314] {strides = array<i32>} : memref<2x200x128xf32, #tpu.memory_space<vmem>>, vector<1x1x16xf32>,
        %swap3A_316 = vector.shape_cast %swap3A_315 : vector<1x1x16xf32> to vector<16xf32>
        %swap3A_317 = vector.shape_cast %get3A_310 : vector<16xf32> to vector<1x1x16xf32>
        tpu.vector_store %arg7[%swap3A_312, %swap3A_313, %swap3A_314], %swap3A_317 {strides = array<i32>} : memref<2x200x128xf32, #tpu.memory_space<vmem>>, vector<1x1x16xf32>,
        %get3A_318 = arith.index_cast %mul3A_251 : i32 to index
        %get3A_319 = arith.constant 96 : index
        %get3A_320 = tpu.vector_load %arg6[%get3A_318, %get3A_319] {strides = array<i32>} : memref<256x128xf32, #tpu.memory_space<vmem>>, vector<1x16xf32>,
        %get3A_321 = vector.shape_cast %get3A_320 : vector<1x16xf32> to vector<16xf32>
        %swap3A_322 = arith.constant 192 : i32
        %swap3A_323 = arith.index_cast %rem3A_229 : i32 to index
        %swap3A_324 = arith.index_cast %swap3A_322 : i32 to index
        %swap3A_325 = arith.constant 96 : index
        %swap3A_326 = tpu.vector_load %arg7[%swap3A_323, %swap3A_324, %swap3A_325] {strides = array<i32>} : memref<2x200x128xf32, #tpu.memory_space<vmem>>, vector<1x1x16xf32>,
        %swap3A_327 = vector.shape_cast %swap3A_326 : vector<1x1x16xf32> to vector<16xf32>
        %swap3A_328 = vector.shape_cast %get3A_321 : vector<16xf32> to vector<1x1x16xf32>
        tpu.vector_store %arg7[%swap3A_323, %swap3A_324, %swap3A_325], %swap3A_328 {strides = array<i32>} : memref<2x200x128xf32, #tpu.memory_space<vmem>>, vector<1x1x16xf32>,
        %get3A_329 = arith.index_cast %mul3A_251 : i32 to index
        %get3A_330 = arith.constant 112 : index
        %get3A_331 = tpu.vector_load %arg6[%get3A_329, %get3A_330] {strides = array<i32>} : memref<256x128xf32, #tpu.memory_space<vmem>>, vector<1x16xf32>,
        %get3A_332 = vector.shape_cast %get3A_331 : vector<1x16xf32> to vector<16xf32>
        %swap3A_333 = arith.constant 192 : i32
        %swap3A_334 = arith.index_cast %rem3A_229 : i32 to index
        %swap3A_335 = arith.index_cast %swap3A_333 : i32 to index
        %swap3A_336 = arith.constant 112 : index
        %swap3A_337 = tpu.vector_load %arg7[%swap3A_334, %swap3A_335, %swap3A_336] {strides = array<i32>} : memref<2x200x128xf32, #tpu.memory_space<vmem>>, vector<1x1x16xf32>,
        %swap3A_338 = vector.shape_cast %swap3A_337 : vector<1x1x16xf32> to vector<16xf32>
        %swap3A_339 = vector.shape_cast %get3A_332 : vector<16xf32> to vector<1x1x16xf32>
        tpu.vector_store %arg7[%swap3A_334, %swap3A_335, %swap3A_336], %swap3A_339 {strides = array<i32>} : memref<2x200x128xf32, #tpu.memory_space<vmem>>, vector<1x1x16xf32>,
        %slice3A_340 = vector.extract_strided_slice %get3A_244 {offsets = [9], sizes = [1], strides = [1]} : vector<16xi32> to vector<1xi32>
        %squeeze3A_341 = vector.extract %slice3A_340[0] : i32 from vector<1xi32>
        %ne3A_342 = arith.constant 0 : i32
        %ne3A_343 = arith.cmpi ne, %squeeze3A_341, %ne3A_342 : i32
        %convert_element_type3A_344 = arith.extui %ne3A_343 : i1 to i32
        %add3A_345 = arith.addi %add3A_250, %convert_element_type3A_344 : i32
        %mul3A_346 = arith.muli %add3A_345, %convert_element_type3A_344 : i32
        %get3A_347 = arith.index_cast %mul3A_346 : i32 to index
        %get3A_348 = arith.constant 0 : index
        %get3A_349 = tpu.vector_load %arg6[%get3A_347, %get3A_348] {strides = array<i32>} : memref<256x128xf32, #tpu.memory_space<vmem>>, vector<1x16xf32>,
        %get3A_350 = vector.shape_cast %get3A_349 : vector<1x16xf32> to vector<16xf32>
        %swap3A_351 = arith.constant 193 : i32
        %swap3A_352 = arith.index_cast %rem3A_229 : i32 to index
        %swap3A_353 = arith.index_cast %swap3A_351 : i32 to index
        %swap3A_354 = arith.constant 0 : index
        %swap3A_355 = tpu.vector_load %arg7[%swap3A_352, %swap3A_353, %swap3A_354] {strides = array<i32>} : memref<2x200x128xf32, #tpu.memory_space<vmem>>, vector<1x1x16xf32>,
        %swap3A_356 = vector.shape_cast %swap3A_355 : vector<1x1x16xf32> to vector<16xf32>
        %swap3A_357 = vector.shape_cast %get3A_350 : vector<16xf32> to vector<1x1x16xf32>
        tpu.vector_store %arg7[%swap3A_352, %swap3A_353, %swap3A_354], %swap3A_357 {strides = array<i32>} : memref<2x200x128xf32, #tpu.memory_space<vmem>>, vector<1x1x16xf32>,
        %get3A_358 = arith.index_cast %mul3A_346 : i32 to index
        %get3A_359 = arith.constant 16 : index
        %get3A_360 = tpu.vector_load %arg6[%get3A_358, %get3A_359] {strides = array<i32>} : memref<256x128xf32, #tpu.memory_space<vmem>>, vector<1x16xf32>,
        %get3A_361 = vector.shape_cast %get3A_360 : vector<1x16xf32> to vector<16xf32>
        %swap3A_362 = arith.constant 193 : i32
        %swap3A_363 = arith.index_cast %rem3A_229 : i32 to index
        %swap3A_364 = arith.index_cast %swap3A_362 : i32 to index
        %swap3A_365 = arith.constant 16 : index
        %swap3A_366 = tpu.vector_load %arg7[%swap3A_363, %swap3A_364, %swap3A_365] {strides = array<i32>} : memref<2x200x128xf32, #tpu.memory_space<vmem>>, vector<1x1x16xf32>,
        %swap3A_367 = vector.shape_cast %swap3A_366 : vector<1x1x16xf32> to vector<16xf32>
        %swap3A_368 = vector.shape_cast %get3A_361 : vector<16xf32> to vector<1x1x16xf32>
        tpu.vector_store %arg7[%swap3A_363, %swap3A_364, %swap3A_365], %swap3A_368 {strides = array<i32>} : memref<2x200x128xf32, #tpu.memory_space<vmem>>, vector<1x1x16xf32>,
        %get3A_369 = arith.index_cast %mul3A_346 : i32 to index
        %get3A_370 = arith.constant 32 : index
        %get3A_371 = tpu.vector_load %arg6[%get3A_369, %get3A_370] {strides = array<i32>} : memref<256x128xf32, #tpu.memory_space<vmem>>, vector<1x16xf32>,
        %get3A_372 = vector.shape_cast %get3A_371 : vector<1x16xf32> to vector<16xf32>
        %swap3A_373 = arith.constant 193 : i32
        %swap3A_374 = arith.index_cast %rem3A_229 : i32 to index
        %swap3A_375 = arith.index_cast %swap3A_373 : i32 to index
        %swap3A_376 = arith.constant 32 : index
        %swap3A_377 = tpu.vector_load %arg7[%swap3A_374, %swap3A_375, %swap3A_376] {strides = array<i32>} : memref<2x200x128xf32, #tpu.memory_space<vmem>>, vector<1x1x16xf32>,
        %swap3A_378 = vector.shape_cast %swap3A_377 : vector<1x1x16xf32> to vector<16xf32>
        %swap3A_379 = vector.shape_cast %get3A_372 : vector<16xf32> to vector<1x1x16xf32>
        tpu.vector_store %arg7[%swap3A_374, %swap3A_375, %swap3A_376], %swap3A_379 {strides = array<i32>} : memref<2x200x128xf32, #tpu.memory_space<vmem>>, vector<1x1x16xf32>,
        %get3A_380 = arith.index_cast %mul3A_346 : i32 to index
        %get3A_381 = arith.constant 48 : index
        %get3A_382 = tpu.vector_load %arg6[%get3A_380, %get3A_381] {strides = array<i32>} : memref<256x128xf32, #tpu.memory_space<vmem>>, vector<1x16xf32>,
        %get3A_383 = vector.shape_cast %get3A_382 : vector<1x16xf32> to vector<16xf32>
        %swap3A_384 = arith.constant 193 : i32
        %swap3A_385 = arith.index_cast %rem3A_229 : i32 to index
        %swap3A_386 = arith.index_cast %swap3A_384 : i32 to index
        %swap3A_387 = arith.constant 48 : index
        %swap3A_388 = tpu.vector_load %arg7[%swap3A_385, %swap3A_386, %swap3A_387] {strides = array<i32>} : memref<2x200x128xf32, #tpu.memory_space<vmem>>, vector<1x1x16xf32>,
        %swap3A_389 = vector.shape_cast %swap3A_388 : vector<1x1x16xf32> to vector<16xf32>
        %swap3A_390 = vector.shape_cast %get3A_383 : vector<16xf32> to vector<1x1x16xf32>
        tpu.vector_store %arg7[%swap3A_385, %swap3A_386, %swap3A_387], %swap3A_390 {strides = array<i32>} : memref<2x200x128xf32, #tpu.memory_space<vmem>>, vector<1x1x16xf32>,
        %get3A_391 = arith.index_cast %mul3A_346 : i32 to index
        %get3A_392 = arith.constant 64 : index
        %get3A_393 = tpu.vector_load %arg6[%get3A_391, %get3A_392] {strides = array<i32>} : memref<256x128xf32, #tpu.memory_space<vmem>>, vector<1x16xf32>,
        %get3A_394 = vector.shape_cast %get3A_393 : vector<1x16xf32> to vector<16xf32>
        %swap3A_395 = arith.constant 193 : i32
        %swap3A_396 = arith.index_cast %rem3A_229 : i32 to index
        %swap3A_397 = arith.index_cast %swap3A_395 : i32 to index
        %swap3A_398 = arith.constant 64 : index
        %swap3A_399 = tpu.vector_load %arg7[%swap3A_396, %swap3A_397, %swap3A_398] {strides = array<i32>} : memref<2x200x128xf32, #tpu.memory_space<vmem>>, vector<1x1x16xf32>,
        %swap3A_400 = vector.shape_cast %swap3A_399 : vector<1x1x16xf32> to vector<16xf32>
        %swap3A_401 = vector.shape_cast %get3A_394 : vector<16xf32> to vector<1x1x16xf32>
        tpu.vector_store %arg7[%swap3A_396, %swap3A_397, %swap3A_398], %swap3A_401 {strides = array<i32>} : memref<2x200x128xf32, #tpu.memory_space<vmem>>, vector<1x1x16xf32>,
        %get3A_402 = arith.index_cast %mul3A_346 : i32 to index
        %get3A_403 = arith.constant 80 : index
        %get3A_404 = tpu.vector_load %arg6[%get3A_402, %get3A_403] {strides = array<i32>} : memref<256x128xf32, #tpu.memory_space<vmem>>, vector<1x16xf32>,
        %get3A_405 = vector.shape_cast %get3A_404 : vector<1x16xf32> to vector<16xf32>
        %swap3A_406 = arith.constant 193 : i32
        %swap3A_407 = arith.index_cast %rem3A_229 : i32 to index
        %swap3A_408 = arith.index_cast %swap3A_406 : i32 to index
        %swap3A_409 = arith.constant 80 : index
        %swap3A_410 = tpu.vector_load %arg7[%swap3A_407, %swap3A_408, %swap3A_409] {strides = array<i32>} : memref<2x200x128xf32, #tpu.memory_space<vmem>>, vector<1x1x16xf32>,
        %swap3A_411 = vector.shape_cast %swap3A_410 : vector<1x1x16xf32> to vector<16xf32>
        %swap3A_412 = vector.shape_cast %get3A_405 : vector<16xf32> to vector<1x1x16xf32>
        tpu.vector_store %arg7[%swap3A_407, %swap3A_408, %swap3A_409], %swap3A_412 {strides = array<i32>} : memref<2x200x128xf32, #tpu.memory_space<vmem>>, vector<1x1x16xf32>,
        %get3A_413 = arith.index_cast %mul3A_346 : i32 to index
        %get3A_414 = arith.constant 96 : index
        %get3A_415 = tpu.vector_load %arg6[%get3A_413, %get3A_414] {strides = array<i32>} : memref<256x128xf32, #tpu.memory_space<vmem>>, vector<1x16xf32>,
        %get3A_416 = vector.shape_cast %get3A_415 : vector<1x16xf32> to vector<16xf32>
        %swap3A_417 = arith.constant 193 : i32
        %swap3A_418 = arith.index_cast %rem3A_229 : i32 to index
        %swap3A_419 = arith.index_cast %swap3A_417 : i32 to index
        %swap3A_420 = arith.constant 96 : index
        %swap3A_421 = tpu.vector_load %arg7[%swap3A_418, %swap3A_419, %swap3A_420] {strides = array<i32>} : memref<2x200x128xf32, #tpu.memory_space<vmem>>, vector<1x1x16xf32>,
        %swap3A_422 = vector.shape_cast %swap3A_421 : vector<1x1x16xf32> to vector<16xf32>
        %swap3A_423 = vector.shape_cast %get3A_416 : vector<16xf32> to vector<1x1x16xf32>
        tpu.vector_store %arg7[%swap3A_418, %swap3A_419, %swap3A_420], %swap3A_423 {strides = array<i32>} : memref<2x200x128xf32, #tpu.memory_space<vmem>>, vector<1x1x16xf32>,
        %get3A_424 = arith.index_cast %mul3A_346 : i32 to index
        %get3A_425 = arith.constant 112 : index
        %get3A_426 = tpu.vector_load %arg6[%get3A_424, %get3A_425] {strides = array<i32>} : memref<256x128xf32, #tpu.memory_space<vmem>>, vector<1x16xf32>,
        %get3A_427 = vector.shape_cast %get3A_426 : vector<1x16xf32> to vector<16xf32>
        %swap3A_428 = arith.constant 193 : i32
        %swap3A_429 = arith.index_cast %rem3A_229 : i32 to index
        %swap3A_430 = arith.index_cast %swap3A_428 : i32 to index
        %swap3A_431 = arith.constant 112 : index
        %swap3A_432 = tpu.vector_load %arg7[%swap3A_429, %swap3A_430, %swap3A_431] {strides = array<i32>} : memref<2x200x128xf32, #tpu.memory_space<vmem>>, vector<1x1x16xf32>,
        %swap3A_433 = vector.shape_cast %swap3A_432 : vector<1x1x16xf32> to vector<16xf32>
        %swap3A_434 = vector.shape_cast %get3A_427 : vector<16xf32> to vector<1x1x16xf32>
        tpu.vector_store %arg7[%swap3A_429, %swap3A_430, %swap3A_431], %swap3A_434 {strides = array<i32>} : memref<2x200x128xf32, #tpu.memory_space<vmem>>, vector<1x1x16xf32>,
        %slice3A_435 = vector.extract_strided_slice %get3A_244 {offsets = [10], sizes = [1], strides = [1]} : vector<16xi32> to vector<1xi32>
        %squeeze3A_436 = vector.extract %slice3A_435[0] : i32 from vector<1xi32>
        %ne3A_437 = arith.constant 0 : i32
        %ne3A_438 = arith.cmpi ne, %squeeze3A_436, %ne3A_437 : i32
        %convert_element_type3A_439 = arith.extui %ne3A_438 : i1 to i32
        %add3A_440 = arith.addi %add3A_345, %convert_element_type3A_439 : i32
        %mul3A_441 = arith.muli %add3A_440, %convert_element_type3A_439 : i32
        %get3A_442 = arith.index_cast %mul3A_441 : i32 to index
        %get3A_443 = arith.constant 0 : index
        %get3A_444 = tpu.vector_load %arg6[%get3A_442, %get3A_443] {strides = array<i32>} : memref<256x128xf32, #tpu.memory_space<vmem>>, vector<1x16xf32>,
        %get3A_445 = vector.shape_cast %get3A_444 : vector<1x16xf32> to vector<16xf32>
        %swap3A_446 = arith.constant 194 : i32
        %swap3A_447 = arith.index_cast %rem3A_229 : i32 to index
        %swap3A_448 = arith.index_cast %swap3A_446 : i32 to index
        %swap3A_449 = arith.constant 0 : index
        %swap3A_450 = tpu.vector_load %arg7[%swap3A_447, %swap3A_448, %swap3A_449] {strides = array<i32>} : memref<2x200x128xf32, #tpu.memory_space<vmem>>, vector<1x1x16xf32>,
        %swap3A_451 = vector.shape_cast %swap3A_450 : vector<1x1x16xf32> to vector<16xf32>
        %swap3A_452 = vector.shape_cast %get3A_445 : vector<16xf32> to vector<1x1x16xf32>
        tpu.vector_store %arg7[%swap3A_447, %swap3A_448, %swap3A_449], %swap3A_452 {strides = array<i32>} : memref<2x200x128xf32, #tpu.memory_space<vmem>>, vector<1x1x16xf32>,
        %get3A_453 = arith.index_cast %mul3A_441 : i32 to index
        %get3A_454 = arith.constant 16 : index
        %get3A_455 = tpu.vector_load %arg6[%get3A_453, %get3A_454] {strides = array<i32>} : memref<256x128xf32, #tpu.memory_space<vmem>>, vector<1x16xf32>,
        %get3A_456 = vector.shape_cast %get3A_455 : vector<1x16xf32> to vector<16xf32>
        %swap3A_457 = arith.constant 194 : i32
        %swap3A_458 = arith.index_cast %rem3A_229 : i32 to index
        %swap3A_459 = arith.index_cast %swap3A_457 : i32 to index
        %swap3A_460 = arith.constant 16 : index
        %swap3A_461 = tpu.vector_load %arg7[%swap3A_458, %swap3A_459, %swap3A_460] {strides = array<i32>} : memref<2x200x128xf32, #tpu.memory_space<vmem>>, vector<1x1x16xf32>,
        %swap3A_462 = vector.shape_cast %swap3A_461 : vector<1x1x16xf32> to vector<16xf32>
        %swap3A_463 = vector.shape_cast %get3A_456 : vector<16xf32> to vector<1x1x16xf32>
        tpu.vector_store %arg7[%swap3A_458, %swap3A_459, %swap3A_460], %swap3A_463 {strides = array<i32>} : memref<2x200x128xf32, #tpu.memory_space<vmem>>, vector<1x1x16xf32>,
        %get3A_464 = arith.index_cast %mul3A_441 : i32 to index
        %get3A_465 = arith.constant 32 : index
        %get3A_466 = tpu.vector_load %arg6[%get3A_464, %get3A_465] {strides = array<i32>} : memref<256x128xf32, #tpu.memory_space<vmem>>, vector<1x16xf32>,
        %get3A_467 = vector.shape_cast %get3A_466 : vector<1x16xf32> to vector<16xf32>
        %swap3A_468 = arith.constant 194 : i32
        %swap3A_469 = arith.index_cast %rem3A_229 : i32 to index
        %swap3A_470 = arith.index_cast %swap3A_468 : i32 to index
        %swap3A_471 = arith.constant 32 : index
        %swap3A_472 = tpu.vector_load %arg7[%swap3A_469, %swap3A_470, %swap3A_471] {strides = array<i32>} : memref<2x200x128xf32, #tpu.memory_space<vmem>>, vector<1x1x16xf32>,
        %swap3A_473 = vector.shape_cast %swap3A_472 : vector<1x1x16xf32> to vector<16xf32>
        %swap3A_474 = vector.shape_cast %get3A_467 : vector<16xf32> to vector<1x1x16xf32>
        tpu.vector_store %arg7[%swap3A_469, %swap3A_470, %swap3A_471], %swap3A_474 {strides = array<i32>} : memref<2x200x128xf32, #tpu.memory_space<vmem>>, vector<1x1x16xf32>,
        %get3A_475 = arith.index_cast %mul3A_441 : i32 to index
        %get3A_476 = arith.constant 48 : index
        %get3A_477 = tpu.vector_load %arg6[%get3A_475, %get3A_476] {strides = array<i32>} : memref<256x128xf32, #tpu.memory_space<vmem>>, vector<1x16xf32>,
        %get3A_478 = vector.shape_cast %get3A_477 : vector<1x16xf32> to vector<16xf32>
        %swap3A_479 = arith.constant 194 : i32
        %swap3A_480 = arith.index_cast %rem3A_229 : i32 to index
        %swap3A_481 = arith.index_cast %swap3A_479 : i32 to index
        %swap3A_482 = arith.constant 48 : index
        %swap3A_483 = tpu.vector_load %arg7[%swap3A_480, %swap3A_481, %swap3A_482] {strides = array<i32>} : memref<2x200x128xf32, #tpu.memory_space<vmem>>, vector<1x1x16xf32>,
        %swap3A_484 = vector.shape_cast %swap3A_483 : vector<1x1x16xf32> to vector<16xf32>
        %swap3A_485 = vector.shape_cast %get3A_478 : vector<16xf32> to vector<1x1x16xf32>
        tpu.vector_store %arg7[%swap3A_480, %swap3A_481, %swap3A_482], %swap3A_485 {strides = array<i32>} : memref<2x200x128xf32, #tpu.memory_space<vmem>>, vector<1x1x16xf32>,
        %get3A_486 = arith.index_cast %mul3A_441 : i32 to index
        %get3A_487 = arith.constant 64 : index
        %get3A_488 = tpu.vector_load %arg6[%get3A_486, %get3A_487] {strides = array<i32>} : memref<256x128xf32, #tpu.memory_space<vmem>>, vector<1x16xf32>,
        %get3A_489 = vector.shape_cast %get3A_488 : vector<1x16xf32> to vector<16xf32>
        %swap3A_490 = arith.constant 194 : i32
        %swap3A_491 = arith.index_cast %rem3A_229 : i32 to index
        %swap3A_492 = arith.index_cast %swap3A_490 : i32 to index
        %swap3A_493 = arith.constant 64 : index
        %swap3A_494 = tpu.vector_load %arg7[%swap3A_491, %swap3A_492, %swap3A_493] {strides = array<i32>} : memref<2x200x128xf32, #tpu.memory_space<vmem>>, vector<1x1x16xf32>,
        %swap3A_495 = vector.shape_cast %swap3A_494 : vector<1x1x16xf32> to vector<16xf32>
        %swap3A_496 = vector.shape_cast %get3A_489 : vector<16xf32> to vector<1x1x16xf32>
        tpu.vector_store %arg7[%swap3A_491, %swap3A_492, %swap3A_493], %swap3A_496 {strides = array<i32>} : memref<2x200x128xf32, #tpu.memory_space<vmem>>, vector<1x1x16xf32>,
        %get3A_497 = arith.index_cast %mul3A_441 : i32 to index
        %get3A_498 = arith.constant 80 : index
        %get3A_499 = tpu.vector_load %arg6[%get3A_497, %get3A_498] {strides = array<i32>} : memref<256x128xf32, #tpu.memory_space<vmem>>, vector<1x16xf32>,
        %get3A_500 = vector.shape_cast %get3A_499 : vector<1x16xf32> to vector<16xf32>
        %swap3A_501 = arith.constant 194 : i32
        %swap3A_502 = arith.index_cast %rem3A_229 : i32 to index
        %swap3A_503 = arith.index_cast %swap3A_501 : i32 to index
        %swap3A_504 = arith.constant 80 : index
        %swap3A_505 = tpu.vector_load %arg7[%swap3A_502, %swap3A_503, %swap3A_504] {strides = array<i32>} : memref<2x200x128xf32, #tpu.memory_space<vmem>>, vector<1x1x16xf32>,
        %swap3A_506 = vector.shape_cast %swap3A_505 : vector<1x1x16xf32> to vector<16xf32>
        %swap3A_507 = vector.shape_cast %get3A_500 : vector<16xf32> to vector<1x1x16xf32>
        tpu.vector_store %arg7[%swap3A_502, %swap3A_503, %swap3A_504], %swap3A_507 {strides = array<i32>} : memref<2x200x128xf32, #tpu.memory_space<vmem>>, vector<1x1x16xf32>,
        %get3A_508 = arith.index_cast %mul3A_441 : i32 to index
        %get3A_509 = arith.constant 96 : index
        %get3A_510 = tpu.vector_load %arg6[%get3A_508, %get3A_509] {strides = array<i32>} : memref<256x128xf32, #tpu.memory_space<vmem>>, vector<1x16xf32>,
        %get3A_511 = vector.shape_cast %get3A_510 : vector<1x16xf32> to vector<16xf32>
        %swap3A_512 = arith.constant 194 : i32
        %swap3A_513 = arith.index_cast %rem3A_229 : i32 to index
        %swap3A_514 = arith.index_cast %swap3A_512 : i32 to index
        %swap3A_515 = arith.constant 96 : index
        %swap3A_516 = tpu.vector_load %arg7[%swap3A_513, %swap3A_514, %swap3A_515] {strides = array<i32>} : memref<2x200x128xf32, #tpu.memory_space<vmem>>, vector<1x1x16xf32>,
        %swap3A_517 = vector.shape_cast %swap3A_516 : vector<1x1x16xf32> to vector<16xf32>
        %swap3A_518 = vector.shape_cast %get3A_511 : vector<16xf32> to vector<1x1x16xf32>
        tpu.vector_store %arg7[%swap3A_513, %swap3A_514, %swap3A_515], %swap3A_518 {strides = array<i32>} : memref<2x200x128xf32, #tpu.memory_space<vmem>>, vector<1x1x16xf32>,
        %get3A_519 = arith.index_cast %mul3A_441 : i32 to index
        %get3A_520 = arith.constant 112 : index
        %get3A_521 = tpu.vector_load %arg6[%get3A_519, %get3A_520] {strides = array<i32>} : memref<256x128xf32, #tpu.memory_space<vmem>>, vector<1x16xf32>,
        %get3A_522 = vector.shape_cast %get3A_521 : vector<1x16xf32> to vector<16xf32>
        %swap3A_523 = arith.constant 194 : i32
        %swap3A_524 = arith.index_cast %rem3A_229 : i32 to index
        %swap3A_525 = arith.index_cast %swap3A_523 : i32 to index
        %swap3A_526 = arith.constant 112 : index
        %swap3A_527 = tpu.vector_load %arg7[%swap3A_524, %swap3A_525, %swap3A_526] {strides = array<i32>} : memref<2x200x128xf32, #tpu.memory_space<vmem>>, vector<1x1x16xf32>,
        %swap3A_528 = vector.shape_cast %swap3A_527 : vector<1x1x16xf32> to vector<16xf32>
        %swap3A_529 = vector.shape_cast %get3A_522 : vector<16xf32> to vector<1x1x16xf32>
        tpu.vector_store %arg7[%swap3A_524, %swap3A_525, %swap3A_526], %swap3A_529 {strides = array<i32>} : memref<2x200x128xf32, #tpu.memory_space<vmem>>, vector<1x1x16xf32>,
        %slice3A_530 = vector.extract_strided_slice %get3A_244 {offsets = [11], sizes = [1], strides = [1]} : vector<16xi32> to vector<1xi32>
        %squeeze3A_531 = vector.extract %slice3A_530[0] : i32 from vector<1xi32>
        %ne3A_532 = arith.constant 0 : i32
        %ne3A_533 = arith.cmpi ne, %squeeze3A_531, %ne3A_532 : i32
        %convert_element_type3A_534 = arith.extui %ne3A_533 : i1 to i32
        %add3A_535 = arith.addi %add3A_440, %convert_element_type3A_534 : i32
        %mul3A_536 = arith.muli %add3A_535, %convert_element_type3A_534 : i32
        %get3A_537 = arith.index_cast %mul3A_536 : i32 to index
        %get3A_538 = arith.constant 0 : index
        %get3A_539 = tpu.vector_load %arg6[%get3A_537, %get3A_538] {strides = array<i32>} : memref<256x128xf32, #tpu.memory_space<vmem>>, vector<1x16xf32>,
        %get3A_540 = vector.shape_cast %get3A_539 : vector<1x16xf32> to vector<16xf32>
        %swap3A_541 = arith.constant 195 : i32
        %swap3A_542 = arith.index_cast %rem3A_229 : i32 to index
        %swap3A_543 = arith.index_cast %swap3A_541 : i32 to index
        %swap3A_544 = arith.constant 0 : index
        %swap3A_545 = tpu.vector_load %arg7[%swap3A_542, %swap3A_543, %swap3A_544] {strides = array<i32>} : memref<2x200x128xf32, #tpu.memory_space<vmem>>, vector<1x1x16xf32>,
        %swap3A_546 = vector.shape_cast %swap3A_545 : vector<1x1x16xf32> to vector<16xf32>
        %swap3A_547 = vector.shape_cast %get3A_540 : vector<16xf32> to vector<1x1x16xf32>
        tpu.vector_store %arg7[%swap3A_542, %swap3A_543, %swap3A_544], %swap3A_547 {strides = array<i32>} : memref<2x200x128xf32, #tpu.memory_space<vmem>>, vector<1x1x16xf32>,
        %get3A_548 = arith.index_cast %mul3A_536 : i32 to index
        %get3A_549 = arith.constant 16 : index
        %get3A_550 = tpu.vector_load %arg6[%get3A_548, %get3A_549] {strides = array<i32>} : memref<256x128xf32, #tpu.memory_space<vmem>>, vector<1x16xf32>,
        %get3A_551 = vector.shape_cast %get3A_550 : vector<1x16xf32> to vector<16xf32>
        %swap3A_552 = arith.constant 195 : i32
        %swap3A_553 = arith.index_cast %rem3A_229 : i32 to index
        %swap3A_554 = arith.index_cast %swap3A_552 : i32 to index
        %swap3A_555 = arith.constant 16 : index
        %swap3A_556 = tpu.vector_load %arg7[%swap3A_553, %swap3A_554, %swap3A_555] {strides = array<i32>} : memref<2x200x128xf32, #tpu.memory_space<vmem>>, vector<1x1x16xf32>,
        %swap3A_557 = vector.shape_cast %swap3A_556 : vector<1x1x16xf32> to vector<16xf32>
        %swap3A_558 = vector.shape_cast %get3A_551 : vector<16xf32> to vector<1x1x16xf32>
        tpu.vector_store %arg7[%swap3A_553, %swap3A_554, %swap3A_555], %swap3A_558 {strides = array<i32>} : memref<2x200x128xf32, #tpu.memory_space<vmem>>, vector<1x1x16xf32>,
        %get3A_559 = arith.index_cast %mul3A_536 : i32 to index
        %get3A_560 = arith.constant 32 : index
        %get3A_561 = tpu.vector_load %arg6[%get3A_559, %get3A_560] {strides = array<i32>} : memref<256x128xf32, #tpu.memory_space<vmem>>, vector<1x16xf32>,
        %get3A_562 = vector.shape_cast %get3A_561 : vector<1x16xf32> to vector<16xf32>
        %swap3A_563 = arith.constant 195 : i32
        %swap3A_564 = arith.index_cast %rem3A_229 : i32 to index
        %swap3A_565 = arith.index_cast %swap3A_563 : i32 to index
        %swap3A_566 = arith.constant 32 : index
        %swap3A_567 = tpu.vector_load %arg7[%swap3A_564, %swap3A_565, %swap3A_566] {strides = array<i32>} : memref<2x200x128xf32, #tpu.memory_space<vmem>>, vector<1x1x16xf32>,
        %swap3A_568 = vector.shape_cast %swap3A_567 : vector<1x1x16xf32> to vector<16xf32>
        %swap3A_569 = vector.shape_cast %get3A_562 : vector<16xf32> to vector<1x1x16xf32>
        tpu.vector_store %arg7[%swap3A_564, %swap3A_565, %swap3A_566], %swap3A_569 {strides = array<i32>} : memref<2x200x128xf32, #tpu.memory_space<vmem>>, vector<1x1x16xf32>,
        %get3A_570 = arith.index_cast %mul3A_536 : i32 to index
        %get3A_571 = arith.constant 48 : index
        %get3A_572 = tpu.vector_load %arg6[%get3A_570, %get3A_571] {strides = array<i32>} : memref<256x128xf32, #tpu.memory_space<vmem>>, vector<1x16xf32>,
        %get3A_573 = vector.shape_cast %get3A_572 : vector<1x16xf32> to vector<16xf32>
        %swap3A_574 = arith.constant 195 : i32
        %swap3A_575 = arith.index_cast %rem3A_229 : i32 to index
        %swap3A_576 = arith.index_cast %swap3A_574 : i32 to index
        %swap3A_577 = arith.constant 48 : index
        %swap3A_578 = tpu.vector_load %arg7[%swap3A_575, %swap3A_576, %swap3A_577] {strides = array<i32>} : memref<2x200x128xf32, #tpu.memory_space<vmem>>, vector<1x1x16xf32>,
        %swap3A_579 = vector.shape_cast %swap3A_578 : vector<1x1x16xf32> to vector<16xf32>
        %swap3A_580 = vector.shape_cast %get3A_573 : vector<16xf32> to vector<1x1x16xf32>
        tpu.vector_store %arg7[%swap3A_575, %swap3A_576, %swap3A_577], %swap3A_580 {strides = array<i32>} : memref<2x200x128xf32, #tpu.memory_space<vmem>>, vector<1x1x16xf32>,
        %get3A_581 = arith.index_cast %mul3A_536 : i32 to index
        %get3A_582 = arith.constant 64 : index
        %get3A_583 = tpu.vector_load %arg6[%get3A_581, %get3A_582] {strides = array<i32>} : memref<256x128xf32, #tpu.memory_space<vmem>>, vector<1x16xf32>,
        %get3A_584 = vector.shape_cast %get3A_583 : vector<1x16xf32> to vector<16xf32>
        %swap3A_585 = arith.constant 195 : i32
        %swap3A_586 = arith.index_cast %rem3A_229 : i32 to index
        %swap3A_587 = arith.index_cast %swap3A_585 : i32 to index
        %swap3A_588 = arith.constant 64 : index
        %swap3A_589 = tpu.vector_load %arg7[%swap3A_586, %swap3A_587, %swap3A_588] {strides = array<i32>} : memref<2x200x128xf32, #tpu.memory_space<vmem>>, vector<1x1x16xf32>,
        %swap3A_590 = vector.shape_cast %swap3A_589 : vector<1x1x16xf32> to vector<16xf32>
        %swap3A_591 = vector.shape_cast %get3A_584 : vector<16xf32> to vector<1x1x16xf32>
        tpu.vector_store %arg7[%swap3A_586, %swap3A_587, %swap3A_588], %swap3A_591 {strides = array<i32>} : memref<2x200x128xf32, #tpu.memory_space<vmem>>, vector<1x1x16xf32>,
        %get3A_592 = arith.index_cast %mul3A_536 : i32 to index
        %get3A_593 = arith.constant 80 : index
        %get3A_594 = tpu.vector_load %arg6[%get3A_592, %get3A_593] {strides = array<i32>} : memref<256x128xf32, #tpu.memory_space<vmem>>, vector<1x16xf32>,
        %get3A_595 = vector.shape_cast %get3A_594 : vector<1x16xf32> to vector<16xf32>
        %swap3A_596 = arith.constant 195 : i32
        %swap3A_597 = arith.index_cast %rem3A_229 : i32 to index
        %swap3A_598 = arith.index_cast %swap3A_596 : i32 to index
        %swap3A_599 = arith.constant 80 : index
        %swap3A_600 = tpu.vector_load %arg7[%swap3A_597, %swap3A_598, %swap3A_599] {strides = array<i32>} : memref<2x200x128xf32, #tpu.memory_space<vmem>>, vector<1x1x16xf32>,
        %swap3A_601 = vector.shape_cast %swap3A_600 : vector<1x1x16xf32> to vector<16xf32>
        %swap3A_602 = vector.shape_cast %get3A_595 : vector<16xf32> to vector<1x1x16xf32>
        tpu.vector_store %arg7[%swap3A_597, %swap3A_598, %swap3A_599], %swap3A_602 {strides = array<i32>} : memref<2x200x128xf32, #tpu.memory_space<vmem>>, vector<1x1x16xf32>,
        %get3A_603 = arith.index_cast %mul3A_536 : i32 to index
        %get3A_604 = arith.constant 96 : index
        %get3A_605 = tpu.vector_load %arg6[%get3A_603, %get3A_604] {strides = array<i32>} : memref<256x128xf32, #tpu.memory_space<vmem>>, vector<1x16xf32>,
        %get3A_606 = vector.shape_cast %get3A_605 : vector<1x16xf32> to vector<16xf32>
        %swap3A_607 = arith.constant 195 : i32
        %swap3A_608 = arith.index_cast %rem3A_229 : i32 to index
        %swap3A_609 = arith.index_cast %swap3A_607 : i32 to index
        %swap3A_610 = arith.constant 96 : index
        %swap3A_611 = tpu.vector_load %arg7[%swap3A_608, %swap3A_609, %swap3A_610] {strides = array<i32>} : memref<2x200x128xf32, #tpu.memory_space<vmem>>, vector<1x1x16xf32>,
        %swap3A_612 = vector.shape_cast %swap3A_611 : vector<1x1x16xf32> to vector<16xf32>
        %swap3A_613 = vector.shape_cast %get3A_606 : vector<16xf32> to vector<1x1x16xf32>
        tpu.vector_store %arg7[%swap3A_608, %swap3A_609, %swap3A_610], %swap3A_613 {strides = array<i32>} : memref<2x200x128xf32, #tpu.memory_space<vmem>>, vector<1x1x16xf32>,
        %get3A_614 = arith.index_cast %mul3A_536 : i32 to index
        %get3A_615 = arith.constant 112 : index
        %get3A_616 = tpu.vector_load %arg6[%get3A_614, %get3A_615] {strides = array<i32>} : memref<256x128xf32, #tpu.memory_space<vmem>>, vector<1x16xf32>,
        %get3A_617 = vector.shape_cast %get3A_616 : vector<1x16xf32> to vector<16xf32>
        %swap3A_618 = arith.constant 195 : i32
        %swap3A_619 = arith.index_cast %rem3A_229 : i32 to index
        %swap3A_620 = arith.index_cast %swap3A_618 : i32 to index
        %swap3A_621 = arith.constant 112 : index
        %swap3A_622 = tpu.vector_load %arg7[%swap3A_619, %swap3A_620, %swap3A_621] {strides = array<i32>} : memref<2x200x128xf32, #tpu.memory_space<vmem>>, vector<1x1x16xf32>,
        %swap3A_623 = vector.shape_cast %swap3A_622 : vector<1x1x16xf32> to vector<16xf32>
        %swap3A_624 = vector.shape_cast %get3A_617 : vector<16xf32> to vector<1x1x16xf32>
        tpu.vector_store %arg7[%swap3A_619, %swap3A_620, %swap3A_621], %swap3A_624 {strides = array<i32>} : memref<2x200x128xf32, #tpu.memory_space<vmem>>, vector<1x1x16xf32>,
        %slice3A_625 = vector.extract_strided_slice %get3A_244 {offsets = [12], sizes = [1], strides = [1]} : vector<16xi32> to vector<1xi32>
        %squeeze3A_626 = vector.extract %slice3A_625[0] : i32 from vector<1xi32>
        %ne3A_627 = arith.constant 0 : i32
        %ne3A_628 = arith.cmpi ne, %squeeze3A_626, %ne3A_627 : i32
        %convert_element_type3A_629 = arith.extui %ne3A_628 : i1 to i32
        %add3A_630 = arith.addi %add3A_535, %convert_element_type3A_629 : i32
        %mul3A_631 = arith.muli %add3A_630, %convert_element_type3A_629 : i32
        %get3A_632 = arith.index_cast %mul3A_631 : i32 to index
        %get3A_633 = arith.constant 0 : index
        %get3A_634 = tpu.vector_load %arg6[%get3A_632, %get3A_633] {strides = array<i32>} : memref<256x128xf32, #tpu.memory_space<vmem>>, vector<1x16xf32>,
        %get3A_635 = vector.shape_cast %get3A_634 : vector<1x16xf32> to vector<16xf32>
        %swap3A_636 = arith.constant 196 : i32
        %swap3A_637 = arith.index_cast %rem3A_229 : i32 to index
        %swap3A_638 = arith.index_cast %swap3A_636 : i32 to index
        %swap3A_639 = arith.constant 0 : index
        %swap3A_640 = tpu.vector_load %arg7[%swap3A_637, %swap3A_638, %swap3A_639] {strides = array<i32>} : memref<2x200x128xf32, #tpu.memory_space<vmem>>, vector<1x1x16xf32>,
        %swap3A_641 = vector.shape_cast %swap3A_640 : vector<1x1x16xf32> to vector<16xf32>
        %swap3A_642 = vector.shape_cast %get3A_635 : vector<16xf32> to vector<1x1x16xf32>
        tpu.vector_store %arg7[%swap3A_637, %swap3A_638, %swap3A_639], %swap3A_642 {strides = array<i32>} : memref<2x200x128xf32, #tpu.memory_space<vmem>>, vector<1x1x16xf32>,
        %get3A_643 = arith.index_cast %mul3A_631 : i32 to index
        %get3A_644 = arith.constant 16 : index
        %get3A_645 = tpu.vector_load %arg6[%get3A_643, %get3A_644] {strides = array<i32>} : memref<256x128xf32, #tpu.memory_space<vmem>>, vector<1x16xf32>,
        %get3A_646 = vector.shape_cast %get3A_645 : vector<1x16xf32> to vector<16xf32>
        %swap3A_647 = arith.constant 196 : i32
        %swap3A_648 = arith.index_cast %rem3A_229 : i32 to index
        %swap3A_649 = arith.index_cast %swap3A_647 : i32 to index
        %swap3A_650 = arith.constant 16 : index
        %swap3A_651 = tpu.vector_load %arg7[%swap3A_648, %swap3A_649, %swap3A_650] {strides = array<i32>} : memref<2x200x128xf32, #tpu.memory_space<vmem>>, vector<1x1x16xf32>,
        %swap3A_652 = vector.shape_cast %swap3A_651 : vector<1x1x16xf32> to vector<16xf32>
        %swap3A_653 = vector.shape_cast %get3A_646 : vector<16xf32> to vector<1x1x16xf32>
        tpu.vector_store %arg7[%swap3A_648, %swap3A_649, %swap3A_650], %swap3A_653 {strides = array<i32>} : memref<2x200x128xf32, #tpu.memory_space<vmem>>, vector<1x1x16xf32>,
        %get3A_654 = arith.index_cast %mul3A_631 : i32 to index
        %get3A_655 = arith.constant 32 : index
        %get3A_656 = tpu.vector_load %arg6[%get3A_654, %get3A_655] {strides = array<i32>} : memref<256x128xf32, #tpu.memory_space<vmem>>, vector<1x16xf32>,
        %get3A_657 = vector.shape_cast %get3A_656 : vector<1x16xf32> to vector<16xf32>
        %swap3A_658 = arith.constant 196 : i32
        %swap3A_659 = arith.index_cast %rem3A_229 : i32 to index
        %swap3A_660 = arith.index_cast %swap3A_658 : i32 to index
        %swap3A_661 = arith.constant 32 : index
        %swap3A_662 = tpu.vector_load %arg7[%swap3A_659, %swap3A_660, %swap3A_661] {strides = array<i32>} : memref<2x200x128xf32, #tpu.memory_space<vmem>>, vector<1x1x16xf32>,
        %swap3A_663 = vector.shape_cast %swap3A_662 : vector<1x1x16xf32> to vector<16xf32>
        %swap3A_664 = vector.shape_cast %get3A_657 : vector<16xf32> to vector<1x1x16xf32>
        tpu.vector_store %arg7[%swap3A_659, %swap3A_660, %swap3A_661], %swap3A_664 {strides = array<i32>} : memref<2x200x128xf32, #tpu.memory_space<vmem>>, vector<1x1x16xf32>,
        %get3A_665 = arith.index_cast %mul3A_631 : i32 to index
        %get3A_666 = arith.constant 48 : index
        %get3A_667 = tpu.vector_load %arg6[%get3A_665, %get3A_666] {strides = array<i32>} : memref<256x128xf32, #tpu.memory_space<vmem>>, vector<1x16xf32>,
        %get3A_668 = vector.shape_cast %get3A_667 : vector<1x16xf32> to vector<16xf32>
        %swap3A_669 = arith.constant 196 : i32
        %swap3A_670 = arith.index_cast %rem3A_229 : i32 to index
        %swap3A_671 = arith.index_cast %swap3A_669 : i32 to index
        %swap3A_672 = arith.constant 48 : index
        %swap3A_673 = tpu.vector_load %arg7[%swap3A_670, %swap3A_671, %swap3A_672] {strides = array<i32>} : memref<2x200x128xf32, #tpu.memory_space<vmem>>, vector<1x1x16xf32>,
        %swap3A_674 = vector.shape_cast %swap3A_673 : vector<1x1x16xf32> to vector<16xf32>
        %swap3A_675 = vector.shape_cast %get3A_668 : vector<16xf32> to vector<1x1x16xf32>
        tpu.vector_store %arg7[%swap3A_670, %swap3A_671, %swap3A_672], %swap3A_675 {strides = array<i32>} : memref<2x200x128xf32, #tpu.memory_space<vmem>>, vector<1x1x16xf32>,
        %get3A_676 = arith.index_cast %mul3A_631 : i32 to index
        %get3A_677 = arith.constant 64 : index
        %get3A_678 = tpu.vector_load %arg6[%get3A_676, %get3A_677] {strides = array<i32>} : memref<256x128xf32, #tpu.memory_space<vmem>>, vector<1x16xf32>,
        %get3A_679 = vector.shape_cast %get3A_678 : vector<1x16xf32> to vector<16xf32>
        %swap3A_680 = arith.constant 196 : i32
        %swap3A_681 = arith.index_cast %rem3A_229 : i32 to index
        %swap3A_682 = arith.index_cast %swap3A_680 : i32 to index
        %swap3A_683 = arith.constant 64 : index
        %swap3A_684 = tpu.vector_load %arg7[%swap3A_681, %swap3A_682, %swap3A_683] {strides = array<i32>} : memref<2x200x128xf32, #tpu.memory_space<vmem>>, vector<1x1x16xf32>,
        %swap3A_685 = vector.shape_cast %swap3A_684 : vector<1x1x16xf32> to vector<16xf32>
        %swap3A_686 = vector.shape_cast %get3A_679 : vector<16xf32> to vector<1x1x16xf32>
        tpu.vector_store %arg7[%swap3A_681, %swap3A_682, %swap3A_683], %swap3A_686 {strides = array<i32>} : memref<2x200x128xf32, #tpu.memory_space<vmem>>, vector<1x1x16xf32>,
        %get3A_687 = arith.index_cast %mul3A_631 : i32 to index
        %get3A_688 = arith.constant 80 : index
        %get3A_689 = tpu.vector_load %arg6[%get3A_687, %get3A_688] {strides = array<i32>} : memref<256x128xf32, #tpu.memory_space<vmem>>, vector<1x16xf32>,
        %get3A_690 = vector.shape_cast %get3A_689 : vector<1x16xf32> to vector<16xf32>
        %swap3A_691 = arith.constant 196 : i32
        %swap3A_692 = arith.index_cast %rem3A_229 : i32 to index
        %swap3A_693 = arith.index_cast %swap3A_691 : i32 to index
        %swap3A_694 = arith.constant 80 : index
        %swap3A_695 = tpu.vector_load %arg7[%swap3A_692, %swap3A_693, %swap3A_694] {strides = array<i32>} : memref<2x200x128xf32, #tpu.memory_space<vmem>>, vector<1x1x16xf32>,
        %swap3A_696 = vector.shape_cast %swap3A_695 : vector<1x1x16xf32> to vector<16xf32>
        %swap3A_697 = vector.shape_cast %get3A_690 : vector<16xf32> to vector<1x1x16xf32>
        tpu.vector_store %arg7[%swap3A_692, %swap3A_693, %swap3A_694], %swap3A_697 {strides = array<i32>} : memref<2x200x128xf32, #tpu.memory_space<vmem>>, vector<1x1x16xf32>,
        %get3A_698 = arith.index_cast %mul3A_631 : i32 to index
        %get3A_699 = arith.constant 96 : index
        %get3A_700 = tpu.vector_load %arg6[%get3A_698, %get3A_699] {strides = array<i32>} : memref<256x128xf32, #tpu.memory_space<vmem>>, vector<1x16xf32>,
        %get3A_701 = vector.shape_cast %get3A_700 : vector<1x16xf32> to vector<16xf32>
        %swap3A_702 = arith.constant 196 : i32
        %swap3A_703 = arith.index_cast %rem3A_229 : i32 to index
        %swap3A_704 = arith.index_cast %swap3A_702 : i32 to index
        %swap3A_705 = arith.constant 96 : index
        %swap3A_706 = tpu.vector_load %arg7[%swap3A_703, %swap3A_704, %swap3A_705] {strides = array<i32>} : memref<2x200x128xf32, #tpu.memory_space<vmem>>, vector<1x1x16xf32>,
        %swap3A_707 = vector.shape_cast %swap3A_706 : vector<1x1x16xf32> to vector<16xf32>
        %swap3A_708 = vector.shape_cast %get3A_701 : vector<16xf32> to vector<1x1x16xf32>
        tpu.vector_store %arg7[%swap3A_703, %swap3A_704, %swap3A_705], %swap3A_708 {strides = array<i32>} : memref<2x200x128xf32, #tpu.memory_space<vmem>>, vector<1x1x16xf32>,
        %get3A_709 = arith.index_cast %mul3A_631 : i32 to index
        %get3A_710 = arith.constant 112 : index
        %get3A_711 = tpu.vector_load %arg6[%get3A_709, %get3A_710] {strides = array<i32>} : memref<256x128xf32, #tpu.memory_space<vmem>>, vector<1x16xf32>,
        %get3A_712 = vector.shape_cast %get3A_711 : vector<1x16xf32> to vector<16xf32>
        %swap3A_713 = arith.constant 196 : i32
        %swap3A_714 = arith.index_cast %rem3A_229 : i32 to index
        %swap3A_715 = arith.index_cast %swap3A_713 : i32 to index
        %swap3A_716 = arith.constant 112 : index
        %swap3A_717 = tpu.vector_load %arg7[%swap3A_714, %swap3A_715, %swap3A_716] {strides = array<i32>} : memref<2x200x128xf32, #tpu.memory_space<vmem>>, vector<1x1x16xf32>,
        %swap3A_718 = vector.shape_cast %swap3A_717 : vector<1x1x16xf32> to vector<16xf32>
        %swap3A_719 = vector.shape_cast %get3A_712 : vector<16xf32> to vector<1x1x16xf32>
        tpu.vector_store %arg7[%swap3A_714, %swap3A_715, %swap3A_716], %swap3A_719 {strides = array<i32>} : memref<2x200x128xf32, #tpu.memory_space<vmem>>, vector<1x1x16xf32>,
        %slice3A_720 = vector.extract_strided_slice %get3A_244 {offsets = [13], sizes = [1], strides = [1]} : vector<16xi32> to vector<1xi32>
        %squeeze3A_721 = vector.extract %slice3A_720[0] : i32 from vector<1xi32>
        %ne3A_722 = arith.constant 0 : i32
        %ne3A_723 = arith.cmpi ne, %squeeze3A_721, %ne3A_722 : i32
        %convert_element_type3A_724 = arith.extui %ne3A_723 : i1 to i32
        %add3A_725 = arith.addi %add3A_630, %convert_element_type3A_724 : i32
        %mul3A_726 = arith.muli %add3A_725, %convert_element_type3A_724 : i32
        %get3A_727 = arith.index_cast %mul3A_726 : i32 to index
        %get3A_728 = arith.constant 0 : index
        %get3A_729 = tpu.vector_load %arg6[%get3A_727, %get3A_728] {strides = array<i32>} : memref<256x128xf32, #tpu.memory_space<vmem>>, vector<1x16xf32>,
        %get3A_730 = vector.shape_cast %get3A_729 : vector<1x16xf32> to vector<16xf32>
        %swap3A_731 = arith.constant 197 : i32
        %swap3A_732 = arith.index_cast %rem3A_229 : i32 to index
        %swap3A_733 = arith.index_cast %swap3A_731 : i32 to index
        %swap3A_734 = arith.constant 0 : index
        %swap3A_735 = tpu.vector_load %arg7[%swap3A_732, %swap3A_733, %swap3A_734] {strides = array<i32>} : memref<2x200x128xf32, #tpu.memory_space<vmem>>, vector<1x1x16xf32>,
        %swap3A_736 = vector.shape_cast %swap3A_735 : vector<1x1x16xf32> to vector<16xf32>
        %swap3A_737 = vector.shape_cast %get3A_730 : vector<16xf32> to vector<1x1x16xf32>
        tpu.vector_store %arg7[%swap3A_732, %swap3A_733, %swap3A_734], %swap3A_737 {strides = array<i32>} : memref<2x200x128xf32, #tpu.memory_space<vmem>>, vector<1x1x16xf32>,
        %get3A_738 = arith.index_cast %mul3A_726 : i32 to index
        %get3A_739 = arith.constant 16 : index
        %get3A_740 = tpu.vector_load %arg6[%get3A_738, %get3A_739] {strides = array<i32>} : memref<256x128xf32, #tpu.memory_space<vmem>>, vector<1x16xf32>,
        %get3A_741 = vector.shape_cast %get3A_740 : vector<1x16xf32> to vector<16xf32>
        %swap3A_742 = arith.constant 197 : i32
        %swap3A_743 = arith.index_cast %rem3A_229 : i32 to index
        %swap3A_744 = arith.index_cast %swap3A_742 : i32 to index
        %swap3A_745 = arith.constant 16 : index
        %swap3A_746 = tpu.vector_load %arg7[%swap3A_743, %swap3A_744, %swap3A_745] {strides = array<i32>} : memref<2x200x128xf32, #tpu.memory_space<vmem>>, vector<1x1x16xf32>,
        %swap3A_747 = vector.shape_cast %swap3A_746 : vector<1x1x16xf32> to vector<16xf32>
        %swap3A_748 = vector.shape_cast %get3A_741 : vector<16xf32> to vector<1x1x16xf32>
        tpu.vector_store %arg7[%swap3A_743, %swap3A_744, %swap3A_745], %swap3A_748 {strides = array<i32>} : memref<2x200x128xf32, #tpu.memory_space<vmem>>, vector<1x1x16xf32>,
        %get3A_749 = arith.index_cast %mul3A_726 : i32 to index
        %get3A_750 = arith.constant 32 : index
        %get3A_751 = tpu.vector_load %arg6[%get3A_749, %get3A_750] {strides = array<i32>} : memref<256x128xf32, #tpu.memory_space<vmem>>, vector<1x16xf32>,
        %get3A_752 = vector.shape_cast %get3A_751 : vector<1x16xf32> to vector<16xf32>
        %swap3A_753 = arith.constant 197 : i32
        %swap3A_754 = arith.index_cast %rem3A_229 : i32 to index
        %swap3A_755 = arith.index_cast %swap3A_753 : i32 to index
        %swap3A_756 = arith.constant 32 : index
        %swap3A_757 = tpu.vector_load %arg7[%swap3A_754, %swap3A_755, %swap3A_756] {strides = array<i32>} : memref<2x200x128xf32, #tpu.memory_space<vmem>>, vector<1x1x16xf32>,
        %swap3A_758 = vector.shape_cast %swap3A_757 : vector<1x1x16xf32> to vector<16xf32>
        %swap3A_759 = vector.shape_cast %get3A_752 : vector<16xf32> to vector<1x1x16xf32>
        tpu.vector_store %arg7[%swap3A_754, %swap3A_755, %swap3A_756], %swap3A_759 {strides = array<i32>} : memref<2x200x128xf32, #tpu.memory_space<vmem>>, vector<1x1x16xf32>,
        %get3A_760 = arith.index_cast %mul3A_726 : i32 to index
        %get3A_761 = arith.constant 48 : index
        %get3A_762 = tpu.vector_load %arg6[%get3A_760, %get3A_761] {strides = array<i32>} : memref<256x128xf32, #tpu.memory_space<vmem>>, vector<1x16xf32>,
        %get3A_763 = vector.shape_cast %get3A_762 : vector<1x16xf32> to vector<16xf32>
        %swap3A_764 = arith.constant 197 : i32
        %swap3A_765 = arith.index_cast %rem3A_229 : i32 to index
        %swap3A_766 = arith.index_cast %swap3A_764 : i32 to index
        %swap3A_767 = arith.constant 48 : index
        %swap3A_768 = tpu.vector_load %arg7[%swap3A_765, %swap3A_766, %swap3A_767] {strides = array<i32>} : memref<2x200x128xf32, #tpu.memory_space<vmem>>, vector<1x1x16xf32>,
        %swap3A_769 = vector.shape_cast %swap3A_768 : vector<1x1x16xf32> to vector<16xf32>
        %swap3A_770 = vector.shape_cast %get3A_763 : vector<16xf32> to vector<1x1x16xf32>
        tpu.vector_store %arg7[%swap3A_765, %swap3A_766, %swap3A_767], %swap3A_770 {strides = array<i32>} : memref<2x200x128xf32, #tpu.memory_space<vmem>>, vector<1x1x16xf32>,
        %get3A_771 = arith.index_cast %mul3A_726 : i32 to index
        %get3A_772 = arith.constant 64 : index
        %get3A_773 = tpu.vector_load %arg6[%get3A_771, %get3A_772] {strides = array<i32>} : memref<256x128xf32, #tpu.memory_space<vmem>>, vector<1x16xf32>,
        %get3A_774 = vector.shape_cast %get3A_773 : vector<1x16xf32> to vector<16xf32>
        %swap3A_775 = arith.constant 197 : i32
        %swap3A_776 = arith.index_cast %rem3A_229 : i32 to index
        %swap3A_777 = arith.index_cast %swap3A_775 : i32 to index
        %swap3A_778 = arith.constant 64 : index
        %swap3A_779 = tpu.vector_load %arg7[%swap3A_776, %swap3A_777, %swap3A_778] {strides = array<i32>} : memref<2x200x128xf32, #tpu.memory_space<vmem>>, vector<1x1x16xf32>,
        %swap3A_780 = vector.shape_cast %swap3A_779 : vector<1x1x16xf32> to vector<16xf32>
        %swap3A_781 = vector.shape_cast %get3A_774 : vector<16xf32> to vector<1x1x16xf32>
        tpu.vector_store %arg7[%swap3A_776, %swap3A_777, %swap3A_778], %swap3A_781 {strides = array<i32>} : memref<2x200x128xf32, #tpu.memory_space<vmem>>, vector<1x1x16xf32>,
        %get3A_782 = arith.index_cast %mul3A_726 : i32 to index
        %get3A_783 = arith.constant 80 : index
        %get3A_784 = tpu.vector_load %arg6[%get3A_782, %get3A_783] {strides = array<i32>} : memref<256x128xf32, #tpu.memory_space<vmem>>, vector<1x16xf32>,
        %get3A_785 = vector.shape_cast %get3A_784 : vector<1x16xf32> to vector<16xf32>
        %swap3A_786 = arith.constant 197 : i32
        %swap3A_787 = arith.index_cast %rem3A_229 : i32 to index
        %swap3A_788 = arith.index_cast %swap3A_786 : i32 to index
        %swap3A_789 = arith.constant 80 : index
        %swap3A_790 = tpu.vector_load %arg7[%swap3A_787, %swap3A_788, %swap3A_789] {strides = array<i32>} : memref<2x200x128xf32, #tpu.memory_space<vmem>>, vector<1x1x16xf32>,
        %swap3A_791 = vector.shape_cast %swap3A_790 : vector<1x1x16xf32> to vector<16xf32>
        %swap3A_792 = vector.shape_cast %get3A_785 : vector<16xf32> to vector<1x1x16xf32>
        tpu.vector_store %arg7[%swap3A_787, %swap3A_788, %swap3A_789], %swap3A_792 {strides = array<i32>} : memref<2x200x128xf32, #tpu.memory_space<vmem>>, vector<1x1x16xf32>,
        %get3A_793 = arith.index_cast %mul3A_726 : i32 to index
        %get3A_794 = arith.constant 96 : index
        %get3A_795 = tpu.vector_load %arg6[%get3A_793, %get3A_794] {strides = array<i32>} : memref<256x128xf32, #tpu.memory_space<vmem>>, vector<1x16xf32>,
        %get3A_796 = vector.shape_cast %get3A_795 : vector<1x16xf32> to vector<16xf32>
        %swap3A_797 = arith.constant 197 : i32
        %swap3A_798 = arith.index_cast %rem3A_229 : i32 to index
        %swap3A_799 = arith.index_cast %swap3A_797 : i32 to index
        %swap3A_800 = arith.constant 96 : index
        %swap3A_801 = tpu.vector_load %arg7[%swap3A_798, %swap3A_799, %swap3A_800] {strides = array<i32>} : memref<2x200x128xf32, #tpu.memory_space<vmem>>, vector<1x1x16xf32>,
        %swap3A_802 = vector.shape_cast %swap3A_801 : vector<1x1x16xf32> to vector<16xf32>
        %swap3A_803 = vector.shape_cast %get3A_796 : vector<16xf32> to vector<1x1x16xf32>
        tpu.vector_store %arg7[%swap3A_798, %swap3A_799, %swap3A_800], %swap3A_803 {strides = array<i32>} : memref<2x200x128xf32, #tpu.memory_space<vmem>>, vector<1x1x16xf32>,
        %get3A_804 = arith.index_cast %mul3A_726 : i32 to index
        %get3A_805 = arith.constant 112 : index
        %get3A_806 = tpu.vector_load %arg6[%get3A_804, %get3A_805] {strides = array<i32>} : memref<256x128xf32, #tpu.memory_space<vmem>>, vector<1x16xf32>,
        %get3A_807 = vector.shape_cast %get3A_806 : vector<1x16xf32> to vector<16xf32>
        %swap3A_808 = arith.constant 197 : i32
        %swap3A_809 = arith.index_cast %rem3A_229 : i32 to index
        %swap3A_810 = arith.index_cast %swap3A_808 : i32 to index
        %swap3A_811 = arith.constant 112 : index
        %swap3A_812 = tpu.vector_load %arg7[%swap3A_809, %swap3A_810, %swap3A_811] {strides = array<i32>} : memref<2x200x128xf32, #tpu.memory_space<vmem>>, vector<1x1x16xf32>,
        %swap3A_813 = vector.shape_cast %swap3A_812 : vector<1x1x16xf32> to vector<16xf32>
        %swap3A_814 = vector.shape_cast %get3A_807 : vector<16xf32> to vector<1x1x16xf32>
        tpu.vector_store %arg7[%swap3A_809, %swap3A_810, %swap3A_811], %swap3A_814 {strides = array<i32>} : memref<2x200x128xf32, #tpu.memory_space<vmem>>, vector<1x1x16xf32>,
        %slice3A_815 = vector.extract_strided_slice %get3A_244 {offsets = [14], sizes = [1], strides = [1]} : vector<16xi32> to vector<1xi32>
        %squeeze3A_816 = vector.extract %slice3A_815[0] : i32 from vector<1xi32>
        %ne3A_817 = arith.constant 0 : i32
        %ne3A_818 = arith.cmpi ne, %squeeze3A_816, %ne3A_817 : i32
        %convert_element_type3A_819 = arith.extui %ne3A_818 : i1 to i32
        %add3A_820 = arith.addi %add3A_725, %convert_element_type3A_819 : i32
        %mul3A_821 = arith.muli %add3A_820, %convert_element_type3A_819 : i32
        %get3A_822 = arith.index_cast %mul3A_821 : i32 to index
        %get3A_823 = arith.constant 0 : index
        %get3A_824 = tpu.vector_load %arg6[%get3A_822, %get3A_823] {strides = array<i32>} : memref<256x128xf32, #tpu.memory_space<vmem>>, vector<1x16xf32>,
        %get3A_825 = vector.shape_cast %get3A_824 : vector<1x16xf32> to vector<16xf32>
        %swap3A_826 = arith.constant 198 : i32
        %swap3A_827 = arith.index_cast %rem3A_229 : i32 to index
        %swap3A_828 = arith.index_cast %swap3A_826 : i32 to index
        %swap3A_829 = arith.constant 0 : index
        %swap3A_830 = tpu.vector_load %arg7[%swap3A_827, %swap3A_828, %swap3A_829] {strides = array<i32>} : memref<2x200x128xf32, #tpu.memory_space<vmem>>, vector<1x1x16xf32>,
        %swap3A_831 = vector.shape_cast %swap3A_830 : vector<1x1x16xf32> to vector<16xf32>
        %swap3A_832 = vector.shape_cast %get3A_825 : vector<16xf32> to vector<1x1x16xf32>
        tpu.vector_store %arg7[%swap3A_827, %swap3A_828, %swap3A_829], %swap3A_832 {strides = array<i32>} : memref<2x200x128xf32, #tpu.memory_space<vmem>>, vector<1x1x16xf32>,
        %get3A_833 = arith.index_cast %mul3A_821 : i32 to index
        %get3A_834 = arith.constant 16 : index
        %get3A_835 = tpu.vector_load %arg6[%get3A_833, %get3A_834] {strides = array<i32>} : memref<256x128xf32, #tpu.memory_space<vmem>>, vector<1x16xf32>,
        %get3A_836 = vector.shape_cast %get3A_835 : vector<1x16xf32> to vector<16xf32>
        %swap3A_837 = arith.constant 198 : i32
        %swap3A_838 = arith.index_cast %rem3A_229 : i32 to index
        %swap3A_839 = arith.index_cast %swap3A_837 : i32 to index
        %swap3A_840 = arith.constant 16 : index
        %swap3A_841 = tpu.vector_load %arg7[%swap3A_838, %swap3A_839, %swap3A_840] {strides = array<i32>} : memref<2x200x128xf32, #tpu.memory_space<vmem>>, vector<1x1x16xf32>,
        %swap3A_842 = vector.shape_cast %swap3A_841 : vector<1x1x16xf32> to vector<16xf32>
        %swap3A_843 = vector.shape_cast %get3A_836 : vector<16xf32> to vector<1x1x16xf32>
        tpu.vector_store %arg7[%swap3A_838, %swap3A_839, %swap3A_840], %swap3A_843 {strides = array<i32>} : memref<2x200x128xf32, #tpu.memory_space<vmem>>, vector<1x1x16xf32>,
        %get3A_844 = arith.index_cast %mul3A_821 : i32 to index
        %get3A_845 = arith.constant 32 : index
        %get3A_846 = tpu.vector_load %arg6[%get3A_844, %get3A_845] {strides = array<i32>} : memref<256x128xf32, #tpu.memory_space<vmem>>, vector<1x16xf32>,
        %get3A_847 = vector.shape_cast %get3A_846 : vector<1x16xf32> to vector<16xf32>
        %swap3A_848 = arith.constant 198 : i32
        %swap3A_849 = arith.index_cast %rem3A_229 : i32 to index
        %swap3A_850 = arith.index_cast %swap3A_848 : i32 to index
        %swap3A_851 = arith.constant 32 : index
        %swap3A_852 = tpu.vector_load %arg7[%swap3A_849, %swap3A_850, %swap3A_851] {strides = array<i32>} : memref<2x200x128xf32, #tpu.memory_space<vmem>>, vector<1x1x16xf32>,
        %swap3A_853 = vector.shape_cast %swap3A_852 : vector<1x1x16xf32> to vector<16xf32>
        %swap3A_854 = vector.shape_cast %get3A_847 : vector<16xf32> to vector<1x1x16xf32>
        tpu.vector_store %arg7[%swap3A_849, %swap3A_850, %swap3A_851], %swap3A_854 {strides = array<i32>} : memref<2x200x128xf32, #tpu.memory_space<vmem>>, vector<1x1x16xf32>,
        %get3A_855 = arith.index_cast %mul3A_821 : i32 to index
        %get3A_856 = arith.constant 48 : index
        %get3A_857 = tpu.vector_load %arg6[%get3A_855, %get3A_856] {strides = array<i32>} : memref<256x128xf32, #tpu.memory_space<vmem>>, vector<1x16xf32>,
        %get3A_858 = vector.shape_cast %get3A_857 : vector<1x16xf32> to vector<16xf32>
        %swap3A_859 = arith.constant 198 : i32
        %swap3A_860 = arith.index_cast %rem3A_229 : i32 to index
        %swap3A_861 = arith.index_cast %swap3A_859 : i32 to index
        %swap3A_862 = arith.constant 48 : index
        %swap3A_863 = tpu.vector_load %arg7[%swap3A_860, %swap3A_861, %swap3A_862] {strides = array<i32>} : memref<2x200x128xf32, #tpu.memory_space<vmem>>, vector<1x1x16xf32>,
        %swap3A_864 = vector.shape_cast %swap3A_863 : vector<1x1x16xf32> to vector<16xf32>
        %swap3A_865 = vector.shape_cast %get3A_858 : vector<16xf32> to vector<1x1x16xf32>
        tpu.vector_store %arg7[%swap3A_860, %swap3A_861, %swap3A_862], %swap3A_865 {strides = array<i32>} : memref<2x200x128xf32, #tpu.memory_space<vmem>>, vector<1x1x16xf32>,
        %get3A_866 = arith.index_cast %mul3A_821 : i32 to index
        %get3A_867 = arith.constant 64 : index
        %get3A_868 = tpu.vector_load %arg6[%get3A_866, %get3A_867] {strides = array<i32>} : memref<256x128xf32, #tpu.memory_space<vmem>>, vector<1x16xf32>,
        %get3A_869 = vector.shape_cast %get3A_868 : vector<1x16xf32> to vector<16xf32>
        %swap3A_870 = arith.constant 198 : i32
        %swap3A_871 = arith.index_cast %rem3A_229 : i32 to index
        %swap3A_872 = arith.index_cast %swap3A_870 : i32 to index
        %swap3A_873 = arith.constant 64 : index
        %swap3A_874 = tpu.vector_load %arg7[%swap3A_871, %swap3A_872, %swap3A_873] {strides = array<i32>} : memref<2x200x128xf32, #tpu.memory_space<vmem>>, vector<1x1x16xf32>,
        %swap3A_875 = vector.shape_cast %swap3A_874 : vector<1x1x16xf32> to vector<16xf32>
        %swap3A_876 = vector.shape_cast %get3A_869 : vector<16xf32> to vector<1x1x16xf32>
        tpu.vector_store %arg7[%swap3A_871, %swap3A_872, %swap3A_873], %swap3A_876 {strides = array<i32>} : memref<2x200x128xf32, #tpu.memory_space<vmem>>, vector<1x1x16xf32>,
        %get3A_877 = arith.index_cast %mul3A_821 : i32 to index
        %get3A_878 = arith.constant 80 : index
        %get3A_879 = tpu.vector_load %arg6[%get3A_877, %get3A_878] {strides = array<i32>} : memref<256x128xf32, #tpu.memory_space<vmem>>, vector<1x16xf32>,
        %get3A_880 = vector.shape_cast %get3A_879 : vector<1x16xf32> to vector<16xf32>
        %swap3A_881 = arith.constant 198 : i32
        %swap3A_882 = arith.index_cast %rem3A_229 : i32 to index
        %swap3A_883 = arith.index_cast %swap3A_881 : i32 to index
        %swap3A_884 = arith.constant 80 : index
        %swap3A_885 = tpu.vector_load %arg7[%swap3A_882, %swap3A_883, %swap3A_884] {strides = array<i32>} : memref<2x200x128xf32, #tpu.memory_space<vmem>>, vector<1x1x16xf32>,
        %swap3A_886 = vector.shape_cast %swap3A_885 : vector<1x1x16xf32> to vector<16xf32>
        %swap3A_887 = vector.shape_cast %get3A_880 : vector<16xf32> to vector<1x1x16xf32>
        tpu.vector_store %arg7[%swap3A_882, %swap3A_883, %swap3A_884], %swap3A_887 {strides = array<i32>} : memref<2x200x128xf32, #tpu.memory_space<vmem>>, vector<1x1x16xf32>,
        %get3A_888 = arith.index_cast %mul3A_821 : i32 to index
        %get3A_889 = arith.constant 96 : index
        %get3A_890 = tpu.vector_load %arg6[%get3A_888, %get3A_889] {strides = array<i32>} : memref<256x128xf32, #tpu.memory_space<vmem>>, vector<1x16xf32>,
        %get3A_891 = vector.shape_cast %get3A_890 : vector<1x16xf32> to vector<16xf32>
        %swap3A_892 = arith.constant 198 : i32
        %swap3A_893 = arith.index_cast %rem3A_229 : i32 to index
        %swap3A_894 = arith.index_cast %swap3A_892 : i32 to index
        %swap3A_895 = arith.constant 96 : index
        %swap3A_896 = tpu.vector_load %arg7[%swap3A_893, %swap3A_894, %swap3A_895] {strides = array<i32>} : memref<2x200x128xf32, #tpu.memory_space<vmem>>, vector<1x1x16xf32>,
        %swap3A_897 = vector.shape_cast %swap3A_896 : vector<1x1x16xf32> to vector<16xf32>
        %swap3A_898 = vector.shape_cast %get3A_891 : vector<16xf32> to vector<1x1x16xf32>
        tpu.vector_store %arg7[%swap3A_893, %swap3A_894, %swap3A_895], %swap3A_898 {strides = array<i32>} : memref<2x200x128xf32, #tpu.memory_space<vmem>>, vector<1x1x16xf32>,
        %get3A_899 = arith.index_cast %mul3A_821 : i32 to index
        %get3A_900 = arith.constant 112 : index
        %get3A_901 = tpu.vector_load %arg6[%get3A_899, %get3A_900] {strides = array<i32>} : memref<256x128xf32, #tpu.memory_space<vmem>>, vector<1x16xf32>,
        %get3A_902 = vector.shape_cast %get3A_901 : vector<1x16xf32> to vector<16xf32>
        %swap3A_903 = arith.constant 198 : i32
        %swap3A_904 = arith.index_cast %rem3A_229 : i32 to index
        %swap3A_905 = arith.index_cast %swap3A_903 : i32 to index
        %swap3A_906 = arith.constant 112 : index
        %swap3A_907 = tpu.vector_load %arg7[%swap3A_904, %swap3A_905, %swap3A_906] {strides = array<i32>} : memref<2x200x128xf32, #tpu.memory_space<vmem>>, vector<1x1x16xf32>,
        %swap3A_908 = vector.shape_cast %swap3A_907 : vector<1x1x16xf32> to vector<16xf32>
        %swap3A_909 = vector.shape_cast %get3A_902 : vector<16xf32> to vector<1x1x16xf32>
        tpu.vector_store %arg7[%swap3A_904, %swap3A_905, %swap3A_906], %swap3A_909 {strides = array<i32>} : memref<2x200x128xf32, #tpu.memory_space<vmem>>, vector<1x1x16xf32>,
        %slice3A_910 = vector.extract_strided_slice %get3A_244 {offsets = [15], sizes = [1], strides = [1]} : vector<16xi32> to vector<1xi32>
        %squeeze3A_911 = vector.extract %slice3A_910[0] : i32 from vector<1xi32>
        %ne3A_912 = arith.constant 0 : i32
        %ne3A_913 = arith.cmpi ne, %squeeze3A_911, %ne3A_912 : i32
        %convert_element_type3A_914 = arith.extui %ne3A_913 : i1 to i32
        %add3A_915 = arith.addi %add3A_820, %convert_element_type3A_914 : i32
        %mul3A_916 = arith.muli %add3A_915, %convert_element_type3A_914 : i32
        %get3A_917 = arith.index_cast %mul3A_916 : i32 to index
        %get3A_918 = arith.constant 0 : index
        %get3A_919 = tpu.vector_load %arg6[%get3A_917, %get3A_918] {strides = array<i32>} : memref<256x128xf32, #tpu.memory_space<vmem>>, vector<1x16xf32>,
        %get3A_920 = vector.shape_cast %get3A_919 : vector<1x16xf32> to vector<16xf32>
        %swap3A_921 = arith.constant 199 : i32
        %swap3A_922 = arith.index_cast %rem3A_229 : i32 to index
        %swap3A_923 = arith.index_cast %swap3A_921 : i32 to index
        %swap3A_924 = arith.constant 0 : index
        %swap3A_925 = tpu.vector_load %arg7[%swap3A_922, %swap3A_923, %swap3A_924] {strides = array<i32>} : memref<2x200x128xf32, #tpu.memory_space<vmem>>, vector<1x1x16xf32>,
        %swap3A_926 = vector.shape_cast %swap3A_925 : vector<1x1x16xf32> to vector<16xf32>
        %swap3A_927 = vector.shape_cast %get3A_920 : vector<16xf32> to vector<1x1x16xf32>
        tpu.vector_store %arg7[%swap3A_922, %swap3A_923, %swap3A_924], %swap3A_927 {strides = array<i32>} : memref<2x200x128xf32, #tpu.memory_space<vmem>>, vector<1x1x16xf32>,
        %get3A_928 = arith.index_cast %mul3A_916 : i32 to index
        %get3A_929 = arith.constant 16 : index
        %get3A_930 = tpu.vector_load %arg6[%get3A_928, %get3A_929] {strides = array<i32>} : memref<256x128xf32, #tpu.memory_space<vmem>>, vector<1x16xf32>,
        %get3A_931 = vector.shape_cast %get3A_930 : vector<1x16xf32> to vector<16xf32>
        %swap3A_932 = arith.constant 199 : i32
        %swap3A_933 = arith.index_cast %rem3A_229 : i32 to index
        %swap3A_934 = arith.index_cast %swap3A_932 : i32 to index
        %swap3A_935 = arith.constant 16 : index
        %swap3A_936 = tpu.vector_load %arg7[%swap3A_933, %swap3A_934, %swap3A_935] {strides = array<i32>} : memref<2x200x128xf32, #tpu.memory_space<vmem>>, vector<1x1x16xf32>,
        %swap3A_937 = vector.shape_cast %swap3A_936 : vector<1x1x16xf32> to vector<16xf32>
        %swap3A_938 = vector.shape_cast %get3A_931 : vector<16xf32> to vector<1x1x16xf32>
        tpu.vector_store %arg7[%swap3A_933, %swap3A_934, %swap3A_935], %swap3A_938 {strides = array<i32>} : memref<2x200x128xf32, #tpu.memory_space<vmem>>, vector<1x1x16xf32>,
        %get3A_939 = arith.index_cast %mul3A_916 : i32 to index
        %get3A_940 = arith.constant 32 : index
        %get3A_941 = tpu.vector_load %arg6[%get3A_939, %get3A_940] {strides = array<i32>} : memref<256x128xf32, #tpu.memory_space<vmem>>, vector<1x16xf32>,
        %get3A_942 = vector.shape_cast %get3A_941 : vector<1x16xf32> to vector<16xf32>
        %swap3A_943 = arith.constant 199 : i32
        %swap3A_944 = arith.index_cast %rem3A_229 : i32 to index
        %swap3A_945 = arith.index_cast %swap3A_943 : i32 to index
        %swap3A_946 = arith.constant 32 : index
        %swap3A_947 = tpu.vector_load %arg7[%swap3A_944, %swap3A_945, %swap3A_946] {strides = array<i32>} : memref<2x200x128xf32, #tpu.memory_space<vmem>>, vector<1x1x16xf32>,
        %swap3A_948 = vector.shape_cast %swap3A_947 : vector<1x1x16xf32> to vector<16xf32>
        %swap3A_949 = vector.shape_cast %get3A_942 : vector<16xf32> to vector<1x1x16xf32>
        tpu.vector_store %arg7[%swap3A_944, %swap3A_945, %swap3A_946], %swap3A_949 {strides = array<i32>} : memref<2x200x128xf32, #tpu.memory_space<vmem>>, vector<1x1x16xf32>,
        %get3A_950 = arith.index_cast %mul3A_916 : i32 to index
        %get3A_951 = arith.constant 48 : index
        %get3A_952 = tpu.vector_load %arg6[%get3A_950, %get3A_951] {strides = array<i32>} : memref<256x128xf32, #tpu.memory_space<vmem>>, vector<1x16xf32>,
        %get3A_953 = vector.shape_cast %get3A_952 : vector<1x16xf32> to vector<16xf32>
        %swap3A_954 = arith.constant 199 : i32
        %swap3A_955 = arith.index_cast %rem3A_229 : i32 to index
        %swap3A_956 = arith.index_cast %swap3A_954 : i32 to index
        %swap3A_957 = arith.constant 48 : index
        %swap3A_958 = tpu.vector_load %arg7[%swap3A_955, %swap3A_956, %swap3A_957] {strides = array<i32>} : memref<2x200x128xf32, #tpu.memory_space<vmem>>, vector<1x1x16xf32>,
        %swap3A_959 = vector.shape_cast %swap3A_958 : vector<1x1x16xf32> to vector<16xf32>
        %swap3A_960 = vector.shape_cast %get3A_953 : vector<16xf32> to vector<1x1x16xf32>
        tpu.vector_store %arg7[%swap3A_955, %swap3A_956, %swap3A_957], %swap3A_960 {strides = array<i32>} : memref<2x200x128xf32, #tpu.memory_space<vmem>>, vector<1x1x16xf32>,
        %get3A_961 = arith.index_cast %mul3A_916 : i32 to index
        %get3A_962 = arith.constant 64 : index
        %get3A_963 = tpu.vector_load %arg6[%get3A_961, %get3A_962] {strides = array<i32>} : memref<256x128xf32, #tpu.memory_space<vmem>>, vector<1x16xf32>,
        %get3A_964 = vector.shape_cast %get3A_963 : vector<1x16xf32> to vector<16xf32>
        %swap3A_965 = arith.constant 199 : i32
        %swap3A_966 = arith.index_cast %rem3A_229 : i32 to index
        %swap3A_967 = arith.index_cast %swap3A_965 : i32 to index
        %swap3A_968 = arith.constant 64 : index
        %swap3A_969 = tpu.vector_load %arg7[%swap3A_966, %swap3A_967, %swap3A_968] {strides = array<i32>} : memref<2x200x128xf32, #tpu.memory_space<vmem>>, vector<1x1x16xf32>,
        %swap3A_970 = vector.shape_cast %swap3A_969 : vector<1x1x16xf32> to vector<16xf32>
        %swap3A_971 = vector.shape_cast %get3A_964 : vector<16xf32> to vector<1x1x16xf32>
        tpu.vector_store %arg7[%swap3A_966, %swap3A_967, %swap3A_968], %swap3A_971 {strides = array<i32>} : memref<2x200x128xf32, #tpu.memory_space<vmem>>, vector<1x1x16xf32>,
        %get3A_972 = arith.index_cast %mul3A_916 : i32 to index
        %get3A_973 = arith.constant 80 : index
        %get3A_974 = tpu.vector_load %arg6[%get3A_972, %get3A_973] {strides = array<i32>} : memref<256x128xf32, #tpu.memory_space<vmem>>, vector<1x16xf32>,
        %get3A_975 = vector.shape_cast %get3A_974 : vector<1x16xf32> to vector<16xf32>
        %swap3A_976 = arith.constant 199 : i32
        %swap3A_977 = arith.index_cast %rem3A_229 : i32 to index
        %swap3A_978 = arith.index_cast %swap3A_976 : i32 to index
        %swap3A_979 = arith.constant 80 : index
        %swap3A_980 = tpu.vector_load %arg7[%swap3A_977, %swap3A_978, %swap3A_979] {strides = array<i32>} : memref<2x200x128xf32, #tpu.memory_space<vmem>>, vector<1x1x16xf32>,
        %swap3A_981 = vector.shape_cast %swap3A_980 : vector<1x1x16xf32> to vector<16xf32>
        %swap3A_982 = vector.shape_cast %get3A_975 : vector<16xf32> to vector<1x1x16xf32>
        tpu.vector_store %arg7[%swap3A_977, %swap3A_978, %swap3A_979], %swap3A_982 {strides = array<i32>} : memref<2x200x128xf32, #tpu.memory_space<vmem>>, vector<1x1x16xf32>,
        %get3A_983 = arith.index_cast %mul3A_916 : i32 to index
        %get3A_984 = arith.constant 96 : index
        %get3A_985 = tpu.vector_load %arg6[%get3A_983, %get3A_984] {strides = array<i32>} : memref<256x128xf32, #tpu.memory_space<vmem>>, vector<1x16xf32>,
        %get3A_986 = vector.shape_cast %get3A_985 : vector<1x16xf32> to vector<16xf32>
        %swap3A_987 = arith.constant 199 : i32
        %swap3A_988 = arith.index_cast %rem3A_229 : i32 to index
        %swap3A_989 = arith.index_cast %swap3A_987 : i32 to index
        %swap3A_990 = arith.constant 96 : index
        %swap3A_991 = tpu.vector_load %arg7[%swap3A_988, %swap3A_989, %swap3A_990] {strides = array<i32>} : memref<2x200x128xf32, #tpu.memory_space<vmem>>, vector<1x1x16xf32>,
        %swap3A_992 = vector.shape_cast %swap3A_991 : vector<1x1x16xf32> to vector<16xf32>
        %swap3A_993 = vector.shape_cast %get3A_986 : vector<16xf32> to vector<1x1x16xf32>
        tpu.vector_store %arg7[%swap3A_988, %swap3A_989, %swap3A_990], %swap3A_993 {strides = array<i32>} : memref<2x200x128xf32, #tpu.memory_space<vmem>>, vector<1x1x16xf32>,
        %get3A_994 = arith.index_cast %mul3A_916 : i32 to index
        %get3A_995 = arith.constant 112 : index
        %get3A_996 = tpu.vector_load %arg6[%get3A_994, %get3A_995] {strides = array<i32>} : memref<256x128xf32, #tpu.memory_space<vmem>>, vector<1x16xf32>,
        %get3A_997 = vector.shape_cast %get3A_996 : vector<1x16xf32> to vector<16xf32>
        %swap3A_998 = arith.constant 199 : i32
        %swap3A_999 = arith.index_cast %rem3A_229 : i32 to index
        %swap3A_1000 = arith.index_cast %swap3A_998 : i32 to index
        %swap3A_1001 = arith.constant 112 : index
        %swap3A_1002 = tpu.vector_load %arg7[%swap3A_999, %swap3A_1000, %swap3A_1001] {strides = array<i32>} : memref<2x200x128xf32, #tpu.memory_space<vmem>>, vector<1x1x16xf32>,
        %swap3A_1003 = vector.shape_cast %swap3A_1002 : vector<1x1x16xf32> to vector<16xf32>
        %swap3A_1004 = vector.shape_cast %get3A_997 : vector<16xf32> to vector<1x1x16xf32>
        tpu.vector_store %arg7[%swap3A_999, %swap3A_1000, %swap3A_1001], %swap3A_1004 {strides = array<i32>} : memref<2x200x128xf32, #tpu.memory_space<vmem>>, vector<1x1x16xf32>,
        %dma_start3A = arith.constant 0 : i32
        %dma_start3A_1005 = arith.constant 0 : i32
        %dma_start3A_1006 = tpu.memref_slice %arg7[%rem3A_229, %dma_start3A, %dma_start3A_1005] : memref<2x200x128xf32, #tpu.memory_space<vmem>> -> memref<1x200x128xf32, #tpu.memory_space<vmem>>
        %dma_start3A_1007 = tpu.memref_squeeze %dma_start3A_1006 : memref<1x200x128xf32, #tpu.memory_space<vmem>> -> memref<200x128xf32, #tpu.memory_space<vmem>>
        %dma_start3A_1008 = arith.constant 0 : i32
        %dma_start3A_1009 = arith.constant 0 : i32
        %dma_start3A_1010 = tpu.memref_slice %arg4[%add3A_81, %dma_start3A_1008, %dma_start3A_1009] : memref<4096x200x128xf32, #tpu.memory_space<hbm>> -> memref<1x200x128xf32, #tpu.memory_space<hbm>>
        %dma_start3A_1011 = tpu.memref_squeeze %dma_start3A_1010 : memref<1x200x128xf32, #tpu.memory_space<hbm>> -> memref<200x128xf32, #tpu.memory_space<hbm>>
        %dma_start3A_1012 = arith.constant 0 : i32
        %dma_start3A_1013 = arith.constant 0 : i32
        %dma_start3A_1014 = tpu.memref_slice %arg4[%add3A_81, %dma_start3A_1012, %dma_start3A_1013] : memref<4096x200x128xf32, #tpu.memory_space<hbm>> -> memref<1x200x128xf32, #tpu.memory_space<hbm>>
        %dma_start3A_1015 = tpu.memref_squeeze %dma_start3A_1014 : memref<1x200x128xf32, #tpu.memory_space<hbm>> -> memref<200x128xf32, #tpu.memory_space<hbm>>
        %dma_start3A_1016 = arith.constant 0 : i32
        %dma_start3A_1017 = arith.constant 0 : i32
        %dma_start3A_1018 = tpu.memref_slice %arg7[%rem3A_229, %dma_start3A_1016, %dma_start3A_1017] : memref<2x200x128xf32, #tpu.memory_space<vmem>> -> memref<1x200x128xf32, #tpu.memory_space<vmem>>
        %dma_start3A_1019 = tpu.memref_squeeze %dma_start3A_1018 : memref<1x200x128xf32, #tpu.memory_space<vmem>> -> memref<200x128xf32, #tpu.memory_space<vmem>>
        tpu.enqueue_dma source(%dma_start3A_1019 : memref<200x128xf32, #tpu.memory_space<vmem>>) target(%dma_start3A_1015 : memref<200x128xf32, #tpu.memory_space<hbm>>) target_semaphore(%arg9 : memref<!tpu.dma_semaphore, #tpu.memory_space<semaphore_mem>>)
      } else {
      }
      %convert_element_type3A_225 = arith.extui %and3A_219 : i1 to i32
      %add3A_226 = arith.addi %scan3A_79, %convert_element_type3A_225 : i32
      %add3A_227 = arith.constant 1 : i32
      %add3A_228 = arith.addi %scan3A_80, %add3A_227 : i32
      %sub3A = arith.subi %add3A_228, %convert_element_type3A_225 : i32
      scf.yield %add3A_226, %sub3A : i32, i32
    }
    %scan3A_57 = arith.constant 128 : i32
    %while3A = arith.constant 0 : i32
    %while3A_58 = arith.constant 0 : i32
    %while3A_59 = arith.subi %scan3A_56#0, %while3A_58 : i32
    %while3A_60 = arith.addi %while3A_58, %while3A_59 : i32
    %while3A_61 = arith.constant 1 : i32
    %while3A_62 = arith.divsi %while3A_59, %while3A_61 : i32
    %while3A_63 = arith.muli %while3A_62, %while3A_61 : i32
    %while3A_64 = arith.addi %while3A_58, %while3A_63 : i32
    %while3A_65 = arith.constant 1 : i32
    scf.for %while3A_78 = %while3A_58 to %while3A_64 step %while3A_65  : i32 {
      %dma_wait3A = arith.constant 1 : i32
      %dma_wait3A_79 = arith.constant 0 : i32
      %dma_wait3A_80 = tpu.memref_slice %arg6[%dma_wait3A, %dma_wait3A_79] : memref<256x128xf32, #tpu.memory_space<vmem>> -> memref<200x128xf32, #tpu.memory_space<vmem>>
      %dma_wait3A_81 = arith.constant 0 : i32
      %dma_wait3A_82 = arith.constant 0 : i32
      %dma_wait3A_83 = tpu.memref_slice %arg4[%mul3A_2, %dma_wait3A_81, %dma_wait3A_82] : memref<4096x200x128xf32, #tpu.memory_space<hbm>> -> memref<1x200x128xf32, #tpu.memory_space<hbm>>
      %dma_wait3A_84 = tpu.memref_squeeze %dma_wait3A_83 : memref<1x200x128xf32, #tpu.memory_space<hbm>> -> memref<200x128xf32, #tpu.memory_space<hbm>>
      %dma_wait3A_85 = arith.constant 0 : i32
      %dma_wait3A_86 = arith.constant 0 : i32
      %dma_wait3A_87 = tpu.memref_slice %arg4[%mul3A_2, %dma_wait3A_85, %dma_wait3A_86] : memref<4096x200x128xf32, #tpu.memory_space<hbm>> -> memref<1x200x128xf32, #tpu.memory_space<hbm>>
      %dma_wait3A_88 = tpu.memref_squeeze %dma_wait3A_87 : memref<1x200x128xf32, #tpu.memory_space<hbm>> -> memref<200x128xf32, #tpu.memory_space<hbm>>
      %dma_wait3A_89 = arith.constant 1 : i32
      %dma_wait3A_90 = arith.constant 0 : i32
      %dma_wait3A_91 = tpu.memref_slice %arg6[%dma_wait3A_89, %dma_wait3A_90] : memref<256x128xf32, #tpu.memory_space<vmem>> -> memref<200x128xf32, #tpu.memory_space<vmem>>
      tpu.wait_dma2 semaphore(%arg8 : memref<!tpu.dma_semaphore, #tpu.memory_space<semaphore_mem>>) src(%dma_wait3A_91 : memref<200x128xf32, #tpu.memory_space<vmem>>) dst(%dma_wait3A_88 : memref<200x128xf32, #tpu.memory_space<hbm>>)
    }
    %while3A_66 = arith.constant 1 : i32
    scf.for %while3A_78 = %while3A_64 to %while3A_60 step %while3A_66  : i32 {
      %dma_wait3A = arith.constant 1 : i32
      %dma_wait3A_79 = arith.constant 0 : i32
      %dma_wait3A_80 = tpu.memref_slice %arg6[%dma_wait3A, %dma_wait3A_79] : memref<256x128xf32, #tpu.memory_space<vmem>> -> memref<200x128xf32, #tpu.memory_space<vmem>>
      %dma_wait3A_81 = arith.constant 0 : i32
      %dma_wait3A_82 = arith.constant 0 : i32
      %dma_wait3A_83 = tpu.memref_slice %arg4[%mul3A_2, %dma_wait3A_81, %dma_wait3A_82] : memref<4096x200x128xf32, #tpu.memory_space<hbm>> -> memref<1x200x128xf32, #tpu.memory_space<hbm>>
      %dma_wait3A_84 = tpu.memref_squeeze %dma_wait3A_83 : memref<1x200x128xf32, #tpu.memory_space<hbm>> -> memref<200x128xf32, #tpu.memory_space<hbm>>
      %dma_wait3A_85 = arith.constant 0 : i32
      %dma_wait3A_86 = arith.constant 0 : i32
      %dma_wait3A_87 = tpu.memref_slice %arg4[%mul3A_2, %dma_wait3A_85, %dma_wait3A_86] : memref<4096x200x128xf32, #tpu.memory_space<hbm>> -> memref<1x200x128xf32, #tpu.memory_space<hbm>>
      %dma_wait3A_88 = tpu.memref_squeeze %dma_wait3A_87 : memref<1x200x128xf32, #tpu.memory_space<hbm>> -> memref<200x128xf32, #tpu.memory_space<hbm>>
      %dma_wait3A_89 = arith.constant 1 : i32
      %dma_wait3A_90 = arith.constant 0 : i32
      %dma_wait3A_91 = tpu.memref_slice %arg6[%dma_wait3A_89, %dma_wait3A_90] : memref<256x128xf32, #tpu.memory_space<vmem>> -> memref<200x128xf32, #tpu.memory_space<vmem>>
      tpu.wait_dma2 semaphore(%arg8 : memref<!tpu.dma_semaphore, #tpu.memory_space<semaphore_mem>>) src(%dma_wait3A_91 : memref<200x128xf32, #tpu.memory_space<vmem>>) dst(%dma_wait3A_88 : memref<200x128xf32, #tpu.memory_space<hbm>>)
    }
    %min3A = arith.constant 2 : i32
    %min3A_67 = arith.minsi %scan3A_56#1, %min3A : i32
    %while3A_68 = arith.constant 0 : i32
    %while3A_69 = arith.constant 0 : i32
    %while3A_70 = arith.subi %min3A_67, %while3A_69 : i32
    %while3A_71 = arith.addi %while3A_69, %while3A_70 : i32
    %while3A_72 = arith.constant 1 : i32
    %while3A_73 = arith.divsi %while3A_70, %while3A_72 : i32
    %while3A_74 = arith.muli %while3A_73, %while3A_72 : i32
    %while3A_75 = arith.addi %while3A_69, %while3A_74 : i32
    %while3A_76 = arith.constant 1 : i32
    scf.for %while3A_78 = %while3A_69 to %while3A_75 step %while3A_76  : i32 {
      %dma_wait3A = arith.constant 0 : i32
      %dma_wait3A_79 = arith.constant 0 : i32
      %dma_wait3A_80 = arith.constant 0 : i32
      %dma_wait3A_81 = tpu.memref_slice %arg7[%dma_wait3A, %dma_wait3A_79, %dma_wait3A_80] : memref<2x200x128xf32, #tpu.memory_space<vmem>> -> memref<1x200x128xf32, #tpu.memory_space<vmem>>
      %dma_wait3A_82 = tpu.memref_squeeze %dma_wait3A_81 : memref<1x200x128xf32, #tpu.memory_space<vmem>> -> memref<200x128xf32, #tpu.memory_space<vmem>>
      %dma_wait3A_83 = arith.constant 0 : i32
      %dma_wait3A_84 = arith.constant 0 : i32
      %dma_wait3A_85 = tpu.memref_slice %arg4[%mul3A_2, %dma_wait3A_83, %dma_wait3A_84] : memref<4096x200x128xf32, #tpu.memory_space<hbm>> -> memref<1x200x128xf32, #tpu.memory_space<hbm>>
      %dma_wait3A_86 = tpu.memref_squeeze %dma_wait3A_85 : memref<1x200x128xf32, #tpu.memory_space<hbm>> -> memref<200x128xf32, #tpu.memory_space<hbm>>
      %dma_wait3A_87 = arith.constant 0 : i32
      %dma_wait3A_88 = arith.constant 0 : i32
      %dma_wait3A_89 = tpu.memref_slice %arg4[%mul3A_2, %dma_wait3A_87, %dma_wait3A_88] : memref<4096x200x128xf32, #tpu.memory_space<hbm>> -> memref<1x200x128xf32, #tpu.memory_space<hbm>>
      %dma_wait3A_90 = tpu.memref_squeeze %dma_wait3A_89 : memref<1x200x128xf32, #tpu.memory_space<hbm>> -> memref<200x128xf32, #tpu.memory_space<hbm>>
      %dma_wait3A_91 = arith.constant 0 : i32
      %dma_wait3A_92 = arith.constant 0 : i32
      %dma_wait3A_93 = tpu.memref_slice %arg7[%dma_wait3A, %dma_wait3A_91, %dma_wait3A_92] : memref<2x200x128xf32, #tpu.memory_space<vmem>> -> memref<1x200x128xf32, #tpu.memory_space<vmem>>
      %dma_wait3A_94 = tpu.memref_squeeze %dma_wait3A_93 : memref<1x200x128xf32, #tpu.memory_space<vmem>> -> memref<200x128xf32, #tpu.memory_space<vmem>>
      tpu.wait_dma2 semaphore(%arg9 : memref<!tpu.dma_semaphore, #tpu.memory_space<semaphore_mem>>) src(%dma_wait3A_94 : memref<200x128xf32, #tpu.memory_space<vmem>>) dst(%dma_wait3A_90 : memref<200x128xf32, #tpu.memory_space<hbm>>)
    }
    %while3A_77 = arith.constant 1 : i32
    scf.for %while3A_78 = %while3A_75 to %while3A_71 step %while3A_77  : i32 {
      %dma_wait3A = arith.constant 0 : i32
      %dma_wait3A_79 = arith.constant 0 : i32
      %dma_wait3A_80 = arith.constant 0 : i32
      %dma_wait3A_81 = tpu.memref_slice %arg7[%dma_wait3A, %dma_wait3A_79, %dma_wait3A_80] : memref<2x200x128xf32, #tpu.memory_space<vmem>> -> memref<1x200x128xf32, #tpu.memory_space<vmem>>
      %dma_wait3A_82 = tpu.memref_squeeze %dma_wait3A_81 : memref<1x200x128xf32, #tpu.memory_space<vmem>> -> memref<200x128xf32, #tpu.memory_space<vmem>>
      %dma_wait3A_83 = arith.constant 0 : i32
      %dma_wait3A_84 = arith.constant 0 : i32
      %dma_wait3A_85 = tpu.memref_slice %arg4[%mul3A_2, %dma_wait3A_83, %dma_wait3A_84] : memref<4096x200x128xf32, #tpu.memory_space<hbm>> -> memref<1x200x128xf32, #tpu.memory_space<hbm>>
      %dma_wait3A_86 = tpu.memref_squeeze %dma_wait3A_85 : memref<1x200x128xf32, #tpu.memory_space<hbm>> -> memref<200x128xf32, #tpu.memory_space<hbm>>
      %dma_wait3A_87 = arith.constant 0 : i32
      %dma_wait3A_88 = arith.constant 0 : i32
      %dma_wait3A_89 = tpu.memref_slice %arg4[%mul3A_2, %dma_wait3A_87, %dma_wait3A_88] : memref<4096x200x128xf32, #tpu.memory_space<hbm>> -> memref<1x200x128xf32, #tpu.memory_space<hbm>>
      %dma_wait3A_90 = tpu.memref_squeeze %dma_wait3A_89 : memref<1x200x128xf32, #tpu.memory_space<hbm>> -> memref<200x128xf32, #tpu.memory_space<hbm>>
      %dma_wait3A_91 = arith.constant 0 : i32
      %dma_wait3A_92 = arith.constant 0 : i32
      %dma_wait3A_93 = tpu.memref_slice %arg7[%dma_wait3A, %dma_wait3A_91, %dma_wait3A_92] : memref<2x200x128xf32, #tpu.memory_space<vmem>> -> memref<1x200x128xf32, #tpu.memory_space<vmem>>
      %dma_wait3A_94 = tpu.memref_squeeze %dma_wait3A_93 : memref<1x200x128xf32, #tpu.memory_space<vmem>> -> memref<200x128xf32, #tpu.memory_space<vmem>>
      tpu.wait_dma2 semaphore(%arg9 : memref<!tpu.dma_semaphore, #tpu.memory_space<semaphore_mem>>) src(%dma_wait3A_94 : memref<200x128xf32, #tpu.memory_space<vmem>>) dst(%dma_wait3A_90 : memref<200x128xf32, #tpu.memory_space<hbm>>)
    }
    return
  }
}

</mosaic_0001>

<sc_bundles>
// kernel: kernel.3.cloned.1.call-start
scs
__scs_entry_jumppad:
0x0: {  	(pc) =	sbr.rel $0x88, $3  }
0x1: {  	(tag) =	ssettag $0x0;
	lr =	simm.s32 $0x1  }
0x2: {  	[smem:$0x3F9F] =	sst lr;
	_ =	strace $0xD0000000  }
0x3: {  	_ = 	snop  }
0x4: {  	_ = 	snop  }
0x5: {  	_ = 	snop  }
0x6: {  	_ = 	snop  }
0x7: {  	_ = 	snop  }
__scs_overlays_trampoline_lowered:
0x8: {  	[smem:$0x3FAE] =	sst s0  }
0x9: {  	[smem:$0x3FAF] =	sst s1  }
0xa: {  	[smem:$0x3FB0] =	sst s2  }
0xb: {  	[smem:$0x3FB1] =	sst s3  }
0xc: {  	[smem:$0x3FB2] =	sst s4  }
0xd: {  	[smem:$0x3FB3] =	sst s5  }
0xe: {  	[smem:$0x3FB4] =	sst s6  }
0xf: {  	[smem:$0x3FB5] =	sst s7  }
0x10: {  	[smem:$0x3FB6] =	sst s8  }
0x11: {  	[smem:$0x3FB7] =	sst s9;
	s0 =	simm.s32 @!p0 $0x0  }
0x12: {  	s1 =	sld [smem:$0x3F9D];
	s0 =	simm.s32 @p0 $0x1  }
0x13: {  	[smem:$0x3FB8] =	sst s0;
	s0 =	simm.s32 @!p1 $0x0  }
0x14: {  	s2 =	sld [smem:$0x3F9C];
	s0 =	simm.s32 @p1 $0x1  }
0x15: {  	[smem:$0x3FB9] =	sst s0;
	s0 =	simm.s32 @!p2 $0x0  }
0x16: {  	s3 =	sld [smem:$0x3FDB];
	s0 =	simm.s32 @p2 $0x1  }
0x17: {  	s4 =	simm.s32 $0x1BF5;
	[smem:$0x3FBB] =	sst s0  }
0x18: {  	s0 =	sld [smem:$0x3F9E];
	_ =	swait.ge [sflag:s4], $0x0  }
0x19: {  	s7 =	sld [smem:$0x3F9F]  }
0x1a: {  	s8 =	sadd.s32 $0xFFFFE003, lr  }
0x1b: {  	s9 =	sadd.s32 $0xFFFFFEF7, lr;
	s5 =	simm.s32 $0xFFFFFFFF;
	p2 =	slt.u32 s8, $0xFFFFF086  }
0x1c: {  	p1 =	slt.u32 s9, $0xF7A;
	s5 =	simm.s32 @!p2 $0x0  }
0x1d: {  	s5 =	simm.s32 @p1 $0x1;
	p0 =	seq.s32 s7, s2  }
0x1e: {  	s7 =	smul.u32 @!p0 $0xF7A, s2;
	p2 =	seq.s32 @!p0 s5, $0x0  }
0x1f: {  	s9 =	smul.u32 $0xF7A, s1;
	s8 =	simm.s32 @!p0 $0x1BF5;
	p2 =	por !p2, p0  }
0x20: {  	[sflag:s8] =	ssyncset.s32 @!p0 $0xFFFFF086;
	s6 =	sadd.s32 @!p0 s3, s7;
	s7 =	simm.s32 @!p0 $0x108  }
0x21: {  	s3 =	sadd.s32 s3, s9;
	s6 =	sadd.s32 @!p0 $0x88, s6;
	s7 =	simm.s32 @p2 $0x1082  }
0x22: {  	[simem:s7], [sflag:s8] =	dma.local @!p0 [hbm:s6], $0xF7A  }
0x23: {  	s9 =	sor.u32 $0xD0000000, s2;
	s6 =	simm.s32 $0x108;
	_ =	swait.ge @!p0 [sflag:s8], $0x0  }
0x24: {  	s3 =	sadd.s32 $0x88, s3;
	s6 =	simm.s32 @!p1 $0x1082;
	[sflag:s4] =	ssyncset.s32 $0xFFFFF086  }
0x25: {  	[simem:s6], [sflag:s4] =	dma.local [hbm:s3], $0xF7A  }
0x26: {  	[smem:$0x3F9F] =	sst s1;
	(tag) =	ssettag s2;
	_ =	strace s9  }
0x27: {  	s1 =	sld [smem:$0x3FAF]  }
0x28: {  	s2 =	sld [smem:$0x3FB0]  }
0x29: {  	s4 =	sld [smem:$0x3FB2]  }
0x2a: {  	p0 =	seq.s32 s5, $0x0;
	s5 =	sld [smem:$0x3FB3]  }
0x2b: {  	s6 =	sld [smem:$0x3FB4]  }
0x2c: {  	s7 =	sld [smem:$0x3FB5]  }
0x2d: {  	s3 =	simm.s32 $0x108;
	s8 =	sld [smem:$0x3FB6]  }
0x2e: {  	s3 =	simm.s32 @!p0 $0x1082;
	s9 =	sld [smem:$0x3FB7]  }
0x2f: {  	lr =	sadd.s32 s0, s3;
	s0 =	sld [smem:$0x3FAE]  }
0x30: {  	s3 =	sld [smem:$0x3FB1]  }
0x31: {  	[smem:$0x3FBA] =	sst s10  }
0x32: {  	s10 =	sld [smem:$0x3FB8];
	_ =	sdelay $0x3  }
0x33: {  	p0 =	seq.s32 s10, $0x1;
	s10 =	sld [smem:$0x3FBA];
	_ =	sdelay $0x3  }
0x34: {  	[smem:$0x3FBA] =	sst s10  }
0x35: {  	s10 =	sld [smem:$0x3FB9];
	_ =	sdelay $0x3  }
0x36: {  	p1 =	seq.s32 s10, $0x1;
	s10 =	sld [smem:$0x3FBA];
	_ =	sdelay $0x3  }
0x37: {  	[smem:$0x3FBA] =	sst s10  }
0x38: {  	s10 =	sld [smem:$0x3FBB]  }
0x39: {  	_ = 	snop;
	(pc) =	sbr.ind lr, $3  }
0x3a: {  	_ = 	snop  }
0x3b: {  	_ = 	snop  }
0x3c: {  	p2 =	seq.s32 s10, $0x1;
	s10 =	sld [smem:$0x3FBA]  }
0x3d: {  	_ =	shalt  }
0x3e: {  	_ =	shalt  }
0x3f: {  	_ =	shalt  }
0x40: {  	_ =	shalt  }
0x41: {  	_ =	shalt  }
0x42: {  	_ =	shalt  }
0x43: {  	_ =	shalt  }
0x44: {  	_ =	shalt  }
0x45: {  	_ =	shalt  }
0x46: {  	_ =	shalt  }
0x47: {  	_ =	shalt  }
0x48: {  	_ =	shalt  }
0x49: {  	_ =	shalt  }
0x4a: {  	_ =	shalt  }
0x4b: {  	_ =	shalt  }
0x4c: {  	_ =	shalt  }
0x4d: {  	_ =	shalt  }
0x4e: {  	_ =	shalt  }
0x4f: {  	_ =	shalt  }
0x50: {  	_ =	shalt  }
0x51: {  	_ =	shalt  }
0x52: {  	_ =	shalt  }
0x53: {  	_ =	shalt  }
0x54: {  	_ =	shalt  }
0x55: {  	_ =	shalt  }
0x56: {  	_ =	shalt  }
0x57: {  	_ =	shalt  }
0x58: {  	_ =	shalt  }
0x59: {  	_ =	shalt  }
0x5a: {  	_ =	shalt  }
0x5b: {  	_ =	shalt  }
0x5c: {  	_ =	shalt  }
0x5d: {  	_ =	shalt  }
0x5e: {  	_ =	shalt  }
0x5f: {  	_ =	shalt  }
0x60: {  	_ =	shalt  }
0x61: {  	_ =	shalt  }
0x62: {  	_ =	shalt  }
0x63: {  	_ =	shalt  }
0x64: {  	_ =	shalt  }
0x65: {  	_ =	shalt  }
0x66: {  	_ =	shalt  }
0x67: {  	_ =	shalt  }
0x68: {  	_ =	shalt  }
0x69: {  	_ =	shalt  }
0x6a: {  	_ =	shalt  }
0x6b: {  	_ =	shalt  }
0x6c: {  	_ =	shalt  }
0x6d: {  	_ =	shalt  }
0x6e: {  	_ =	shalt  }
0x6f: {  	_ =	shalt  }
0x70: {  	_ =	shalt  }
0x71: {  	_ =	shalt  }
0x72: {  	_ =	shalt  }
0x73: {  	_ =	shalt  }
0x74: {  	_ =	shalt  }
0x75: {  	_ =	shalt  }
0x76: {  	_ =	shalt  }
0x77: {  	_ =	shalt  }
0x78: {  	_ =	shalt  }
0x79: {  	_ =	shalt  }
0x7a: {  	_ =	shalt  }
0x7b: {  	_ =	shalt  }
0x7c: {  	_ =	shalt  }
0x7d: {  	_ =	shalt  }
0x7e: {  	_ =	shalt  }
0x7f: {  	_ =	shalt  }
0x80: {  	_ =	shalt  }
0x81: {  	_ =	shalt  }
0x82: {  	_ =	shalt  }
0x83: {  	_ =	shalt  }
0x84: {  	_ =	shalt  }
0x85: {  	_ =	shalt  }
0x86: {  	_ =	shalt  }
0x87: {  	_ =	shalt  }
.Lfunc_end0:
.L_simem_size_0:
called_computation_lowered:
.L_overlay_start_0:
0x88: {  	s2 =	sld [smem:$0x3FD9]  }
0x89: {  	s3 =	sld [smem:$0x3FFE];
	_ =	sdelay $0x1  }
0x8a: {  	s1 =	srdreg.scid  }
0x8b: {  	s0 =	sand.u32 $0x1, s1  }
0x8c: {  	s17 =	sshll.u32 s0, $0xA;
	s2 =	sadd.s32 s3, s2  }
0x8d: {  	s2 =	sadd.s32 s2, s17  }
0x8e: {  	[smem:$0x3FC6] =	sst s2  }
0x8f: {  	_ = 	snop  }
0x90: {  	s2 =	sld [smem:$0x3FC8]  }
0x91: {  	s18 =	sld [smem:$0x3FD0];
	(tm) =	ssettm $0x1  }
0x92: {  	s4 =	sld [smem:$0x3FFB];
	_ =	sdelay $0x3  }
0x93: {  	_ =	strace s4  }
0x94: {  	s4 =	sld [smem:$0x3FFC];
	_ =	sdelay $0x3  }
0x95: {  	_ =	strace s4  }
0x96: {  	s4 =	sld [smem:$0x3FFD];
	_ =	sdelay $0x3  }
0x97: {  	_ =	strace s4  }
0x98: {  	_ =	strace $0x8FFFFFFF  }
0x99: {  	s19 =	sld [smem:$0x3FDB];
	_ =	sdelay $0x1  }
0x9a: {  	s5 =	simm.s32 $_scs_section_size  }
0x9b: {  	s6 =	simm.s32 $_size__tile_overlayer_lowered;
	s7 =	simm.s32 $_tile_overlayer_lowered  }
0x9c: {  	s22 =	simm.s32 $0x1BFF;
	s21 =	sshll.u32 s7, $0x1;
	s4 =	sadd.s32 s5, s19  }
0x9d: {  	s8 =	simm.s32 $0x0;
	s20 =	sshll.u32 s6, $0x1;
	s6 =	sadd.s32 s21, s4  }
0x9e: {  	[timem:s8], [sflag:s22] =	dma.local [hbm:s6], s20  }
0x9f: {  	_ =	swait.ge [sflag:s22], s20  }
0xa0: {  	s5 =	ssub.s32 $0x0, s20;
	[sflag:s22] =	ssyncset.done $0x0  }
0xa1: {  	[sflag:s22] =	ssyncadd.s32 s5;
	_ =	sdelay $0x1  }
0xa2: {  	s23 =	simm.s32 $0x1B8B  }
0xa3: {  	_ =	swait.ge [sflag:s23], $0x1  }
0xa4: {  	[sflag:s23] =	ssyncset.done $0x0  }
0xa5: {  	s25 =	simm.s32 $0x1B8E;
	s24 =	sld [smem:$0x3FFE];
	[sflag:s23] =	ssyncadd.s32 $0xFFFFFFFF  }
0xa6: {  	s26 =	simm.s32 $execute0_lowered;
	[smem:$0x3FD2] =	sst s25  }
0xa7: {  	s6 =	sshll.u32 s26, $0x1;
	_ =	strace $0x80000046;
	[dreg:$0x1] =	wrdreg $0xFFFFFFFF  }
0xa8: {  	s28 =	simm.s32 $_size_execute0_lowered;
	s4 =	sadd.s32 s4, s6;
	[dreg:$0x0] =	wrdreg $0x0  }
0xa9: {  	s6 =	sshll.u32 s28, $0x1;
	[dreg:$0x2] =	wrdreg s4  }
0xaa: {  	[dreg:$0x3] =	wrdreg s6  }
0xab: {  	[dreg:$0x4] =	wrdreg $0xC0  }
0xac: {  	_ =	task [dreg:s8], $0x5FFFF  }
0xad: {  	[dreg:$0x1] =	wrdreg $0xFFFFFFFF  }
0xae: {  	[dreg:$0x0] =	wrdreg $0x60  }
0xaf: {  	[dreg:$0x2] =	wrdreg s24  }
0xb0: {  	[dreg:$0x3] =	wrdreg s2  }
0xb1: {  	[dreg:$0x4] =	wrdreg s18  }
0xb2: {  	[dreg:$0x5] =	wrdreg $0x9  }
0xb3: {  	_ =	task.clear_ibuf [dreg:s8], $0x6FFFF;
	_ =	strace $0x90000046  }
0xb4: {  	s29 =	simm.s32 $0x9;
	_ =	strace $0x80000048  }
0xb5: {  	_ =	swait.ge [sflag:s29], $0x1  }
0xb6: {  	[sflag:s29] =	ssyncadd.s32 $0xFFFFFFFF  }
0xb7: {  	_ =	strace $0x90000048  }
0xb8: {  	_ =	sfence  }
0xb9: {  	s30 =	sld [smem:$0x0];
	_ =	sdelay $0x2  }
0xba: {  	s31 =	sshll.u32 s1, $0xD;
	s1 =	sshrl.u32 s1, $0x2  }
0xbb: {  	s3 =	sand.u32 $0x4000, s31;
	s1 =	sadd.s32 s1, s30  }
0xbc: {  	s0 =	sor.u32 s3, s0;
	s1 =	sshll.u32 s1, $0x11  }
0xbd: {  	s0 =	sor.u32 s1, s0  }
0xbe: {  	s0 =	sadd.s32 $0x8F2B, s0  }
0xbf: {  	[sflag:s0] =	ssyncadd.remote.s32 $0x1  }
0xc0: {  	_ =	sfence.sel $0xFFFF  }
0xc1: {  	[dreg:$0x0] =	wrdreg $0xFFFFFFFF;
	(pc) =	sbr.abs _section_cstart, $3  }
0xc2: {  	[dreg:$0x1] =	wrdreg $0xFFFFFFFF  }
0xc3: {  	_ =	task.clear_ibuf [dreg:s8], $0x2FFFF;
	_ =	strace $0x9FFFFFFF  }
0xc4: {  	(tm) =	ssettm $0x7FFFFFFF  }
0xc5: {  	_ =	shalt  }
tec
execute0_lowered:
.L_overlay_start_1:
0x0: {  	(tag) =	ssettag $0x1  }
0x1: {  	s6 =	rddreg [dreg:$0x0]  }
0x2: {  	s2 =	srdreg.scid;
	s1 =	rddreg [dreg:$0x1]  }
0x3: {  	s0 =	stileid.u32;
	s3 =	rddreg [dreg:$0x2];
	s10 =	simm.s32 $0x8080  }
0x4: {  	v0 =	vimm.s32 $0xFEDCBA98;
	s11 =	simm.s32 $0x1;
	s12 =	simm.s32 $0x2;
	s13 =	simm.s32 $0x0  }
0x5: {  	v1 =	vimm.s32 $0x76543210;
	s5 =	sand.u32 $0x1, s2;
	s4 =	sshll.u32 s0, $0x8;
	s2 =	rddreg [dreg:$0x3];
	v0 =	vunpack.c.l.s4.s8 v0  }
.Ltmp0:
0x6: {  	v1 =	vunpack.c.l.s4.s8 v1;
	s7 =	sshll.u32 s5, $0x7;
	s31 =	ssub.s32 $0x2, s5;
	(pc) =	sbr.rel .LBB2_1-.Ltmp0, $4  }
0x7: {  	s5 =	simm.s32 $0x0;
	s4 =	sor.u32 s7, s4;
	s9 =	sshrl.u32 s31, $0x1;
	v0 =	vunpack.c.0.s8.s32 v0  }
0x8: {  	[smem:$0x7FF] =	sst s5;
	v1 =	vunpack.c.0.s8.s32 v1;
	s8 =	sshll.u32 s4, $0x5;
	s7 =	ssub.s32 s31, s9  }
0x9: {  	_ =	strace $0x80000047;
	s9 =	simm.s32 $0x8000;
	s6 =	sadd.s32 s8, s6;
	v2 =	vand.u32 $0xF, v0  }
0xa: {  	vm0 =	vmmov $0xff;
	s7 =	smax.u32 s7, $0x1;
	s8 =	simm.s32 $0x3;
	v0 =	vimm.f32 $0.0e+00;
	s6 =	sadd.s32 $0x400, s6;
	v1 =	vcombine.low v2, v1  }
.LBB2_15:
0xb: {  	[sflag:s12] =	ssyncadd.s32 $0xFFFF9C00  }
.LBB2_16:
0xc: {  	s13 =	sadd.s32 $0x1, s13  }
0xd: {  	p0 =	sne.s32 s13, s7  }
.Ltmp1:
0xe: {  	_ = 	snop;
	(pc) =	sbr.rel @!p0 .LBB2_17-.Ltmp1, $1  }
0xf: {  	_ =	sdelay $0x3  }
.LBB2_1:
0x10: {  	[tilespmem:s5], [sflag:$0x3] =	stream.linear.gather [hbm4b:s6+s5], $0x8000, $0x38;
	[tilespmem:$0x1C800] =	vst v63  }
0x11: {  	_ =	swait.ge [sflag:s8], $0x8000  }
0x12: {  	[sflag:s8] =	ssyncset.done $0x0  }
0x13: {  	[sflag:s8] =	ssyncadd.s32 $0xFFFF8000  }
0x14: {  	[tilespmem:s9], [sflag:$0x3] =	stream.linear.gather [hbm4b:s1+s5], $0x8000, $0x38;
	[tilespmem:$0x1C800] =	vst v63  }
0x15: {  	_ =	swait.ge [sflag:s8], $0x8000  }
0x16: {  	[sflag:s8] =	ssyncset.done $0x0  }
0x17: {  	[sflag:s8] =	ssyncadd.s32 $0xFFFF8000  }
0x18: {  	[tilespmem:$0x8000] =	vst v0  }
0x19: {  	[tilespmem:$0x8010] =	vst v0  }
0x1a: {  	[tilespmem:$0x8020] =	vst v0  }
.Ltmp2:
0x1b: {  	[tilespmem:$0x8030] =	vst v0;
	(pc) =	sbr.rel .LBB2_2-.Ltmp2, $4  }
0x1c: {  	[tilespmem:$0x8040] =	vst v0  }
0x1d: {  	[tilespmem:$0x8050] =	vst v0  }
0x1e: {  	[tilespmem:$0x8060] =	vst v0  }
0x1f: {  	s14 =	simm.s32 $0x0;
	s15 =	simm.s32 $0x0;
	s16 =	simm.s32 $0x0;
	[tilespmem:$0x8070] =	vst v0  }
.LBB2_3:
0x20: {  	s17 =	sadd.s32 s3, s17  }
0x21: {  	[hbm4b:s17+s5] =	stream.linear.scatter [tilespmem:s10], [sflag:$0x1], $0x6400, $0x38;
	[tilespmem:$0x1C800] =	vst v63  }
.LBB2_7:
0x22: {  	s17 =	simm.s32 $0x1;
	s16 =	sadd.s32 $0x1, s16  }
0x23: {  	s17 =	simm.s32 @!p0 $0x0;
	p0 =	seq.s32 s16, $0x80  }
.Ltmp3:
0x24: {  	_ = 	snop;
	(pc) =	sbr.rel @p0 .LBB2_8-.Ltmp3, $3  }
0x25: {  	_ =	sdelay $0x1  }
0x26: {  	s14 =	ssub.s32 s14, s17  }
0x27: {  	s15 =	sadd.s32 s17, s15;
	s14 =	sadd.s32 $0x1, s14  }
.LBB2_2:
0x28: {  	s17 =	sshll.u32 s16, $0x8;
	s18 =	sshll.u32 s16, $0x7  }
0x29: {  	s20 =	sand.u32 $0x7800, s17;
	s24 =	sand.u32 $0x380, s18  }
0x2a: {  	s17 =	sor.u32 s24, s20  }
0x2b: {  	v2 =	vld [tilespmem:s17+$0x0]  }
0x2c: {  	v3 =	vld [tilespmem:s17+$0x10];
	_ =	sdelay $0x1  }
0x2d: {  	v4 =	vld [tilespmem:s17+$0x20];
	_ =	sdelay $0x1  }
0x2e: {  	v5 =	vld [tilespmem:s17+$0x30]  }
0x2f: {  	vm1 =	vlt.s32 v2, v3  }
0x30: {  	v2 =	vsel vm1, v2, v3;
	v3 =	vld [tilespmem:s17+$0x40]  }
0x31: {  	vm1 =	vlt.s32 v2, v4  }
0x32: {  	v58 =	vld [tilespmem:s17+$0x50];
	v2 =	vsel vm1, v2, v4  }
0x33: {  	vm1 =	vlt.s32 v2, v5  }
0x34: {  	v59 =	vld [tilespmem:s17+$0x60];
	v2 =	vsel vm1, v2, v5  }
0x35: {  	vm1 =	vlt.s32 v2, v3  }
0x36: {  	v2 =	vsel vm1, v2, v3;
	v3 =	vld [tilespmem:s17+$0x70]  }
0x37: {  	vm1 =	vlt.s32 v2, v58  }
0x38: {  	v60 =	vld [tilespmem:s17+$0x400];
	v2 =	vsel vm1, v2, v58  }
0x39: {  	vm1 =	vlt.s32 v2, v59  }
0x3a: {  	v61 =	vld [tilespmem:s17+$0x410];
	v2 =	vsel vm1, v2, v59  }
0x3b: {  	v6 =	vld [tilespmem:s17+$0x420];
	s21 =	sor.u32 $0x440, s17;
	vm1 =	vlt.s32 v2, v3  }
0x3c: {  	v7 =	vld.msk [tilespmem:s21+$0x0], $0xff;
	v2 =	vsel vm1, v2, v3  }
0x3d: {  	v3 =	vld [tilespmem:s17+$0x430];
	vm1 =	vlt.s32 v2, v60  }
0x3e: {  	v2 =	vsel vm1, v2, v60  }
0x3f: {  	vm1 =	vlt.s32 v2, v61  }
0x40: {  	v2 =	vsel vm1, v2, v61  }
0x41: {  	vm1 =	vlt.s32 v2, v6  }
0x42: {  	v63 =	vperm.xlane v7, v1;
	v62 =	vperm.xlane v3, v1;
	v2 =	vsel vm1, v2, v6  }
0x43: {  	vm1 =	vlt.s32 v2, v3  }
0x44: {  	v2 =	vsel vm1, v2, v3;
	v3 =	vsel vm0, v62, v63  }
0x45: {  	vm1 =	vlt.s32 v2, v3  }
0x46: {  	v2 =	vsel vm1, v2, v3  }
0x47: {  	(v2sf) =	vpush v2, $0x0  }
0x48: {  	(v2sf) =	vpush v2, $0x1;
	_ =	sdelay $0x1  }
0x49: {  	(v2sf) =	vpush v2, $0x2;
	_ =	sdelay $0x1  }
0x4a: {  	(v2sf) =	vpush v2, $0x3;
	_ =	sdelay $0x1  }
0x4b: {  	(v2sf) =	vpush v2, $0x4;
	_ =	sdelay $0x1  }
0x4c: {  	(v2sf) =	vpush v2, $0x5;
	_ =	sdelay $0x1  }
0x4d: {  	(v2sf) =	vpush v2, $0x6;
	_ =	sdelay $0x1  }
0x4e: {  	(v2sf) =	vpush v2, $0x7;
	_ =	sdelay $0x1  }
0x4f: {  	s23 =	spop (v2sf);
	(v2sf) =	vpush v2, $0x8  }
0x50: {  	s25 =	spop (v2sf)  }
0x51: {  	p0 =	sne.s32 s23, $0x0;
	(v2sf) =	vpush v2, $0x9;
	p1 =	sne.s32 s25, $0x0  }
0x52: {  	s26 =	spop (v2sf);
	p0 =	por !p0, !p1  }
0x53: {  	(v2sf) =	vpush v2, $0xA;
	p3 =	sne.s32 s26, $0x0;
	p0 =	por !p0, !p0  }
0x54: {  	s28 =	spop (v2sf);
	p0 =	por !p3, !p0  }
0x55: {  	(v2sf) =	vpush v2, $0xB;
	p4 =	sne.s32 s28, $0x0;
	p0 =	por !p0, !p0  }
0x56: {  	s29 =	spop (v2sf);
	p0 =	por !p4, !p0  }
0x57: {  	(v2sf) =	vpush v2, $0xC;
	p5 =	sne.s32 s29, $0x0;
	p0 =	por !p0, !p0  }
0x58: {  	s30 =	spop (v2sf);
	p0 =	por !p5, !p0  }
0x59: {  	(v2sf) =	vpush v2, $0xD;
	p6 =	sne.s32 s30, $0x0;
	p0 =	por !p0, !p0  }
0x5a: {  	s31 =	spop (v2sf);
	p0 =	por !p6, !p0  }
0x5b: {  	(v2sf) =	vpush v2, $0xE;
	p2 =	sne.s32 s31, $0x0;
	p0 =	por !p0, !p0  }
0x5c: {  	s18 =	spop (v2sf);
	p0 =	por !p2, !p0  }
0x5d: {  	(v2sf) =	vpush v2, $0xF;
	p3 =	sne.s32 s18, $0x0;
	p0 =	por !p0, !p0  }
0x5e: {  	s19 =	spop (v2sf);
	p0 =	por !p3, !p0  }
0x5f: {  	p0 =	por !p0, !p0;
	p4 =	sne.s32 s19, $0x0  }
0x60: {  	s22 =	spop (v2sf);
	p0 =	por !p4, !p0  }
0x61: {  	p5 =	sne.s32 s22, $0x0;
	p0 =	por !p0, !p0  }
0x62: {  	s23 =	spop (v2sf);
	p0 =	por !p5, !p0  }
0x63: {  	p6 =	sne.s32 s23, $0x0;
	p0 =	por !p0, !p0  }
0x64: {  	s25 =	spop (v2sf);
	p0 =	por !p6, !p0  }
0x65: {  	p2 =	sne.s32 s25, $0x0;
	p0 =	por !p0, !p0  }
0x66: {  	s26 =	spop (v2sf);
	p0 =	por !p2, !p0  }
0x67: {  	p3 =	sne.s32 s26, $0x0;
	p0 =	por !p0, !p0  }
0x68: {  	s28 =	spop (v2sf);
	p0 =	por !p3, !p0  }
0x69: {  	p4 =	sne.s32 s28, $0x0;
	p0 =	por !p0, !p0  }
0x6a: {  	s29 =	spop (v2sf);
	p0 =	por !p4, !p0  }
0x6b: {  	p5 =	sne.s32 s29, $0x0;
	p0 =	por !p0, !p0  }
0x6c: {  	s30 =	spop (v2sf);
	p0 =	por !p5, !p0  }
0x6d: {  	p6 =	sne.s32 s30, $0x0;
	p0 =	por !p0, !p0  }
0x6e: {  	p0 =	por !p6, !p0  }
0x6f: {  	p0 =	por !p0, !p0  }
.Ltmp4:
0x70: {  	_ = 	snop;
	(pc) =	sbr.rel @p0 .LBB2_3-.Ltmp4, $3  }
0x71: {  	_ = 	snop  }
0x72: {  	s31 =	sor.u32 s4, s16  }
0x73: {  	s17 =	smul.u32 $0xC80, s31;
	_ =	sdelay $0x1  }
0x74: {  	s18 =	sshrl.u32 s14, $0x1F  }
0x75: {  	s18 =	sadd.s32 s18, s14  }
0x76: {  	s18 =	sand.u32 $0xFFFFFFFE, s18  }
0x77: {  	p1 =	slt.s32 s14, $0x2;
	s18 =	ssub.s32 s14, s18  }
0x78: {  	s19 =	simm.s32 @!p1 $0x2;
	s18 =	smul.u32 $0x19000, s18  }
0x79: {  	s23 =	simm.s32 $0x0;
	v2 =	vmov s24;
	s24 =	simm.s32 $0x0;
	_ =	swait.ge @!p1 [sflag:s19], $0x6400  }
0x7a: {  	s25 =	simm.s32 $0x0;
	[sflag:s19] =	ssyncset.done @!p1 $0x0;
	s18 =	sshra.s32 s18, $0x2  }
0x7b: {  	[sflag:s19] =	ssyncadd.s32 @!p1 $0xFFFF9C00;
	s19 =	sadd.s32 $0x10000, s18;
	s22 =	sadd.s32 $0x10400, s18  }
.LBB2_5:
0x7c: {  	s26 =	sand.u32 $0x400, s23  }
0x7d: {  	s28 =	sand.u32 $0x70, s24;
	s26 =	sadd.s32 s26, s20  }
0x7e: {  	s26 =	sadd.s32 s28, s26  }
0x7f: {  	v3 =	vld.idx.msk [tilespmem:v2+s26+$0x0 ss:$0x1], $0xffff;
	_ =	sdelay $0x4  }
0x80: {  	(v2sf) =	vpush v3, $0x0;
	_ =	sdelay $0xe  }
0x81: {  	s28 =	spop (v2sf)  }
0x82: {  	s26 =	simm.s32 $0x1;
	p1 =	sne.s32 s28, $0x0  }
0x83: {  	s26 =	simm.s32 @!p1 $0x0  }
0x84: {  	s25 =	sadd.s32 s26, s25  }
0x85: {  	s26 =	sshll.u32 s25, $0x7  }
0x86: {  	s26 =	simm.s32 @!p1 $0x0  }
0x87: {  	v4 =	vld [tilespmem:s26+$0x8000];
	_ =	sdelay $0x4  }
0x88: {  	[tilespmem:s22+$0xFFFFFC00] =	vst v4  }
0x89: {  	v4 =	vld [tilespmem:s26+$0x8010];
	_ =	sdelay $0x4  }
0x8a: {  	[tilespmem:s22+$0xFFFFFC10] =	vst v4  }
0x8b: {  	v4 =	vld [tilespmem:s26+$0x8020];
	_ =	sdelay $0x4  }
0x8c: {  	[tilespmem:s22+$0xFFFFFC20] =	vst v4  }
0x8d: {  	v4 =	vld [tilespmem:s26+$0x8030];
	_ =	sdelay $0x4  }
0x8e: {  	[tilespmem:s22+$0xFFFFFC30] =	vst v4  }
0x8f: {  	v4 =	vld [tilespmem:s26+$0x8040];
	_ =	sdelay $0x2  }
0x90: {  	(v2sf) =	vpush v3, $0x1;
	_ =	sdelay $0x1  }
0x91: {  	[tilespmem:s22+$0xFFFFFC40] =	vst v4  }
0x92: {  	v4 =	vld [tilespmem:s26+$0x8050];
	_ =	sdelay $0x4  }
0x93: {  	[tilespmem:s22+$0xFFFFFC50] =	vst v4  }
0x94: {  	v4 =	vld [tilespmem:s26+$0x8060];
	_ =	sdelay $0x4  }
0x95: {  	[tilespmem:s22+$0xFFFFFC60] =	vst v4  }
0x96: {  	s29 =	spop (v2sf);
	v4 =	vld [tilespmem:s26+$0x8070]  }
0x97: {  	p1 =	sne.s32 s29, $0x0;
	s26 =	simm.s32 $0x1  }
0x98: {  	s26 =	simm.s32 @!p1 $0x0  }
0x99: {  	s25 =	sadd.s32 s26, s25  }
0x9a: {  	s26 =	sshll.u32 s25, $0x7  }
0x9b: {  	s26 =	simm.s32 @!p1 $0x0;
	[tilespmem:s22+$0xFFFFFC70] =	vst v4  }
0x9c: {  	v4 =	vld [tilespmem:s26+$0x8000];
	_ =	sdelay $0x4  }
0x9d: {  	[tilespmem:s22+$0xFFFFFC80] =	vst v4  }
0x9e: {  	v4 =	vld [tilespmem:s26+$0x8010];
	_ =	sdelay $0x4  }
0x9f: {  	[tilespmem:s22+$0xFFFFFC90] =	vst v4  }
0xa0: {  	v4 =	vld [tilespmem:s26+$0x8020];
	_ =	sdelay $0x4  }
0xa1: {  	[tilespmem:s22+$0xFFFFFCA0] =	vst v4  }
0xa2: {  	v4 =	vld [tilespmem:s26+$0x8030];
	_ =	sdelay $0x4  }
0xa3: {  	[tilespmem:s22+$0xFFFFFCB0] =	vst v4  }
0xa4: {  	v4 =	vld [tilespmem:s26+$0x8040];
	_ =	sdelay $0x2  }
0xa5: {  	(v2sf) =	vpush v3, $0x2;
	_ =	sdelay $0x1  }
0xa6: {  	[tilespmem:s22+$0xFFFFFCC0] =	vst v4  }
0xa7: {  	v4 =	vld [tilespmem:s26+$0x8050];
	_ =	sdelay $0x4  }
0xa8: {  	[tilespmem:s22+$0xFFFFFCD0] =	vst v4  }
0xa9: {  	v4 =	vld [tilespmem:s26+$0x8060];
	_ =	sdelay $0x4  }
0xaa: {  	[tilespmem:s22+$0xFFFFFCE0] =	vst v4  }
0xab: {  	s30 =	spop (v2sf);
	v4 =	vld [tilespmem:s26+$0x8070]  }
0xac: {  	p1 =	sne.s32 s30, $0x0;
	s26 =	simm.s32 $0x1  }
0xad: {  	s26 =	simm.s32 @!p1 $0x0  }
0xae: {  	s25 =	sadd.s32 s26, s25  }
0xaf: {  	s26 =	sshll.u32 s25, $0x7  }
0xb0: {  	s26 =	simm.s32 @!p1 $0x0;
	[tilespmem:s22+$0xFFFFFCF0] =	vst v4  }
0xb1: {  	v4 =	vld [tilespmem:s26+$0x8000];
	_ =	sdelay $0x4  }
0xb2: {  	[tilespmem:s22+$0xFFFFFD00] =	vst v4  }
0xb3: {  	v4 =	vld [tilespmem:s26+$0x8010];
	_ =	sdelay $0x4  }
0xb4: {  	[tilespmem:s22+$0xFFFFFD10] =	vst v4  }
0xb5: {  	v4 =	vld [tilespmem:s26+$0x8020];
	_ =	sdelay $0x4  }
0xb6: {  	[tilespmem:s22+$0xFFFFFD20] =	vst v4  }
0xb7: {  	v4 =	vld [tilespmem:s26+$0x8030];
	_ =	sdelay $0x4  }
0xb8: {  	[tilespmem:s22+$0xFFFFFD30] =	vst v4  }
0xb9: {  	v4 =	vld [tilespmem:s26+$0x8040];
	_ =	sdelay $0x2  }
0xba: {  	(v2sf) =	vpush v3, $0x3;
	_ =	sdelay $0x1  }
0xbb: {  	[tilespmem:s22+$0xFFFFFD40] =	vst v4  }
0xbc: {  	v4 =	vld [tilespmem:s26+$0x8050];
	_ =	sdelay $0x4  }
0xbd: {  	[tilespmem:s22+$0xFFFFFD50] =	vst v4  }
0xbe: {  	v4 =	vld [tilespmem:s26+$0x8060];
	_ =	sdelay $0x4  }
0xbf: {  	[tilespmem:s22+$0xFFFFFD60] =	vst v4  }
0xc0: {  	s31 =	spop (v2sf);
	v4 =	vld [tilespmem:s26+$0x8070]  }
0xc1: {  	p1 =	sne.s32 s31, $0x0;
	s26 =	simm.s32 $0x1  }
0xc2: {  	s26 =	simm.s32 @!p1 $0x0  }
0xc3: {  	s25 =	sadd.s32 s26, s25  }
0xc4: {  	s26 =	sshll.u32 s25, $0x7  }
0xc5: {  	s26 =	simm.s32 @!p1 $0x0;
	[tilespmem:s22+$0xFFFFFD70] =	vst v4  }
0xc6: {  	v4 =	vld [tilespmem:s26+$0x8000];
	_ =	sdelay $0x4  }
0xc7: {  	[tilespmem:s22+$0xFFFFFD80] =	vst v4  }
0xc8: {  	v4 =	vld [tilespmem:s26+$0x8010];
	_ =	sdelay $0x4  }
0xc9: {  	[tilespmem:s22+$0xFFFFFD90] =	vst v4  }
0xca: {  	v4 =	vld [tilespmem:s26+$0x8020];
	_ =	sdelay $0x4  }
0xcb: {  	[tilespmem:s22+$0xFFFFFDA0] =	vst v4  }
0xcc: {  	v4 =	vld [tilespmem:s26+$0x8030];
	_ =	sdelay $0x4  }
0xcd: {  	[tilespmem:s22+$0xFFFFFDB0] =	vst v4  }
0xce: {  	v4 =	vld [tilespmem:s26+$0x8040];
	_ =	sdelay $0x2  }
0xcf: {  	(v2sf) =	vpush v3, $0x4;
	_ =	sdelay $0x1  }
0xd0: {  	[tilespmem:s22+$0xFFFFFDC0] =	vst v4  }
0xd1: {  	v4 =	vld [tilespmem:s26+$0x8050];
	_ =	sdelay $0x4  }
0xd2: {  	[tilespmem:s22+$0xFFFFFDD0] =	vst v4  }
0xd3: {  	v4 =	vld [tilespmem:s26+$0x8060];
	_ =	sdelay $0x4  }
0xd4: {  	[tilespmem:s22+$0xFFFFFDE0] =	vst v4  }
0xd5: {  	s28 =	spop (v2sf);
	v4 =	vld [tilespmem:s26+$0x8070]  }
0xd6: {  	p1 =	sne.s32 s28, $0x0;
	s26 =	simm.s32 $0x1  }
0xd7: {  	s26 =	simm.s32 @!p1 $0x0  }
0xd8: {  	s25 =	sadd.s32 s26, s25  }
0xd9: {  	s26 =	sshll.u32 s25, $0x7  }
0xda: {  	s26 =	simm.s32 @!p1 $0x0;
	[tilespmem:s22+$0xFFFFFDF0] =	vst v4  }
0xdb: {  	v4 =	vld [tilespmem:s26+$0x8000];
	_ =	sdelay $0x4  }
0xdc: {  	[tilespmem:s22+$0xFFFFFE00] =	vst v4  }
0xdd: {  	v4 =	vld [tilespmem:s26+$0x8010];
	_ =	sdelay $0x4  }
0xde: {  	[tilespmem:s22+$0xFFFFFE10] =	vst v4  }
0xdf: {  	v4 =	vld [tilespmem:s26+$0x8020];
	_ =	sdelay $0x4  }
0xe0: {  	[tilespmem:s22+$0xFFFFFE20] =	vst v4  }
0xe1: {  	v4 =	vld [tilespmem:s26+$0x8030];
	_ =	sdelay $0x4  }
0xe2: {  	[tilespmem:s22+$0xFFFFFE30] =	vst v4  }
0xe3: {  	v4 =	vld [tilespmem:s26+$0x8040];
	_ =	sdelay $0x2  }
0xe4: {  	(v2sf) =	vpush v3, $0x5;
	_ =	sdelay $0x1  }
0xe5: {  	[tilespmem:s22+$0xFFFFFE40] =	vst v4  }
0xe6: {  	v4 =	vld [tilespmem:s26+$0x8050];
	_ =	sdelay $0x4  }
0xe7: {  	[tilespmem:s22+$0xFFFFFE50] =	vst v4  }
0xe8: {  	v4 =	vld [tilespmem:s26+$0x8060];
	_ =	sdelay $0x4  }
0xe9: {  	[tilespmem:s22+$0xFFFFFE60] =	vst v4  }
0xea: {  	s29 =	spop (v2sf);
	v4 =	vld [tilespmem:s26+$0x8070]  }
0xeb: {  	p1 =	sne.s32 s29, $0x0;
	s26 =	simm.s32 $0x1  }
0xec: {  	s26 =	simm.s32 @!p1 $0x0  }
0xed: {  	s25 =	sadd.s32 s26, s25  }
0xee: {  	s26 =	sshll.u32 s25, $0x7  }
0xef: {  	s26 =	simm.s32 @!p1 $0x0;
	[tilespmem:s22+$0xFFFFFE70] =	vst v4  }
0xf0: {  	v4 =	vld [tilespmem:s26+$0x8000];
	_ =	sdelay $0x4  }
0xf1: {  	[tilespmem:s22+$0xFFFFFE80] =	vst v4  }
0xf2: {  	v4 =	vld [tilespmem:s26+$0x8010];
	_ =	sdelay $0x4  }
0xf3: {  	[tilespmem:s22+$0xFFFFFE90] =	vst v4  }
0xf4: {  	v4 =	vld [tilespmem:s26+$0x8020];
	_ =	sdelay $0x4  }
0xf5: {  	[tilespmem:s22+$0xFFFFFEA0] =	vst v4  }
0xf6: {  	v4 =	vld [tilespmem:s26+$0x8030];
	_ =	sdelay $0x4  }
0xf7: {  	[tilespmem:s22+$0xFFFFFEB0] =	vst v4  }
0xf8: {  	v4 =	vld [tilespmem:s26+$0x8040];
	_ =	sdelay $0x2  }
0xf9: {  	(v2sf) =	vpush v3, $0x6;
	_ =	sdelay $0x1  }
0xfa: {  	[tilespmem:s22+$0xFFFFFEC0] =	vst v4  }
0xfb: {  	v4 =	vld [tilespmem:s26+$0x8050];
	_ =	sdelay $0x4  }
0xfc: {  	[tilespmem:s22+$0xFFFFFED0] =	vst v4  }
0xfd: {  	v4 =	vld [tilespmem:s26+$0x8060];
	_ =	sdelay $0x4  }
0xfe: {  	[tilespmem:s22+$0xFFFFFEE0] =	vst v4  }
0xff: {  	s30 =	spop (v2sf);
	v4 =	vld [tilespmem:s26+$0x8070]  }
0x100: {  	p1 =	sne.s32 s30, $0x0;
	s26 =	simm.s32 $0x1  }
0x101: {  	s26 =	simm.s32 @!p1 $0x0  }
0x102: {  	s25 =	sadd.s32 s26, s25  }
0x103: {  	s26 =	sshll.u32 s25, $0x7  }
0x104: {  	s26 =	simm.s32 @!p1 $0x0;
	[tilespmem:s22+$0xFFFFFEF0] =	vst v4  }
0x105: {  	v4 =	vld [tilespmem:s26+$0x8000];
	_ =	sdelay $0x4  }
0x106: {  	[tilespmem:s22+$0xFFFFFF00] =	vst v4  }
0x107: {  	v4 =	vld [tilespmem:s26+$0x8010];
	_ =	sdelay $0x4  }
0x108: {  	[tilespmem:s22+$0xFFFFFF10] =	vst v4  }
0x109: {  	v4 =	vld [tilespmem:s26+$0x8020];
	_ =	sdelay $0x4  }
0x10a: {  	[tilespmem:s22+$0xFFFFFF20] =	vst v4  }
0x10b: {  	v4 =	vld [tilespmem:s26+$0x8030];
	_ =	sdelay $0x4  }
0x10c: {  	[tilespmem:s22+$0xFFFFFF30] =	vst v4  }
0x10d: {  	v4 =	vld [tilespmem:s26+$0x8040];
	_ =	sdelay $0x2  }
0x10e: {  	(v2sf) =	vpush v3, $0x7;
	_ =	sdelay $0x1  }
0x10f: {  	[tilespmem:s22+$0xFFFFFF40] =	vst v4  }
0x110: {  	v4 =	vld [tilespmem:s26+$0x8050];
	_ =	sdelay $0x4  }
0x111: {  	[tilespmem:s22+$0xFFFFFF50] =	vst v4  }
0x112: {  	v4 =	vld [tilespmem:s26+$0x8060];
	_ =	sdelay $0x4  }
0x113: {  	[tilespmem:s22+$0xFFFFFF60] =	vst v4  }
0x114: {  	s31 =	spop (v2sf);
	v4 =	vld [tilespmem:s26+$0x8070]  }
0x115: {  	p1 =	sne.s32 s31, $0x0;
	s26 =	simm.s32 $0x1  }
0x116: {  	s26 =	simm.s32 @!p1 $0x0  }
0x117: {  	s25 =	sadd.s32 s26, s25  }
0x118: {  	s26 =	sshll.u32 s25, $0x7  }
0x119: {  	s26 =	simm.s32 @!p1 $0x0;
	[tilespmem:s22+$0xFFFFFF70] =	vst v4  }
0x11a: {  	v4 =	vld [tilespmem:s26+$0x8000];
	_ =	sdelay $0x4  }
0x11b: {  	[tilespmem:s22+$0xFFFFFF80] =	vst v4  }
0x11c: {  	v4 =	vld [tilespmem:s26+$0x8010];
	_ =	sdelay $0x4  }
0x11d: {  	[tilespmem:s22+$0xFFFFFF90] =	vst v4  }
0x11e: {  	v4 =	vld [tilespmem:s26+$0x8020];
	_ =	sdelay $0x4  }
0x11f: {  	[tilespmem:s22+$0xFFFFFFA0] =	vst v4  }
0x120: {  	v4 =	vld [tilespmem:s26+$0x8030];
	_ =	sdelay $0x4  }
0x121: {  	[tilespmem:s22+$0xFFFFFFB0] =	vst v4  }
0x122: {  	v4 =	vld [tilespmem:s26+$0x8040];
	_ =	sdelay $0x2  }
0x123: {  	(v2sf) =	vpush v3, $0x8;
	_ =	sdelay $0x1  }
0x124: {  	[tilespmem:s22+$0xFFFFFFC0] =	vst v4  }
0x125: {  	v4 =	vld [tilespmem:s26+$0x8050];
	_ =	sdelay $0x4  }
0x126: {  	[tilespmem:s22+$0xFFFFFFD0] =	vst v4  }
0x127: {  	v4 =	vld [tilespmem:s26+$0x8060];
	_ =	sdelay $0x4  }
0x128: {  	[tilespmem:s22+$0xFFFFFFE0] =	vst v4  }
0x129: {  	s28 =	spop (v2sf);
	v4 =	vld [tilespmem:s26+$0x8070]  }
0x12a: {  	p1 =	sne.s32 s28, $0x0;
	s26 =	simm.s32 $0x1  }
0x12b: {  	s26 =	simm.s32 @!p1 $0x0  }
0x12c: {  	s25 =	sadd.s32 s26, s25  }
0x12d: {  	s26 =	sshll.u32 s25, $0x7  }
0x12e: {  	s26 =	simm.s32 @!p1 $0x0;
	[tilespmem:s22+$0xFFFFFFF0] =	vst v4  }
0x12f: {  	v4 =	vld [tilespmem:s26+$0x8000];
	_ =	sdelay $0x4  }
0x130: {  	[tilespmem:s22+$0x0] =	vst v4  }
0x131: {  	v4 =	vld [tilespmem:s26+$0x8010];
	_ =	sdelay $0x4  }
0x132: {  	[tilespmem:s22+$0x10] =	vst v4  }
0x133: {  	v4 =	vld [tilespmem:s26+$0x8020];
	_ =	sdelay $0x4  }
0x134: {  	[tilespmem:s22+$0x20] =	vst v4  }
0x135: {  	v4 =	vld [tilespmem:s26+$0x8030];
	_ =	sdelay $0x4  }
0x136: {  	[tilespmem:s22+$0x30] =	vst v4  }
0x137: {  	v4 =	vld [tilespmem:s26+$0x8040];
	_ =	sdelay $0x2  }
0x138: {  	(v2sf) =	vpush v3, $0x9;
	_ =	sdelay $0x1  }
0x139: {  	[tilespmem:s22+$0x40] =	vst v4  }
0x13a: {  	v4 =	vld [tilespmem:s26+$0x8050];
	_ =	sdelay $0x4  }
0x13b: {  	[tilespmem:s22+$0x50] =	vst v4  }
0x13c: {  	v4 =	vld [tilespmem:s26+$0x8060];
	_ =	sdelay $0x4  }
0x13d: {  	[tilespmem:s22+$0x60] =	vst v4  }
0x13e: {  	s29 =	spop (v2sf);
	v4 =	vld [tilespmem:s26+$0x8070]  }
0x13f: {  	p1 =	sne.s32 s29, $0x0;
	s26 =	simm.s32 $0x1  }
0x140: {  	s26 =	simm.s32 @!p1 $0x0  }
0x141: {  	s25 =	sadd.s32 s26, s25  }
0x142: {  	s26 =	sshll.u32 s25, $0x7  }
0x143: {  	s26 =	simm.s32 @!p1 $0x0;
	[tilespmem:s22+$0x70] =	vst v4  }
0x144: {  	v4 =	vld [tilespmem:s26+$0x8000];
	_ =	sdelay $0x4  }
0x145: {  	[tilespmem:s22+$0x80] =	vst v4  }
0x146: {  	v4 =	vld [tilespmem:s26+$0x8010];
	_ =	sdelay $0x4  }
0x147: {  	[tilespmem:s22+$0x90] =	vst v4  }
0x148: {  	v4 =	vld [tilespmem:s26+$0x8020];
	_ =	sdelay $0x4  }
0x149: {  	[tilespmem:s22+$0xA0] =	vst v4  }
0x14a: {  	v4 =	vld [tilespmem:s26+$0x8030];
	_ =	sdelay $0x4  }
0x14b: {  	[tilespmem:s22+$0xB0] =	vst v4  }
0x14c: {  	v4 =	vld [tilespmem:s26+$0x8040];
	_ =	sdelay $0x2  }
0x14d: {  	(v2sf) =	vpush v3, $0xA;
	_ =	sdelay $0x1  }
0x14e: {  	[tilespmem:s22+$0xC0] =	vst v4  }
0x14f: {  	v4 =	vld [tilespmem:s26+$0x8050];
	_ =	sdelay $0x4  }
0x150: {  	[tilespmem:s22+$0xD0] =	vst v4  }
0x151: {  	v4 =	vld [tilespmem:s26+$0x8060];
	_ =	sdelay $0x4  }
0x152: {  	[tilespmem:s22+$0xE0] =	vst v4  }
0x153: {  	s30 =	spop (v2sf);
	v4 =	vld [tilespmem:s26+$0x8070]  }
0x154: {  	p1 =	sne.s32 s30, $0x0;
	s26 =	simm.s32 $0x1  }
0x155: {  	s26 =	simm.s32 @!p1 $0x0  }
0x156: {  	s25 =	sadd.s32 s26, s25  }
0x157: {  	s26 =	sshll.u32 s25, $0x7  }
0x158: {  	s26 =	simm.s32 @!p1 $0x0;
	[tilespmem:s22+$0xF0] =	vst v4  }
0x159: {  	v4 =	vld [tilespmem:s26+$0x8000];
	_ =	sdelay $0x4  }
0x15a: {  	[tilespmem:s22+$0x100] =	vst v4  }
0x15b: {  	v4 =	vld [tilespmem:s26+$0x8010];
	_ =	sdelay $0x4  }
0x15c: {  	[tilespmem:s22+$0x110] =	vst v4  }
0x15d: {  	v4 =	vld [tilespmem:s26+$0x8020];
	_ =	sdelay $0x4  }
0x15e: {  	[tilespmem:s22+$0x120] =	vst v4  }
0x15f: {  	v4 =	vld [tilespmem:s26+$0x8030];
	_ =	sdelay $0x4  }
0x160: {  	[tilespmem:s22+$0x130] =	vst v4  }
0x161: {  	v4 =	vld [tilespmem:s26+$0x8040];
	_ =	sdelay $0x2  }
0x162: {  	(v2sf) =	vpush v3, $0xB;
	_ =	sdelay $0x1  }
0x163: {  	[tilespmem:s22+$0x140] =	vst v4  }
0x164: {  	v4 =	vld [tilespmem:s26+$0x8050];
	_ =	sdelay $0x4  }
0x165: {  	[tilespmem:s22+$0x150] =	vst v4  }
0x166: {  	v4 =	vld [tilespmem:s26+$0x8060];
	_ =	sdelay $0x4  }
0x167: {  	[tilespmem:s22+$0x160] =	vst v4  }
0x168: {  	s31 =	spop (v2sf);
	v4 =	vld [tilespmem:s26+$0x8070]  }
0x169: {  	p1 =	sne.s32 s31, $0x0;
	s26 =	simm.s32 $0x1  }
0x16a: {  	s26 =	simm.s32 @!p1 $0x0  }
0x16b: {  	s25 =	sadd.s32 s26, s25  }
0x16c: {  	s26 =	sshll.u32 s25, $0x7  }
0x16d: {  	s26 =	simm.s32 @!p1 $0x0;
	[tilespmem:s22+$0x170] =	vst v4  }
0x16e: {  	v4 =	vld [tilespmem:s26+$0x8000];
	_ =	sdelay $0x4  }
0x16f: {  	[tilespmem:s22+$0x180] =	vst v4  }
0x170: {  	v4 =	vld [tilespmem:s26+$0x8010];
	_ =	sdelay $0x4  }
0x171: {  	[tilespmem:s22+$0x190] =	vst v4  }
0x172: {  	v4 =	vld [tilespmem:s26+$0x8020];
	_ =	sdelay $0x4  }
0x173: {  	[tilespmem:s22+$0x1A0] =	vst v4  }
0x174: {  	v4 =	vld [tilespmem:s26+$0x8030];
	_ =	sdelay $0x4  }
0x175: {  	[tilespmem:s22+$0x1B0] =	vst v4  }
0x176: {  	v4 =	vld [tilespmem:s26+$0x8040];
	_ =	sdelay $0x2  }
0x177: {  	(v2sf) =	vpush v3, $0xC;
	_ =	sdelay $0x1  }
0x178: {  	[tilespmem:s22+$0x1C0] =	vst v4  }
0x179: {  	v4 =	vld [tilespmem:s26+$0x8050];
	_ =	sdelay $0x4  }
0x17a: {  	[tilespmem:s22+$0x1D0] =	vst v4  }
0x17b: {  	v4 =	vld [tilespmem:s26+$0x8060];
	_ =	sdelay $0x4  }
0x17c: {  	[tilespmem:s22+$0x1E0] =	vst v4  }
0x17d: {  	s28 =	spop (v2sf);
	v4 =	vld [tilespmem:s26+$0x8070]  }
0x17e: {  	p1 =	sne.s32 s28, $0x0;
	s26 =	simm.s32 $0x1  }
0x17f: {  	s26 =	simm.s32 @!p1 $0x0  }
0x180: {  	s25 =	sadd.s32 s26, s25  }
0x181: {  	s26 =	sshll.u32 s25, $0x7  }
0x182: {  	s26 =	simm.s32 @!p1 $0x0;
	[tilespmem:s22+$0x1F0] =	vst v4  }
0x183: {  	v4 =	vld [tilespmem:s26+$0x8000];
	_ =	sdelay $0x4  }
0x184: {  	[tilespmem:s22+$0x200] =	vst v4  }
0x185: {  	v4 =	vld [tilespmem:s26+$0x8010];
	_ =	sdelay $0x4  }
0x186: {  	[tilespmem:s22+$0x210] =	vst v4  }
0x187: {  	v4 =	vld [tilespmem:s26+$0x8020];
	_ =	sdelay $0x4  }
0x188: {  	[tilespmem:s22+$0x220] =	vst v4  }
0x189: {  	v4 =	vld [tilespmem:s26+$0x8030];
	_ =	sdelay $0x4  }
0x18a: {  	[tilespmem:s22+$0x230] =	vst v4  }
0x18b: {  	v4 =	vld [tilespmem:s26+$0x8040];
	_ =	sdelay $0x2  }
0x18c: {  	(v2sf) =	vpush v3, $0xD;
	_ =	sdelay $0x1  }
0x18d: {  	[tilespmem:s22+$0x240] =	vst v4  }
0x18e: {  	v4 =	vld [tilespmem:s26+$0x8050];
	_ =	sdelay $0x4  }
0x18f: {  	[tilespmem:s22+$0x250] =	vst v4  }
0x190: {  	v4 =	vld [tilespmem:s26+$0x8060];
	_ =	sdelay $0x4  }
0x191: {  	[tilespmem:s22+$0x260] =	vst v4  }
0x192: {  	s29 =	spop (v2sf);
	v4 =	vld [tilespmem:s26+$0x8070]  }
0x193: {  	p1 =	sne.s32 s29, $0x0;
	s26 =	simm.s32 $0x1  }
0x194: {  	s26 =	simm.s32 @!p1 $0x0  }
0x195: {  	s25 =	sadd.s32 s26, s25  }
0x196: {  	s26 =	sshll.u32 s25, $0x7  }
0x197: {  	s26 =	simm.s32 @!p1 $0x0;
	[tilespmem:s22+$0x270] =	vst v4  }
0x198: {  	v4 =	vld [tilespmem:s26+$0x8000];
	_ =	sdelay $0x4  }
0x199: {  	[tilespmem:s22+$0x280] =	vst v4  }
0x19a: {  	v4 =	vld [tilespmem:s26+$0x8010];
	_ =	sdelay $0x4  }
0x19b: {  	[tilespmem:s22+$0x290] =	vst v4  }
0x19c: {  	v4 =	vld [tilespmem:s26+$0x8020];
	_ =	sdelay $0x4  }
0x19d: {  	[tilespmem:s22+$0x2A0] =	vst v4  }
0x19e: {  	v4 =	vld [tilespmem:s26+$0x8030];
	_ =	sdelay $0x4  }
0x19f: {  	[tilespmem:s22+$0x2B0] =	vst v4  }
0x1a0: {  	v4 =	vld [tilespmem:s26+$0x8040];
	_ =	sdelay $0x2  }
0x1a1: {  	(v2sf) =	vpush v3, $0xE;
	_ =	sdelay $0x1  }
0x1a2: {  	[tilespmem:s22+$0x2C0] =	vst v4  }
0x1a3: {  	v4 =	vld [tilespmem:s26+$0x8050];
	_ =	sdelay $0x4  }
0x1a4: {  	[tilespmem:s22+$0x2D0] =	vst v4  }
0x1a5: {  	v4 =	vld [tilespmem:s26+$0x8060];
	_ =	sdelay $0x4  }
0x1a6: {  	[tilespmem:s22+$0x2E0] =	vst v4  }
0x1a7: {  	s30 =	spop (v2sf);
	v4 =	vld [tilespmem:s26+$0x8070]  }
0x1a8: {  	p1 =	sne.s32 s30, $0x0;
	s26 =	simm.s32 $0x1  }
0x1a9: {  	s26 =	simm.s32 @!p1 $0x0  }
0x1aa: {  	s25 =	sadd.s32 s26, s25  }
0x1ab: {  	s26 =	sshll.u32 s25, $0x7  }
0x1ac: {  	s26 =	simm.s32 @!p1 $0x0;
	[tilespmem:s22+$0x2F0] =	vst v4  }
0x1ad: {  	v4 =	vld [tilespmem:s26+$0x8000];
	_ =	sdelay $0x4  }
0x1ae: {  	[tilespmem:s22+$0x300] =	vst v4  }
0x1af: {  	v4 =	vld [tilespmem:s26+$0x8010];
	_ =	sdelay $0x4  }
0x1b0: {  	[tilespmem:s22+$0x310] =	vst v4  }
0x1b1: {  	v4 =	vld [tilespmem:s26+$0x8020];
	_ =	sdelay $0x4  }
0x1b2: {  	[tilespmem:s22+$0x320] =	vst v4  }
0x1b3: {  	v4 =	vld [tilespmem:s26+$0x8030];
	_ =	sdelay $0x4  }
0x1b4: {  	[tilespmem:s22+$0x330] =	vst v4  }
0x1b5: {  	v4 =	vld [tilespmem:s26+$0x8040];
	_ =	sdelay $0x2  }
0x1b6: {  	(v2sf) =	vpush v3, $0xF;
	_ =	sdelay $0x1  }
0x1b7: {  	[tilespmem:s22+$0x340] =	vst v4  }
0x1b8: {  	v3 =	vld [tilespmem:s26+$0x8050];
	_ =	sdelay $0x4  }
0x1b9: {  	[tilespmem:s22+$0x350] =	vst v3  }
0x1ba: {  	v3 =	vld [tilespmem:s26+$0x8060];
	_ =	sdelay $0x4  }
0x1bb: {  	[tilespmem:s22+$0x360] =	vst v3  }
0x1bc: {  	s31 =	spop (v2sf);
	v3 =	vld [tilespmem:s26+$0x8070]  }
0x1bd: {  	p1 =	sne.s32 s31, $0x0;
	s26 =	simm.s32 $0x1  }
0x1be: {  	s26 =	simm.s32 @!p1 $0x0  }
0x1bf: {  	s25 =	sadd.s32 s26, s25  }
0x1c0: {  	s26 =	sshll.u32 s25, $0x7  }
0x1c1: {  	s26 =	simm.s32 @!p1 $0x0;
	[tilespmem:s22+$0x370] =	vst v3  }
0x1c2: {  	v3 =	vld [tilespmem:s26+$0x8000];
	_ =	sdelay $0x4  }
0x1c3: {  	[tilespmem:s22+$0x380] =	vst v3  }
0x1c4: {  	v3 =	vld [tilespmem:s26+$0x8010];
	_ =	sdelay $0x4  }
0x1c5: {  	[tilespmem:s22+$0x390] =	vst v3  }
0x1c6: {  	v3 =	vld [tilespmem:s26+$0x8020];
	_ =	sdelay $0x4  }
0x1c7: {  	[tilespmem:s22+$0x3A0] =	vst v3  }
0x1c8: {  	v3 =	vld [tilespmem:s26+$0x8030];
	_ =	sdelay $0x4  }
0x1c9: {  	[tilespmem:s22+$0x3B0] =	vst v3  }
0x1ca: {  	v3 =	vld [tilespmem:s26+$0x8040];
	_ =	sdelay $0x4  }
0x1cb: {  	[tilespmem:s22+$0x3C0] =	vst v3  }
0x1cc: {  	v3 =	vld [tilespmem:s26+$0x8050];
	_ =	sdelay $0x4  }
0x1cd: {  	[tilespmem:s22+$0x3D0] =	vst v3  }
0x1ce: {  	v3 =	vld [tilespmem:s26+$0x8060];
	_ =	sdelay $0x4  }
0x1cf: {  	[tilespmem:s22+$0x3E0] =	vst v3  }
0x1d0: {  	p1 =	sne.s32 s24, $0xB0;
	v3 =	vld [tilespmem:s26+$0x8070]  }
.Ltmp5:
0x1d1: {  	_ = 	snop;
	(pc) =	sbr.rel @p1 .LBB2_5-.Ltmp5, $2  }
0x1d2: {  	_ =	sdelay $0x2  }
0x1d3: {  	s23 =	sadd.s32 $0x80, s23;
	s24 =	sadd.s32 $0x10, s24;
	[tilespmem:s22+$0x3F0] =	vst v3;
	s22 =	sadd.s32 $0x800, s22  }
0x1d4: {  	v2 =	vld.msk [tilespmem:s21+$0x0], $0xff;
	_ =	sdelay $0x4  }
0x1d5: {  	(v2sf) =	vpush v2, $0x0;
	_ =	sdelay $0xe  }
0x1d6: {  	s20 =	spop (v2sf)  }
0x1d7: {  	p1 =	sne.s32 s20, $0x0;
	s20 =	simm.s32 $0x1  }
0x1d8: {  	s20 =	simm.s32 @!p1 $0x0  }
0x1d9: {  	s20 =	sadd.s32 s20, s25  }
0x1da: {  	s21 =	sshll.u32 s20, $0x7  }
0x1db: {  	s21 =	simm.s32 @!p1 $0x0  }
0x1dc: {  	v3 =	vld [tilespmem:s21+$0x8000];
	_ =	sdelay $0x4  }
0x1dd: {  	[tilespmem:s18+$0x16000] =	vst v3  }
0x1de: {  	v3 =	vld [tilespmem:s21+$0x8010];
	_ =	sdelay $0x4  }
0x1df: {  	[tilespmem:s18+$0x16010] =	vst v3  }
0x1e0: {  	v3 =	vld [tilespmem:s21+$0x8020];
	_ =	sdelay $0x4  }
0x1e1: {  	[tilespmem:s18+$0x16020] =	vst v3  }
0x1e2: {  	v3 =	vld [tilespmem:s21+$0x8030];
	_ =	sdelay $0x4  }
0x1e3: {  	[tilespmem:s18+$0x16030] =	vst v3  }
0x1e4: {  	v3 =	vld [tilespmem:s21+$0x8040];
	_ =	sdelay $0x2  }
0x1e5: {  	(v2sf) =	vpush v2, $0x1;
	_ =	sdelay $0x1  }
0x1e6: {  	[tilespmem:s18+$0x16040] =	vst v3  }
0x1e7: {  	v3 =	vld [tilespmem:s21+$0x8050];
	_ =	sdelay $0x4  }
0x1e8: {  	[tilespmem:s18+$0x16050] =	vst v3  }
0x1e9: {  	v3 =	vld [tilespmem:s21+$0x8060];
	_ =	sdelay $0x4  }
0x1ea: {  	[tilespmem:s18+$0x16060] =	vst v3  }
0x1eb: {  	s25 =	spop (v2sf);
	v3 =	vld [tilespmem:s21+$0x8070]  }
0x1ec: {  	p1 =	sne.s32 s25, $0x0;
	s21 =	simm.s32 $0x1  }
0x1ed: {  	s21 =	simm.s32 @!p1 $0x0  }
0x1ee: {  	s20 =	sadd.s32 s21, s20  }
0x1ef: {  	s21 =	sshll.u32 s20, $0x7  }
0x1f0: {  	s21 =	simm.s32 @!p1 $0x0;
	[tilespmem:s18+$0x16070] =	vst v3  }
0x1f1: {  	v3 =	vld [tilespmem:s21+$0x8000];
	_ =	sdelay $0x4  }
0x1f2: {  	[tilespmem:s18+$0x16080] =	vst v3  }
0x1f3: {  	v3 =	vld [tilespmem:s21+$0x8010];
	_ =	sdelay $0x4  }
0x1f4: {  	[tilespmem:s18+$0x16090] =	vst v3  }
0x1f5: {  	v3 =	vld [tilespmem:s21+$0x8020];
	_ =	sdelay $0x4  }
0x1f6: {  	[tilespmem:s18+$0x160A0] =	vst v3  }
0x1f7: {  	v3 =	vld [tilespmem:s21+$0x8030];
	_ =	sdelay $0x4  }
0x1f8: {  	[tilespmem:s18+$0x160B0] =	vst v3  }
0x1f9: {  	v3 =	vld [tilespmem:s21+$0x8040];
	_ =	sdelay $0x2  }
0x1fa: {  	(v2sf) =	vpush v2, $0x2;
	_ =	sdelay $0x1  }
0x1fb: {  	[tilespmem:s18+$0x160C0] =	vst v3  }
0x1fc: {  	v3 =	vld [tilespmem:s21+$0x8050];
	_ =	sdelay $0x4  }
0x1fd: {  	[tilespmem:s18+$0x160D0] =	vst v3  }
0x1fe: {  	v3 =	vld [tilespmem:s21+$0x8060];
	_ =	sdelay $0x4  }
0x1ff: {  	[tilespmem:s18+$0x160E0] =	vst v3  }
0x200: {  	s26 =	spop (v2sf);
	v3 =	vld [tilespmem:s21+$0x8070]  }
0x201: {  	p1 =	sne.s32 s26, $0x0;
	s21 =	simm.s32 $0x1  }
0x202: {  	s21 =	simm.s32 @!p1 $0x0  }
0x203: {  	s20 =	sadd.s32 s21, s20  }
0x204: {  	s21 =	sshll.u32 s20, $0x7  }
0x205: {  	s21 =	simm.s32 @!p1 $0x0;
	[tilespmem:s18+$0x160F0] =	vst v3  }
0x206: {  	v3 =	vld [tilespmem:s21+$0x8000];
	_ =	sdelay $0x4  }
0x207: {  	[tilespmem:s18+$0x16100] =	vst v3  }
0x208: {  	v3 =	vld [tilespmem:s21+$0x8010];
	_ =	sdelay $0x4  }
0x209: {  	[tilespmem:s18+$0x16110] =	vst v3  }
0x20a: {  	v3 =	vld [tilespmem:s21+$0x8020];
	_ =	sdelay $0x4  }
0x20b: {  	[tilespmem:s18+$0x16120] =	vst v3  }
0x20c: {  	v3 =	vld [tilespmem:s21+$0x8030];
	_ =	sdelay $0x4  }
0x20d: {  	[tilespmem:s18+$0x16130] =	vst v3  }
0x20e: {  	v3 =	vld [tilespmem:s21+$0x8040];
	_ =	sdelay $0x2  }
0x20f: {  	(v2sf) =	vpush v2, $0x3;
	_ =	sdelay $0x1  }
0x210: {  	[tilespmem:s18+$0x16140] =	vst v3  }
0x211: {  	v3 =	vld [tilespmem:s21+$0x8050];
	_ =	sdelay $0x4  }
0x212: {  	[tilespmem:s18+$0x16150] =	vst v3  }
0x213: {  	v3 =	vld [tilespmem:s21+$0x8060];
	_ =	sdelay $0x4  }
0x214: {  	[tilespmem:s18+$0x16160] =	vst v3  }
0x215: {  	s28 =	spop (v2sf);
	v3 =	vld [tilespmem:s21+$0x8070]  }
0x216: {  	p1 =	sne.s32 s28, $0x0;
	s21 =	simm.s32 $0x1  }
0x217: {  	s21 =	simm.s32 @!p1 $0x0  }
0x218: {  	s20 =	sadd.s32 s21, s20  }
0x219: {  	s21 =	sshll.u32 s20, $0x7  }
0x21a: {  	s21 =	simm.s32 @!p1 $0x0;
	[tilespmem:s18+$0x16170] =	vst v3  }
0x21b: {  	v3 =	vld [tilespmem:s21+$0x8000];
	_ =	sdelay $0x4  }
0x21c: {  	[tilespmem:s18+$0x16180] =	vst v3  }
0x21d: {  	v3 =	vld [tilespmem:s21+$0x8010];
	_ =	sdelay $0x4  }
0x21e: {  	[tilespmem:s18+$0x16190] =	vst v3  }
0x21f: {  	v3 =	vld [tilespmem:s21+$0x8020];
	_ =	sdelay $0x4  }
0x220: {  	[tilespmem:s18+$0x161A0] =	vst v3  }
0x221: {  	v3 =	vld [tilespmem:s21+$0x8030];
	_ =	sdelay $0x4  }
0x222: {  	[tilespmem:s18+$0x161B0] =	vst v3  }
0x223: {  	v3 =	vld [tilespmem:s21+$0x8040];
	_ =	sdelay $0x2  }
0x224: {  	(v2sf) =	vpush v2, $0x4;
	_ =	sdelay $0x1  }
0x225: {  	[tilespmem:s18+$0x161C0] =	vst v3  }
0x226: {  	v3 =	vld [tilespmem:s21+$0x8050];
	_ =	sdelay $0x4  }
0x227: {  	[tilespmem:s18+$0x161D0] =	vst v3  }
0x228: {  	v3 =	vld [tilespmem:s21+$0x8060];
	_ =	sdelay $0x4  }
0x229: {  	[tilespmem:s18+$0x161E0] =	vst v3  }
0x22a: {  	s29 =	spop (v2sf);
	v3 =	vld [tilespmem:s21+$0x8070]  }
0x22b: {  	p1 =	sne.s32 s29, $0x0;
	s21 =	simm.s32 $0x1  }
0x22c: {  	s21 =	simm.s32 @!p1 $0x0  }
0x22d: {  	s20 =	sadd.s32 s21, s20  }
0x22e: {  	s21 =	sshll.u32 s20, $0x7  }
0x22f: {  	s21 =	simm.s32 @!p1 $0x0;
	[tilespmem:s18+$0x161F0] =	vst v3  }
0x230: {  	v3 =	vld [tilespmem:s21+$0x8000];
	_ =	sdelay $0x4  }
0x231: {  	[tilespmem:s18+$0x16200] =	vst v3  }
0x232: {  	v3 =	vld [tilespmem:s21+$0x8010];
	_ =	sdelay $0x4  }
0x233: {  	[tilespmem:s18+$0x16210] =	vst v3  }
0x234: {  	v3 =	vld [tilespmem:s21+$0x8020];
	_ =	sdelay $0x4  }
0x235: {  	[tilespmem:s18+$0x16220] =	vst v3  }
0x236: {  	v3 =	vld [tilespmem:s21+$0x8030];
	_ =	sdelay $0x4  }
0x237: {  	[tilespmem:s18+$0x16230] =	vst v3  }
0x238: {  	v3 =	vld [tilespmem:s21+$0x8040];
	_ =	sdelay $0x2  }
0x239: {  	(v2sf) =	vpush v2, $0x5;
	_ =	sdelay $0x1  }
0x23a: {  	[tilespmem:s18+$0x16240] =	vst v3  }
0x23b: {  	v3 =	vld [tilespmem:s21+$0x8050];
	_ =	sdelay $0x4  }
0x23c: {  	[tilespmem:s18+$0x16250] =	vst v3  }
0x23d: {  	v3 =	vld [tilespmem:s21+$0x8060];
	_ =	sdelay $0x4  }
0x23e: {  	[tilespmem:s18+$0x16260] =	vst v3  }
0x23f: {  	s30 =	spop (v2sf);
	v3 =	vld [tilespmem:s21+$0x8070]  }
0x240: {  	p1 =	sne.s32 s30, $0x0;
	s21 =	simm.s32 $0x1  }
0x241: {  	s21 =	simm.s32 @!p1 $0x0  }
0x242: {  	s20 =	sadd.s32 s21, s20  }
0x243: {  	s21 =	sshll.u32 s20, $0x7  }
0x244: {  	s21 =	simm.s32 @!p1 $0x0;
	[tilespmem:s18+$0x16270] =	vst v3  }
0x245: {  	v3 =	vld [tilespmem:s21+$0x8000];
	_ =	sdelay $0x4  }
0x246: {  	[tilespmem:s18+$0x16280] =	vst v3  }
0x247: {  	v3 =	vld [tilespmem:s21+$0x8010];
	_ =	sdelay $0x4  }
0x248: {  	[tilespmem:s18+$0x16290] =	vst v3  }
0x249: {  	v3 =	vld [tilespmem:s21+$0x8020];
	_ =	sdelay $0x4  }
0x24a: {  	[tilespmem:s18+$0x162A0] =	vst v3  }
0x24b: {  	v3 =	vld [tilespmem:s21+$0x8030];
	_ =	sdelay $0x4  }
0x24c: {  	[tilespmem:s18+$0x162B0] =	vst v3  }
0x24d: {  	v3 =	vld [tilespmem:s21+$0x8040];
	_ =	sdelay $0x1  }
0x24e: {  	(v2sf) =	vpush v2, $0x6;
	_ =	sdelay $0x2  }
0x24f: {  	[tilespmem:s18+$0x162C0] =	vst v3  }
0x250: {  	v3 =	vld [tilespmem:s21+$0x8050];
	_ =	sdelay $0x4  }
0x251: {  	[tilespmem:s18+$0x162D0] =	vst v3  }
0x252: {  	v3 =	vld [tilespmem:s21+$0x8060];
	_ =	sdelay $0x4  }
0x253: {  	s22 =	spop (v2sf);
	[tilespmem:s18+$0x162E0] =	vst v3  }
0x254: {  	p1 =	sne.s32 s22, $0x0;
	v3 =	vld [tilespmem:s21+$0x8070];
	s21 =	simm.s32 $0x1  }
0x255: {  	s21 =	simm.s32 @!p1 $0x0  }
0x256: {  	s20 =	sadd.s32 s21, s20  }
0x257: {  	s20 =	sshll.u32 s20, $0x7  }
0x258: {  	s21 =	smov.u32 s20  }
0x259: {  	[tilespmem:s18+$0x162F0] =	vst v3;
	s21 =	simm.s32 @!p1 $0x0  }
0x25a: {  	v3 =	vld [tilespmem:s21+$0x8000];
	_ =	sdelay $0x4  }
0x25b: {  	[tilespmem:s18+$0x16300] =	vst v3  }
0x25c: {  	v3 =	vld [tilespmem:s21+$0x8010];
	_ =	sdelay $0x4  }
0x25d: {  	[tilespmem:s18+$0x16310] =	vst v3  }
0x25e: {  	v3 =	vld [tilespmem:s21+$0x8020];
	_ =	sdelay $0x4  }
0x25f: {  	[tilespmem:s18+$0x16320] =	vst v3  }
0x260: {  	v3 =	vld [tilespmem:s21+$0x8030];
	_ =	sdelay $0x4  }
0x261: {  	[tilespmem:s18+$0x16330] =	vst v3  }
0x262: {  	v3 =	vld [tilespmem:s21+$0x8040];
	_ =	sdelay $0x4  }
0x263: {  	[tilespmem:s18+$0x16340] =	vst v3  }
0x264: {  	(v2sf) =	vpush v2, $0x7;
	v3 =	vld [tilespmem:s21+$0x8050];
	_ =	sdelay $0x4  }
0x265: {  	[tilespmem:s18+$0x16350] =	vst v3  }
0x266: {  	v2 =	vld [tilespmem:s21+$0x8060];
	_ =	sdelay $0x4  }
0x267: {  	[tilespmem:s18+$0x16360] =	vst v2  }
0x268: {  	v2 =	vld [tilespmem:s21+$0x8070];
	_ =	sdelay $0x2  }
0x269: {  	s31 =	spop (v2sf)  }
0x26a: {  	s20 =	sadd.s32 $0x80, s20;
	p1 =	seq.s32 s31, $0x0  }
0x26b: {  	s20 =	simm.s32 @p1 $0x0;
	[tilespmem:s18+$0x16370] =	vst v2  }
0x26c: {  	v2 =	vld [tilespmem:s20+$0x8000];
	_ =	sdelay $0x4  }
0x26d: {  	[tilespmem:s18+$0x16380] =	vst v2  }
0x26e: {  	v2 =	vld [tilespmem:s20+$0x8010];
	_ =	sdelay $0x4  }
0x26f: {  	[tilespmem:s18+$0x16390] =	vst v2  }
0x270: {  	v2 =	vld [tilespmem:s20+$0x8020];
	_ =	sdelay $0x4  }
0x271: {  	[tilespmem:s18+$0x163A0] =	vst v2  }
0x272: {  	v2 =	vld [tilespmem:s20+$0x8030];
	_ =	sdelay $0x4  }
0x273: {  	[tilespmem:s18+$0x163B0] =	vst v2  }
0x274: {  	v2 =	vld [tilespmem:s20+$0x8040];
	_ =	sdelay $0x4  }
0x275: {  	[tilespmem:s18+$0x163C0] =	vst v2  }
0x276: {  	v2 =	vld [tilespmem:s20+$0x8050];
	_ =	sdelay $0x4  }
0x277: {  	[tilespmem:s18+$0x163D0] =	vst v2  }
0x278: {  	v2 =	vld [tilespmem:s20+$0x8060];
	_ =	sdelay $0x4  }
0x279: {  	[tilespmem:s18+$0x163E0] =	vst v2  }
0x27a: {  	v2 =	vld [tilespmem:s20+$0x8070];
	_ =	sdelay $0x1  }
.Ltmp6:
0x27b: {  	_ = 	snop;
	(pc) =	sbr.rel .LBB2_7-.Ltmp6, $3  }
0x27c: {  	_ =	sdelay $0x1  }
0x27d: {  	s17 =	sadd.s32 s3, s17;
	[tilespmem:s18+$0x163F0] =	vst v2  }
0x27e: {  	[hbm4b:s17+s5] =	stream.linear.scatter [tilespmem:s19], [sflag:$0x2], $0x6400, $0x38;
	[tilespmem:$0x1C800] =	vst v63  }
.LBB2_8:
0x27f: {  	p0 =	sgt.s32 s15, $0x0  }
.Ltmp7:
0x280: {  	_ = 	snop;
	(pc) =	sbr.rel @!p0 .LBB2_12-.Ltmp7, $2  }
0x281: {  	_ =	sdelay $0x2  }
0x282: {  	s16 =	simm.s32 $0x0  }
0x283: {  	s16 =	sadd.s32 $0x1, s16  }
0x284: {  	p0 =	slt.s32 s16, s15  }
.Ltmp8:
0x285: {  	_ = 	snop;
	(pc) =	sbr.rel @!p0 .LBB2_11-.Ltmp8, $3  }
0x286: {  	_ =	sdelay $0x1  }
0x287: {  	_ =	swait.ge [sflag:s11], $0x6400  }
0x288: {  	[sflag:s11] =	ssyncset.done $0x0  }
.LBB2_10:
0x289: {  	s16 =	sadd.s32 $0x1, s16  }
0x28a: {  	[sflag:s11] =	ssyncadd.s32 $0xFFFF9C00;
	p0 =	slt.s32 s16, s15  }
.Ltmp9:
0x28b: {  	(pc) =	sbr.rel @p0 .LBB2_10-.Ltmp9, $3  }
0x28c: {  	_ =	sdelay $0x1  }
0x28d: {  	_ =	swait.ge [sflag:s11], $0x6400  }
0x28e: {  	[sflag:s11] =	ssyncset.done $0x0  }
.LBB2_11:
0x28f: {  	[sflag:s11] =	ssyncadd.s32 $0xFFFF9C00  }
.LBB2_12:
0x290: {  	p0 =	slt.s32 s14, $0x1  }
.Ltmp10:
0x291: {  	_ = 	snop;
	(pc) =	sbr.rel @p0 .LBB2_16-.Ltmp10, $1  }
0x292: {  	_ =	sdelay $0x3  }
0x293: {  	s14 =	smin.u32 s14, $0x2  }
0x294: {  	p0 =	sne.s32 s14, $0x1  }
.Ltmp11:
0x295: {  	_ = 	snop;
	(pc) =	sbr.rel @!p0 .LBB2_15-.Ltmp11, $3  }
0x296: {  	_ =	sdelay $0x1  }
0x297: {  	_ =	swait.ge [sflag:s12], $0x6400  }
0x298: {  	s14 =	sadd.s32 $0xFFFFFFFF, s14;
	[sflag:s12] =	ssyncset.done $0x0  }
.LBB2_14:
0x299: {  	p0 =	sne.s32 s14, $0x1;
	s14 =	sadd.s32 $0xFFFFFFFF, s14;
	[sflag:s12] =	ssyncadd.s32 $0xFFFF9C00  }
.Ltmp12:
0x29a: {  	(pc) =	sbr.rel @p0 .LBB2_14-.Ltmp12, $3  }
0x29b: {  	_ =	sdelay $0x1  }
0x29c: {  	_ =	swait.ge [sflag:s12], $0x6400  }
0x29d: {  	[sflag:s12] =	ssyncset.done $0x0  }
.Ltmp13:
0x29e: {  	_ = 	snop;
	(pc) =	sbr.rel .LBB2_15-.Ltmp13, $1  }
0x29f: {  	_ =	sdelay $0x3  }
.LBB2_17:
0x2a0: {  	_ =	sfence.sel $0x180000  }
0x2a1: {  	[bflag:$0x0] =	sbarrier.arrive $0xFFFF  }
0x2a2: {  	p0 =	sne.s32 s0, $0x0;
	_ =	strace $0x90000047  }
0x2a3: {  	s0 =	sadd.s32 @!p0 $0x100000, s2;
	[bflag:$0x2] =	sbarrier.arrive $0xFFFF  }
0x2a4: {  	[sflag:s0] =	ssyncadd.tile.s32 @!p0 $0x1;
	_ =	shalt  }
.Lfunc_end2:
_tile_overlayer_lowered:
.L_overlay_start_2:
0x2a5: {  	(tag) =	ssettag $0x2  }
0x2a6: {  	s0 =	rddreg [dreg:$0x0];
	s2 =	stileid.u32  }
0x2a7: {  	s1 =	rddreg [dreg:$0x1];
	p0 =	sne.s32 s2, $0x0  }
0x2a8: {  	s3 =	rddreg [dreg:$0x2];
	[bflag:$0x3] =	sbarrier.arrive $0xFFFF;
	s2 =	simm.s32 @!p0 $0x1C03  }
0x2a9: {  	[timem:s3], [sflag:s2] =	dma.local @!p0 [hbm:s0], s1  }
0x2aa: {  	s0 =	simm.s32 @!p0 $0x3  }
0x2ab: {  	_ =	swait.ge @!p0 [sflag:s0], s1  }
0x2ac: {  	s1 =	ssub.s32 @!p0 $0x0, s1;
	[sflag:s0] =	ssyncset.done @!p0 $0x0  }
0x2ad: {  	[sflag:s0] =	ssyncadd.s32 @!p0 s1  }
0x2ae: {  	[bflag:$0x3] =	sbarrier.arrive $0xFFFF  }
0x2af: {  	_ =	shalt  }

</sc_bundles>
